<compile_context>
chip_gen: v7x
topology: tpu7x:2x2x1
jax: 0.10.2.dev20260603
libtpu: 0.0.44.dev20260713+nightly
codegen_flags: <defaults>
</compile_context>

<pallas_src>
import functools

import jax
import jax.numpy as jnp
from jax import lax
from jax.experimental import pallas as pl
from jax.experimental.pallas import tpu as pltpu
from jax.experimental.pallas import tpu_sc as plsc

N = 10000
E = 320000
D = 128
G = 128

_NW = 32
_CH = 128
_NCHUNK = E // _CH
_MAXC = 80
_NPAD = 10240
_RPT = _NPAD // 16


def _sc_agg_body(h_hbm, src_hbm, dst_hbm, out0_hbm, out1_hbm,
                 sidx, d0, d1, r0, r1, acc,
                 ism, g0, g1, s0, s1, q0, q1):
    c = lax.axis_index("c")
    s = lax.axis_index("s")
    wid = s * 2 + c
    nw = jnp.where(wid < 2, _MAXC, 78)
    ebase = (78 * wid + 2 * jnp.minimum(wid, 2)) * _CH
    rows = [r0, r1]
    didx = [d0, d1]
    gsem = [g0, g1]
    ssem = [s0, s1]
    dsem = [q0, q1]

    pltpu.async_copy(src_hbm.at[pl.ds(ebase, 78 * _CH)],
                     sidx.at[pl.ds(0, 78 * _CH)], ism).wait()

    @pl.when(wid < 2)
    def _():
        pltpu.async_copy(src_hbm.at[pl.ds(ebase + 78 * _CH, 2 * _CH)],
                         sidx.at[pl.ds(78 * _CH, 2 * _CH)], ism).wait()

    def zb(r, carry):
        for c8 in range(8):
            r0[r, pl.ds(c8 * 16, 16)] = jnp.zeros((16,), jnp.float32)
        return carry
    lax.fori_loop(0, _CH, zb, None)
    for r in range(_RPT // _CH):
        pltpu.sync_copy(r0, acc.at[pl.ds(s * _RPT + r * _CH, _CH)])
    plsc.subcore_barrier()

    def issue_chunk(k, j):
        pltpu.async_copy(dst_hbm.at[pl.ds(ebase + k * _CH, _CH)],
                         didx[j], dsem[j])
        pltpu.async_copy(h_hbm.at[sidx.at[pl.ds(k * _CH, _CH)]],
                         rows[j], gsem[j])

    def issue_scatter(j):
        pltpu.async_copy(rows[j], acc.at[didx[j]], ssem[j], add=True)

    def wait_chunk(j):
        pltpu.make_async_copy(dst_hbm.at[pl.ds(0, _CH)], didx[j],
                              dsem[j]).wait()
        pltpu.make_async_copy(h_hbm.at[sidx.at[pl.ds(0, _CH)]], rows[j],
                              gsem[j]).wait()

    def wait_scatter(j):
        pltpu.make_async_copy(rows[j], acc.at[didx[j]], ssem[j]).wait()

    issue_chunk(0, 0)

    def step(i, carry):
        for j in range(2):
            k = 2 * i + j
            jn = (j + 1) % 2

            @pl.when(k >= 1)
            def _():
                wait_scatter(jn)

            @pl.when(k + 1 < nw)
            def _():
                issue_chunk(k + 1, jn)

            wait_chunk(j)
            issue_scatter(j)
        return carry
    lax.fori_loop(0, nw // 2, step, None)
    wait_scatter(1)

    plsc.subcore_barrier()

    @pl.when(c == 0)
    def _():
        pltpu.sync_copy(acc.at[pl.ds(s * _RPT, _RPT)],
                        out0_hbm.at[pl.ds(s * _RPT, _RPT)])

    @pl.when(c == 1)
    def _():
        pltpu.sync_copy(acc.at[pl.ds(s * _RPT, _RPT)],
                        out1_hbm.at[pl.ds(s * _RPT, _RPT)])


@functools.cache
def _get_sc_agg():
  return pl.kernel(
    _sc_agg_body,
    out_type=[jax.ShapeDtypeStruct((_NPAD, D), jnp.float32),
              jax.ShapeDtypeStruct((_NPAD, D), jnp.float32)],
    mesh=plsc.VectorSubcoreMesh(core_axis_name="c", subcore_axis_name="s",
                                num_cores=2, num_subcores=16),
    scratch_types=[
        pltpu.VMEM((_MAXC * _CH,), jnp.int32),
        pltpu.VMEM((_CH,), jnp.int32),
        pltpu.VMEM((_CH,), jnp.int32),
        pltpu.VMEM((_CH, D), jnp.float32),
        pltpu.VMEM((_CH, D), jnp.float32),
        pltpu.VMEM_SHARED((_NPAD, D), jnp.float32),
        pltpu.SemaphoreType.DMA,
        pltpu.SemaphoreType.DMA,
        pltpu.SemaphoreType.DMA,
        pltpu.SemaphoreType.DMA,
        pltpu.SemaphoreType.DMA,
        pltpu.SemaphoreType.DMA,
        pltpu.SemaphoreType.DMA,
    ],
  )

_BN = 2000
_NB = N // _BN
_PREC = lax.Precision.DEFAULT


def _mlp_phase0(h_ref, a0_ref, a1_ref, w1_ref, b1_ref, w2_ref, b2_ref,
                h2buf, sum_ref, sq_ref, j):
    hin = h_ref[...] + a0_ref[...] + a1_ref[...]
    z = jnp.dot(hin, w1_ref[...], precision=_PREC,
                preferred_element_type=jnp.float32) + b1_ref[...]
    z = jnp.maximum(z, 0.0)
    h2 = jnp.dot(z, w2_ref[...], precision=_PREC,
                 preferred_element_type=jnp.float32) + b2_ref[...]
    h2 = jnp.maximum(h2, 0.0)
    h2buf[pl.ds(j * _BN, _BN), :] = h2
    ps = jnp.sum(h2, axis=0, keepdims=True)
    pq = jnp.sum(h2 * h2, axis=0, keepdims=True)

    @pl.when(j == 0)
    def _():
        sum_ref[...] = ps
        sq_ref[...] = pq

    @pl.when(j != 0)
    def _():
        sum_ref[...] += ps
        sq_ref[...] += pq


def _bn_scale(sum_ref, sq_ref, g_ref):
    mean = sum_ref[...] * (1.0 / N)
    var = sq_ref[...] * (1.0 / N) - mean * mean
    inv = lax.rsqrt(var + 1e-5) * g_ref[...]
    return mean, inv


def _mlpnorm_body(h_ref, a0_ref, a1_ref, w1_ref, b1_ref, w2_ref, b2_ref,
                  g_ref, be_ref, out_ref, h2buf, sum_ref, sq_ref):
    p = pl.program_id(0)
    j = pl.program_id(1)

    @pl.when(p == 0)
    def _():
        _mlp_phase0(h_ref, a0_ref, a1_ref, w1_ref, b1_ref, w2_ref, b2_ref,
                    h2buf, sum_ref, sq_ref, j)

    @pl.when(p == 1)
    def _():
        mean, inv = _bn_scale(sum_ref, sq_ref, g_ref)
        out_ref[...] = (h2buf[pl.ds(j * _BN, _BN), :] - mean) * inv \
            + be_ref[...]


_row_p0 = pl.BlockSpec((_BN, D), lambda p, j: (j * (1 - p) + (_NB - 1) * p, 0))
_w_spec = pl.BlockSpec((D, D), lambda p, j: (0, 0))
_v_spec = pl.BlockSpec((1, D), lambda p, j: (0, 0))
_row_p1 = pl.BlockSpec((_BN, D), lambda p, j: (j * p, 0))

_mlpnorm = pl.pallas_call(
    _mlpnorm_body,
    grid=(2, _NB),
    in_specs=[_row_p0, _row_p0, _row_p0, _w_spec, _v_spec, _w_spec, _v_spec,
              _v_spec, _v_spec],
    out_specs=_row_p1,
    out_shape=jax.ShapeDtypeStruct((N, D), jnp.float32),
    scratch_shapes=[
        pltpu.VMEM((N, D), jnp.float32),
        pltpu.VMEM((1, D), jnp.float32),
        pltpu.VMEM((1, D), jnp.float32),
    ],
)



def _mlppool_body(h_ref, a0_ref, a1_ref, w1_ref, b1_ref, w2_ref, b2_ref,
                  g_ref, be_ref, batch_ref, out_ref,
                  h2buf, sum_ref, sq_ref, acc, cnt):
    p = pl.program_id(0)
    j = pl.program_id(1)

    @pl.when(p == 0)
    def _():
        _mlp_phase0(h_ref, a0_ref, a1_ref, w1_ref, b1_ref, w2_ref, b2_ref,
                    h2buf, sum_ref, sq_ref, j)

    @pl.when(p == 1)
    def _():
        mean, inv = _bn_scale(sum_ref, sq_ref, g_ref)
        y = (h2buf[pl.ds(j * _BN, _BN), :] - mean) * inv + be_ref[...]

        @pl.when(j == 0)
        def _():
            acc[...] = jnp.zeros_like(acc)
            cnt[...] = jnp.zeros_like(cnt)

        bvec = batch_ref[0, 0, :]
        oh = (bvec[:, None] == lax.broadcasted_iota(jnp.int32, (_BN, G), 1)
              ).astype(jnp.float32)
        acc[...] += lax.dot_general(oh, y, (((0,), (0,)), ((), ())),
                                    precision=_PREC,
                                    preferred_element_type=jnp.float32)
        cnt[...] += lax.dot_general(oh, jnp.ones((_BN, 8), jnp.float32),
                                    (((0,), (0,)), ((), ())),
                                    precision=_PREC,
                                    preferred_element_type=jnp.float32)

        @pl.when(j == _NB - 1)
        def _():
            out_ref[...] = acc[...] / jnp.maximum(cnt[...][:, :1], 1.0)


_mlppool = pl.pallas_call(
    _mlppool_body,
    grid=(2, _NB),
    in_specs=[_row_p0, _row_p0, _row_p0, _w_spec, _v_spec, _w_spec, _v_spec,
              _v_spec, _v_spec,
              pl.BlockSpec((1, 1, _BN), lambda p, j: (j * p, 0, 0))],
    out_specs=pl.BlockSpec((G, G), lambda p, j: (0, 0)),
    out_shape=jax.ShapeDtypeStruct((G, G), jnp.float32),
    scratch_shapes=[
        pltpu.VMEM((N, D), jnp.float32),
        pltpu.VMEM((1, D), jnp.float32),
        pltpu.VMEM((1, D), jnp.float32),
        pltpu.VMEM((G, G), jnp.float32),
        pltpu.VMEM((G, 8), jnp.float32),
    ],
)



@jax.jit
def kernel(x, edge_index, batch, params):
    src = edge_index[0]
    dst = edge_index[1]
    batch3 = batch.reshape(_NB, 1, _BN)
    h = x
    for l, (W1, b1, W2, b2, gamma, beta) in enumerate(params):
        agg_a, agg_b = _get_sc_agg()(h, src, dst)
        args = (h, agg_a, agg_b, W1, b1.reshape(1, D), W2, b2.reshape(1, D),
                gamma.reshape(1, D), beta.reshape(1, D))
        if l < len(params) - 1:
            h = _mlpnorm(*args)
        else:
            return _mlppool(*args, batch3)

# --- scband reference (transcript-rebuilt; emitter-appended) ---
"""Pipeline reference for scband-net-46608985096658 (READ-ONLY COPY).

The authoritative reference and input builder live on the scoring server;
editing this copy changes nothing except your own understanding.
"""

import jax, jax.numpy as jnp
import numpy as np

N_NODES = 10000
N_EDGES = 320000
D_FEAT = 128
HID = 128
N_GRAPHS = 128
N_LAYERS = 3


def _make_params(key):
    params = []
    d_in = D_FEAT
    for l in range(N_LAYERS):
        k1, k2, key = jax.random.split(key, 3)
        W1 = jax.random.normal(k1, (d_in, HID), dtype=jnp.float32) * (1.0 / np.sqrt(d_in))
        b1 = jnp.zeros((HID,), dtype=jnp.float32)
        W2 = jax.random.normal(k2, (HID, HID), dtype=jnp.float32) * (1.0 / np.sqrt(HID))
        b2 = jnp.zeros((HID,), dtype=jnp.float32)
        gamma = jnp.ones((HID,), dtype=jnp.float32)
        beta = jnp.zeros((HID,), dtype=jnp.float32)
        params.append((W1, b1, W2, b2, gamma, beta))
        d_in = HID
    return params


def setup_inputs(seed: int = 0):
    key = jax.random.key(seed)
    kx, ke, kb, kp = jax.random.split(key, 4)
    x = jax.random.normal(kx, (N_NODES, D_FEAT), dtype=jnp.float32)
    edge_index = jax.random.randint(ke, (2, N_EDGES), 0, N_NODES, dtype=jnp.int32)
    batch = jnp.sort(jax.random.randint(kb, (N_NODES,), 0, N_GRAPHS, dtype=jnp.int32))
    params = _make_params(kp)
    return {"x": x, "edge_index": edge_index, "batch": batch, "params": params}


def _gin_layer(x, src, dst, p):
    # GINConv with train_eps=False (eps=0): h_i = MLP(x_i + sum_{j->i} x_j)
    W1, b1, W2, b2, gamma, beta = p
    agg = jax.ops.segment_sum(x[src], dst, num_segments=x.shape[0])
    h = x + agg
    # MLP: Linear -> ReLU -> Linear -> ReLU -> BatchNorm1d (training-mode batch stats)
    h = jax.nn.relu(h @ W1 + b1)
    h = jax.nn.relu(h @ W2 + b2)
    mean = jnp.mean(h, axis=0)
    var = jnp.var(h, axis=0)
    h = (h - mean) / jnp.sqrt(var + 1e-5) * gamma + beta
    return h


def reference(x, edge_index, batch, params):
    # Net.forward message-passing core: x = conv1(x, edge_index); for conv in convs: x = conv(x, edge_index)
    # followed by global_mean_pool(x, data.batch).
    src = edge_index[0]
    dst = edge_index[1]
    h = x
    for p in params:
        h = _gin_layer(h, src, dst, p)
    ones = jnp.ones((h.shape[0],), dtype=h.dtype)
    counts = jax.ops.segment_sum(ones, batch, num_segments=N_GRAPHS)
    pooled = jax.ops.segment_sum(h, batch, num_segments=N_GRAPHS) / jnp.maximum(counts, 1.0)[:, None]
    return pooled

if __name__ == "__main__":
    import jax
    _d = setup_inputs()
    print(jax.jit(kernel)(*tuple(_d.values())))

</pallas_src>

<mosaic_0001>
#map = affine_map<(d0, d1) -> (0, 0)>
#map1 = affine_map<(d0, d1) -> (0)>
module attributes {stable_mosaic.version = 14 : i64} {
  func.func @_sc_agg_body(%arg0: i32, %arg1: i32, %arg2: memref<10000x128xf32, #tpu.memory_space<hbm>>, %arg3: memref<320000xi32, #tpu.memory_space<hbm>>, %arg4: memref<320000xi32, #tpu.memory_space<hbm>>, %arg5: memref<10240x128xf32, #tpu.memory_space<hbm>>, %arg6: memref<10240x128xf32, #tpu.memory_space<hbm>>, %arg7: memref<10240xi32, #tpu.memory_space<vmem>>, %arg8: memref<128xi32, #tpu.memory_space<vmem>>, %arg9: memref<128xi32, #tpu.memory_space<vmem>>, %arg10: memref<128x128xf32, #tpu.memory_space<vmem>>, %arg11: memref<128x128xf32, #tpu.memory_space<vmem>>, %arg12: memref<10240x128xf32, #tpu.memory_space<vmem_shared>>, %arg13: memref<!tpu.dma_semaphore, #tpu.memory_space<semaphore_mem>>, %arg14: memref<!tpu.dma_semaphore, #tpu.memory_space<semaphore_mem>>, %arg15: memref<!tpu.dma_semaphore, #tpu.memory_space<semaphore_mem>>, %arg16: memref<!tpu.dma_semaphore, #tpu.memory_space<semaphore_mem>>, %arg17: memref<!tpu.dma_semaphore, #tpu.memory_space<semaphore_mem>>, %arg18: memref<!tpu.dma_semaphore, #tpu.memory_space<semaphore_mem>>, %arg19: memref<!tpu.dma_semaphore, #tpu.memory_space<semaphore_mem>>) attributes {dimension_semantics = [#tpu.dimension_semantics<core_parallel>, #tpu.dimension_semantics<subcore_parallel>], iteration_bounds = array<i64: 2, 16>, scalar_prefetch = 0 : i64, scratch_operands = 13 : i64, tpu.core_type = #tpu.core_type<sc_vector_subcore>, window_params = [{transform_indices = #map}, {transform_indices = #map1}, {transform_indices = #map1}, {transform_indices = #map}, {transform_indices = #map}]} {
    %mul3A = arith.constant 2 : i32
    %mul3A_0 = arith.muli %arg1, %mul3A : i32
    %add3A = arith.addi %mul3A_0, %arg0 : i32
    %lt3A = arith.constant 2 : i32
    %lt3A_1 = arith.cmpi slt, %add3A, %lt3A : i32
    %jit3A = arith.constant 80 : i32
    %jit3A_2 = arith.constant 78 : i32
    %select_n3A = arith.select %lt3A_1, %jit3A, %jit3A_2 : i32
    %mul3A_3 = arith.constant 78 : i32
    %mul3A_4 = arith.muli %mul3A_3, %add3A : i32
    %min3A = arith.constant 2 : i32
    %min3A_5 = arith.minsi %add3A, %min3A : i32
    %mul3A_6 = arith.constant 2 : i32
    %mul3A_7 = arith.muli %mul3A_6, %min3A_5 : i32
    %add3A_8 = arith.addi %mul3A_4, %mul3A_7 : i32
    %mul3A_9 = arith.constant 128 : i32
    %mul3A_10 = arith.muli %add3A_8, %mul3A_9 : i32
    %dma_start3A = arith.constant 0 : i32
    %dma_start3A_11 = tpu.memref_slice %arg7[%dma_start3A] : memref<10240xi32, #tpu.memory_space<vmem>> -> memref<9984xi32, #tpu.memory_space<vmem>>
    %dma_start3A_12 = tpu.memref_slice %arg3[%mul3A_10] : memref<320000xi32, #tpu.memory_space<hbm>> -> memref<9984xi32, #tpu.memory_space<hbm>>
    %dma_start3A_13 = arith.constant 0 : i32
    %dma_start3A_14 = tpu.memref_slice %arg7[%dma_start3A_13] : memref<10240xi32, #tpu.memory_space<vmem>> -> memref<9984xi32, #tpu.memory_space<vmem>>
    %dma_start3A_15 = tpu.memref_slice %arg3[%mul3A_10] : memref<320000xi32, #tpu.memory_space<hbm>> -> memref<9984xi32, #tpu.memory_space<hbm>>
    tpu.enqueue_dma source(%dma_start3A_15 : memref<9984xi32, #tpu.memory_space<hbm>>) target(%dma_start3A_14 : memref<9984xi32, #tpu.memory_space<vmem>>) target_semaphore(%arg13 : memref<!tpu.dma_semaphore, #tpu.memory_space<semaphore_mem>>)
    %dma_wait3A = arith.constant 0 : i32
    %dma_wait3A_16 = tpu.memref_slice %arg7[%dma_wait3A] : memref<10240xi32, #tpu.memory_space<vmem>> -> memref<9984xi32, #tpu.memory_space<vmem>>
    %dma_wait3A_17 = tpu.memref_slice %arg3[%mul3A_10] : memref<320000xi32, #tpu.memory_space<hbm>> -> memref<9984xi32, #tpu.memory_space<hbm>>
    %dma_wait3A_18 = arith.constant 0 : i32
    %dma_wait3A_19 = tpu.memref_slice %arg7[%dma_wait3A_18] : memref<10240xi32, #tpu.memory_space<vmem>> -> memref<9984xi32, #tpu.memory_space<vmem>>
    %dma_wait3A_20 = tpu.memref_slice %arg3[%mul3A_10] : memref<320000xi32, #tpu.memory_space<hbm>> -> memref<9984xi32, #tpu.memory_space<hbm>>
    tpu.wait_dma2 semaphore(%arg13 : memref<!tpu.dma_semaphore, #tpu.memory_space<semaphore_mem>>) src(%dma_wait3A_20 : memref<9984xi32, #tpu.memory_space<hbm>>) dst(%dma_wait3A_19 : memref<9984xi32, #tpu.memory_space<vmem>>)
    %lt3A_21 = arith.constant 2 : i32
    %lt3A_22 = arith.cmpi slt, %add3A, %lt3A_21 : i32
    %convert_element_type3A = arith.extui %lt3A_22 : i1 to i32
    %cond3A = arith.constant 0 : i32
    %cond3A_23 = arith.cmpi ne, %convert_element_type3A, %cond3A : i32
    scf.if %cond3A_23 {
      %add3A_96 = arith.constant 9984 : i32
      %add3A_97 = arith.addi %mul3A_10, %add3A_96 : i32
      %dma_start3A_98 = arith.constant 9984 : i32
      %dma_start3A_99 = tpu.memref_slice %arg7[%dma_start3A_98] : memref<10240xi32, #tpu.memory_space<vmem>> -> memref<256xi32, #tpu.memory_space<vmem>>
      %dma_start3A_100 = tpu.memref_slice %arg3[%add3A_97] : memref<320000xi32, #tpu.memory_space<hbm>> -> memref<256xi32, #tpu.memory_space<hbm>>
      %dma_start3A_101 = arith.constant 9984 : i32
      %dma_start3A_102 = tpu.memref_slice %arg7[%dma_start3A_101] : memref<10240xi32, #tpu.memory_space<vmem>> -> memref<256xi32, #tpu.memory_space<vmem>>
      %dma_start3A_103 = tpu.memref_slice %arg3[%add3A_97] : memref<320000xi32, #tpu.memory_space<hbm>> -> memref<256xi32, #tpu.memory_space<hbm>>
      tpu.enqueue_dma source(%dma_start3A_103 : memref<256xi32, #tpu.memory_space<hbm>>) target(%dma_start3A_102 : memref<256xi32, #tpu.memory_space<vmem>>) target_semaphore(%arg13 : memref<!tpu.dma_semaphore, #tpu.memory_space<semaphore_mem>>)
      %dma_wait3A_104 = arith.constant 9984 : i32
      %dma_wait3A_105 = tpu.memref_slice %arg7[%dma_wait3A_104] : memref<10240xi32, #tpu.memory_space<vmem>> -> memref<256xi32, #tpu.memory_space<vmem>>
      %dma_wait3A_106 = tpu.memref_slice %arg3[%add3A_97] : memref<320000xi32, #tpu.memory_space<hbm>> -> memref<256xi32, #tpu.memory_space<hbm>>
      %dma_wait3A_107 = arith.constant 9984 : i32
      %dma_wait3A_108 = tpu.memref_slice %arg7[%dma_wait3A_107] : memref<10240xi32, #tpu.memory_space<vmem>> -> memref<256xi32, #tpu.memory_space<vmem>>
      %dma_wait3A_109 = tpu.memref_slice %arg3[%add3A_97] : memref<320000xi32, #tpu.memory_space<hbm>> -> memref<256xi32, #tpu.memory_space<hbm>>
      tpu.wait_dma2 semaphore(%arg13 : memref<!tpu.dma_semaphore, #tpu.memory_space<semaphore_mem>>) src(%dma_wait3A_109 : memref<256xi32, #tpu.memory_space<hbm>>) dst(%dma_wait3A_108 : memref<256xi32, #tpu.memory_space<vmem>>)
    } else {
    }
    %scan3A = arith.constant 0 : i32
    %scan3A_24 = arith.constant 128 : i32
    %scan3A_25 = arith.addi %scan3A, %scan3A_24 : i32
    %scan3A_26 = arith.constant 1 : i32
    scf.for %scan3A_96 = %scan3A to %scan3A_25 step %scan3A_26  : i32 {
      %broadcast_in_dim3A = arith.constant 0.000000e+00 : f32
      %broadcast_in_dim3A_97 = vector.broadcast %broadcast_in_dim3A : f32 to vector<16xf32>
      %swap3A = arith.index_cast %scan3A_96 : i32 to index
      %swap3A_98 = arith.constant 0 : index
      %swap3A_99 = tpu.vector_load %arg10[%swap3A, %swap3A_98] {strides = array<i32>} : memref<128x128xf32, #tpu.memory_space<vmem>>, vector<1x16xf32>,
      %swap3A_100 = vector.shape_cast %swap3A_99 : vector<1x16xf32> to vector<16xf32>
      %swap3A_101 = vector.shape_cast %broadcast_in_dim3A_97 : vector<16xf32> to vector<1x16xf32>
      tpu.vector_store %arg10[%swap3A, %swap3A_98], %swap3A_101 {strides = array<i32>} : memref<128x128xf32, #tpu.memory_space<vmem>>, vector<1x16xf32>,
      %broadcast_in_dim3A_102 = arith.constant 0.000000e+00 : f32
      %broadcast_in_dim3A_103 = vector.broadcast %broadcast_in_dim3A_102 : f32 to vector<16xf32>
      %swap3A_104 = arith.index_cast %scan3A_96 : i32 to index
      %swap3A_105 = arith.constant 16 : index
      %swap3A_106 = tpu.vector_load %arg10[%swap3A_104, %swap3A_105] {strides = array<i32>} : memref<128x128xf32, #tpu.memory_space<vmem>>, vector<1x16xf32>,
      %swap3A_107 = vector.shape_cast %swap3A_106 : vector<1x16xf32> to vector<16xf32>
      %swap3A_108 = vector.shape_cast %broadcast_in_dim3A_103 : vector<16xf32> to vector<1x16xf32>
      tpu.vector_store %arg10[%swap3A_104, %swap3A_105], %swap3A_108 {strides = array<i32>} : memref<128x128xf32, #tpu.memory_space<vmem>>, vector<1x16xf32>,
      %broadcast_in_dim3A_109 = arith.constant 0.000000e+00 : f32
      %broadcast_in_dim3A_110 = vector.broadcast %broadcast_in_dim3A_109 : f32 to vector<16xf32>
      %swap3A_111 = arith.index_cast %scan3A_96 : i32 to index
      %swap3A_112 = arith.constant 32 : index
      %swap3A_113 = tpu.vector_load %arg10[%swap3A_111, %swap3A_112] {strides = array<i32>} : memref<128x128xf32, #tpu.memory_space<vmem>>, vector<1x16xf32>,
      %swap3A_114 = vector.shape_cast %swap3A_113 : vector<1x16xf32> to vector<16xf32>
      %swap3A_115 = vector.shape_cast %broadcast_in_dim3A_110 : vector<16xf32> to vector<1x16xf32>
      tpu.vector_store %arg10[%swap3A_111, %swap3A_112], %swap3A_115 {strides = array<i32>} : memref<128x128xf32, #tpu.memory_space<vmem>>, vector<1x16xf32>,
      %broadcast_in_dim3A_116 = arith.constant 0.000000e+00 : f32
      %broadcast_in_dim3A_117 = vector.broadcast %broadcast_in_dim3A_116 : f32 to vector<16xf32>
      %swap3A_118 = arith.index_cast %scan3A_96 : i32 to index
      %swap3A_119 = arith.constant 48 : index
      %swap3A_120 = tpu.vector_load %arg10[%swap3A_118, %swap3A_119] {strides = array<i32>} : memref<128x128xf32, #tpu.memory_space<vmem>>, vector<1x16xf32>,
      %swap3A_121 = vector.shape_cast %swap3A_120 : vector<1x16xf32> to vector<16xf32>
      %swap3A_122 = vector.shape_cast %broadcast_in_dim3A_117 : vector<16xf32> to vector<1x16xf32>
      tpu.vector_store %arg10[%swap3A_118, %swap3A_119], %swap3A_122 {strides = array<i32>} : memref<128x128xf32, #tpu.memory_space<vmem>>, vector<1x16xf32>,
      %broadcast_in_dim3A_123 = arith.constant 0.000000e+00 : f32
      %broadcast_in_dim3A_124 = vector.broadcast %broadcast_in_dim3A_123 : f32 to vector<16xf32>
      %swap3A_125 = arith.index_cast %scan3A_96 : i32 to index
      %swap3A_126 = arith.constant 64 : index
      %swap3A_127 = tpu.vector_load %arg10[%swap3A_125, %swap3A_126] {strides = array<i32>} : memref<128x128xf32, #tpu.memory_space<vmem>>, vector<1x16xf32>,
      %swap3A_128 = vector.shape_cast %swap3A_127 : vector<1x16xf32> to vector<16xf32>
      %swap3A_129 = vector.shape_cast %broadcast_in_dim3A_124 : vector<16xf32> to vector<1x16xf32>
      tpu.vector_store %arg10[%swap3A_125, %swap3A_126], %swap3A_129 {strides = array<i32>} : memref<128x128xf32, #tpu.memory_space<vmem>>, vector<1x16xf32>,
      %broadcast_in_dim3A_130 = arith.constant 0.000000e+00 : f32
      %broadcast_in_dim3A_131 = vector.broadcast %broadcast_in_dim3A_130 : f32 to vector<16xf32>
      %swap3A_132 = arith.index_cast %scan3A_96 : i32 to index
      %swap3A_133 = arith.constant 80 : index
      %swap3A_134 = tpu.vector_load %arg10[%swap3A_132, %swap3A_133] {strides = array<i32>} : memref<128x128xf32, #tpu.memory_space<vmem>>, vector<1x16xf32>,
      %swap3A_135 = vector.shape_cast %swap3A_134 : vector<1x16xf32> to vector<16xf32>
      %swap3A_136 = vector.shape_cast %broadcast_in_dim3A_131 : vector<16xf32> to vector<1x16xf32>
      tpu.vector_store %arg10[%swap3A_132, %swap3A_133], %swap3A_136 {strides = array<i32>} : memref<128x128xf32, #tpu.memory_space<vmem>>, vector<1x16xf32>,
      %broadcast_in_dim3A_137 = arith.constant 0.000000e+00 : f32
      %broadcast_in_dim3A_138 = vector.broadcast %broadcast_in_dim3A_137 : f32 to vector<16xf32>
      %swap3A_139 = arith.index_cast %scan3A_96 : i32 to index
      %swap3A_140 = arith.constant 96 : index
      %swap3A_141 = tpu.vector_load %arg10[%swap3A_139, %swap3A_140] {strides = array<i32>} : memref<128x128xf32, #tpu.memory_space<vmem>>, vector<1x16xf32>,
      %swap3A_142 = vector.shape_cast %swap3A_141 : vector<1x16xf32> to vector<16xf32>
      %swap3A_143 = vector.shape_cast %broadcast_in_dim3A_138 : vector<16xf32> to vector<1x16xf32>
      tpu.vector_store %arg10[%swap3A_139, %swap3A_140], %swap3A_143 {strides = array<i32>} : memref<128x128xf32, #tpu.memory_space<vmem>>, vector<1x16xf32>,
      %broadcast_in_dim3A_144 = arith.constant 0.000000e+00 : f32
      %broadcast_in_dim3A_145 = vector.broadcast %broadcast_in_dim3A_144 : f32 to vector<16xf32>
      %swap3A_146 = arith.index_cast %scan3A_96 : i32 to index
      %swap3A_147 = arith.constant 112 : index
      %swap3A_148 = tpu.vector_load %arg10[%swap3A_146, %swap3A_147] {strides = array<i32>} : memref<128x128xf32, #tpu.memory_space<vmem>>, vector<1x16xf32>,
      %swap3A_149 = vector.shape_cast %swap3A_148 : vector<1x16xf32> to vector<16xf32>
      %swap3A_150 = vector.shape_cast %broadcast_in_dim3A_145 : vector<16xf32> to vector<1x16xf32>
      tpu.vector_store %arg10[%swap3A_146, %swap3A_147], %swap3A_150 {strides = array<i32>} : memref<128x128xf32, #tpu.memory_space<vmem>>, vector<1x16xf32>,
    }
    %scan3A_27 = arith.constant 128 : i32
    %mul3A_28 = arith.constant 640 : i32
    %mul3A_29 = arith.muli %arg1, %mul3A_28 : i32
    %add3A_30 = arith.constant 0 : i32
    %add3A_31 = arith.addi %mul3A_29, %add3A_30 : i32
    "tpu.region"() ({
      %run_scoped3A = tpu.sem_alloc : memref<!tpu.dma_semaphore, #tpu.memory_space<semaphore_mem>>
      %dma_start3A_96 = arith.constant 0 : i32
      %dma_start3A_97 = tpu.memref_slice %arg12[%add3A_31, %dma_start3A_96] : memref<10240x128xf32, #tpu.memory_space<vmem_shared>> -> memref<128x128xf32, #tpu.memory_space<vmem_shared>>
      %dma_start3A_98 = arith.constant 0 : i32
      %dma_start3A_99 = tpu.memref_slice %arg12[%add3A_31, %dma_start3A_98] : memref<10240x128xf32, #tpu.memory_space<vmem_shared>> -> memref<128x128xf32, #tpu.memory_space<vmem_shared>>
      tpu.enqueue_dma source(%arg10 : memref<128x128xf32, #tpu.memory_space<vmem>>) target(%dma_start3A_99 : memref<128x128xf32, #tpu.memory_space<vmem_shared>>) target_semaphore(%run_scoped3A : memref<!tpu.dma_semaphore, #tpu.memory_space<semaphore_mem>>)
      %dma_wait3A_100 = arith.constant 0 : i32
      %dma_wait3A_101 = tpu.memref_slice %arg12[%add3A_31, %dma_wait3A_100] : memref<10240x128xf32, #tpu.memory_space<vmem_shared>> -> memref<128x128xf32, #tpu.memory_space<vmem_shared>>
      %dma_wait3A_102 = arith.constant 0 : i32
      %dma_wait3A_103 = tpu.memref_slice %arg12[%add3A_31, %dma_wait3A_102] : memref<10240x128xf32, #tpu.memory_space<vmem_shared>> -> memref<128x128xf32, #tpu.memory_space<vmem_shared>>
      tpu.wait_dma2 semaphore(%run_scoped3A : memref<!tpu.dma_semaphore, #tpu.memory_space<semaphore_mem>>) src(%arg10 : memref<128x128xf32, #tpu.memory_space<vmem>>) dst(%dma_wait3A_103 : memref<128x128xf32, #tpu.memory_space<vmem_shared>>)
      tpu.yield
    }) : () -> ()
    %mul3A_32 = arith.constant 640 : i32
    %mul3A_33 = arith.muli %arg1, %mul3A_32 : i32
    %add3A_34 = arith.constant 128 : i32
    %add3A_35 = arith.addi %mul3A_33, %add3A_34 : i32
    "tpu.region"() ({
      %run_scoped3A = tpu.sem_alloc : memref<!tpu.dma_semaphore, #tpu.memory_space<semaphore_mem>>
      %dma_start3A_96 = arith.constant 0 : i32
      %dma_start3A_97 = tpu.memref_slice %arg12[%add3A_35, %dma_start3A_96] : memref<10240x128xf32, #tpu.memory_space<vmem_shared>> -> memref<128x128xf32, #tpu.memory_space<vmem_shared>>
      %dma_start3A_98 = arith.constant 0 : i32
      %dma_start3A_99 = tpu.memref_slice %arg12[%add3A_35, %dma_start3A_98] : memref<10240x128xf32, #tpu.memory_space<vmem_shared>> -> memref<128x128xf32, #tpu.memory_space<vmem_shared>>
      tpu.enqueue_dma source(%arg10 : memref<128x128xf32, #tpu.memory_space<vmem>>) target(%dma_start3A_99 : memref<128x128xf32, #tpu.memory_space<vmem_shared>>) target_semaphore(%run_scoped3A : memref<!tpu.dma_semaphore, #tpu.memory_space<semaphore_mem>>)
      %dma_wait3A_100 = arith.constant 0 : i32
      %dma_wait3A_101 = tpu.memref_slice %arg12[%add3A_35, %dma_wait3A_100] : memref<10240x128xf32, #tpu.memory_space<vmem_shared>> -> memref<128x128xf32, #tpu.memory_space<vmem_shared>>
      %dma_wait3A_102 = arith.constant 0 : i32
      %dma_wait3A_103 = tpu.memref_slice %arg12[%add3A_35, %dma_wait3A_102] : memref<10240x128xf32, #tpu.memory_space<vmem_shared>> -> memref<128x128xf32, #tpu.memory_space<vmem_shared>>
      tpu.wait_dma2 semaphore(%run_scoped3A : memref<!tpu.dma_semaphore, #tpu.memory_space<semaphore_mem>>) src(%arg10 : memref<128x128xf32, #tpu.memory_space<vmem>>) dst(%dma_wait3A_103 : memref<128x128xf32, #tpu.memory_space<vmem_shared>>)
      tpu.yield
    }) : () -> ()
    %mul3A_36 = arith.constant 640 : i32
    %mul3A_37 = arith.muli %arg1, %mul3A_36 : i32
    %add3A_38 = arith.constant 256 : i32
    %add3A_39 = arith.addi %mul3A_37, %add3A_38 : i32
    "tpu.region"() ({
      %run_scoped3A = tpu.sem_alloc : memref<!tpu.dma_semaphore, #tpu.memory_space<semaphore_mem>>
      %dma_start3A_96 = arith.constant 0 : i32
      %dma_start3A_97 = tpu.memref_slice %arg12[%add3A_39, %dma_start3A_96] : memref<10240x128xf32, #tpu.memory_space<vmem_shared>> -> memref<128x128xf32, #tpu.memory_space<vmem_shared>>
      %dma_start3A_98 = arith.constant 0 : i32
      %dma_start3A_99 = tpu.memref_slice %arg12[%add3A_39, %dma_start3A_98] : memref<10240x128xf32, #tpu.memory_space<vmem_shared>> -> memref<128x128xf32, #tpu.memory_space<vmem_shared>>
      tpu.enqueue_dma source(%arg10 : memref<128x128xf32, #tpu.memory_space<vmem>>) target(%dma_start3A_99 : memref<128x128xf32, #tpu.memory_space<vmem_shared>>) target_semaphore(%run_scoped3A : memref<!tpu.dma_semaphore, #tpu.memory_space<semaphore_mem>>)
      %dma_wait3A_100 = arith.constant 0 : i32
      %dma_wait3A_101 = tpu.memref_slice %arg12[%add3A_39, %dma_wait3A_100] : memref<10240x128xf32, #tpu.memory_space<vmem_shared>> -> memref<128x128xf32, #tpu.memory_space<vmem_shared>>
      %dma_wait3A_102 = arith.constant 0 : i32
      %dma_wait3A_103 = tpu.memref_slice %arg12[%add3A_39, %dma_wait3A_102] : memref<10240x128xf32, #tpu.memory_space<vmem_shared>> -> memref<128x128xf32, #tpu.memory_space<vmem_shared>>
      tpu.wait_dma2 semaphore(%run_scoped3A : memref<!tpu.dma_semaphore, #tpu.memory_space<semaphore_mem>>) src(%arg10 : memref<128x128xf32, #tpu.memory_space<vmem>>) dst(%dma_wait3A_103 : memref<128x128xf32, #tpu.memory_space<vmem_shared>>)
      tpu.yield
    }) : () -> ()
    %mul3A_40 = arith.constant 640 : i32
    %mul3A_41 = arith.muli %arg1, %mul3A_40 : i32
    %add3A_42 = arith.constant 384 : i32
    %add3A_43 = arith.addi %mul3A_41, %add3A_42 : i32
    "tpu.region"() ({
      %run_scoped3A = tpu.sem_alloc : memref<!tpu.dma_semaphore, #tpu.memory_space<semaphore_mem>>
      %dma_start3A_96 = arith.constant 0 : i32
      %dma_start3A_97 = tpu.memref_slice %arg12[%add3A_43, %dma_start3A_96] : memref<10240x128xf32, #tpu.memory_space<vmem_shared>> -> memref<128x128xf32, #tpu.memory_space<vmem_shared>>
      %dma_start3A_98 = arith.constant 0 : i32
      %dma_start3A_99 = tpu.memref_slice %arg12[%add3A_43, %dma_start3A_98] : memref<10240x128xf32, #tpu.memory_space<vmem_shared>> -> memref<128x128xf32, #tpu.memory_space<vmem_shared>>
      tpu.enqueue_dma source(%arg10 : memref<128x128xf32, #tpu.memory_space<vmem>>) target(%dma_start3A_99 : memref<128x128xf32, #tpu.memory_space<vmem_shared>>) target_semaphore(%run_scoped3A : memref<!tpu.dma_semaphore, #tpu.memory_space<semaphore_mem>>)
      %dma_wait3A_100 = arith.constant 0 : i32
      %dma_wait3A_101 = tpu.memref_slice %arg12[%add3A_43, %dma_wait3A_100] : memref<10240x128xf32, #tpu.memory_space<vmem_shared>> -> memref<128x128xf32, #tpu.memory_space<vmem_shared>>
      %dma_wait3A_102 = arith.constant 0 : i32
      %dma_wait3A_103 = tpu.memref_slice %arg12[%add3A_43, %dma_wait3A_102] : memref<10240x128xf32, #tpu.memory_space<vmem_shared>> -> memref<128x128xf32, #tpu.memory_space<vmem_shared>>
      tpu.wait_dma2 semaphore(%run_scoped3A : memref<!tpu.dma_semaphore, #tpu.memory_space<semaphore_mem>>) src(%arg10 : memref<128x128xf32, #tpu.memory_space<vmem>>) dst(%dma_wait3A_103 : memref<128x128xf32, #tpu.memory_space<vmem_shared>>)
      tpu.yield
    }) : () -> ()
    %mul3A_44 = arith.constant 640 : i32
    %mul3A_45 = arith.muli %arg1, %mul3A_44 : i32
    %add3A_46 = arith.constant 512 : i32
    %add3A_47 = arith.addi %mul3A_45, %add3A_46 : i32
    "tpu.region"() ({
      %run_scoped3A = tpu.sem_alloc : memref<!tpu.dma_semaphore, #tpu.memory_space<semaphore_mem>>
      %dma_start3A_96 = arith.constant 0 : i32
      %dma_start3A_97 = tpu.memref_slice %arg12[%add3A_47, %dma_start3A_96] : memref<10240x128xf32, #tpu.memory_space<vmem_shared>> -> memref<128x128xf32, #tpu.memory_space<vmem_shared>>
      %dma_start3A_98 = arith.constant 0 : i32
      %dma_start3A_99 = tpu.memref_slice %arg12[%add3A_47, %dma_start3A_98] : memref<10240x128xf32, #tpu.memory_space<vmem_shared>> -> memref<128x128xf32, #tpu.memory_space<vmem_shared>>
      tpu.enqueue_dma source(%arg10 : memref<128x128xf32, #tpu.memory_space<vmem>>) target(%dma_start3A_99 : memref<128x128xf32, #tpu.memory_space<vmem_shared>>) target_semaphore(%run_scoped3A : memref<!tpu.dma_semaphore, #tpu.memory_space<semaphore_mem>>)
      %dma_wait3A_100 = arith.constant 0 : i32
      %dma_wait3A_101 = tpu.memref_slice %arg12[%add3A_47, %dma_wait3A_100] : memref<10240x128xf32, #tpu.memory_space<vmem_shared>> -> memref<128x128xf32, #tpu.memory_space<vmem_shared>>
      %dma_wait3A_102 = arith.constant 0 : i32
      %dma_wait3A_103 = tpu.memref_slice %arg12[%add3A_47, %dma_wait3A_102] : memref<10240x128xf32, #tpu.memory_space<vmem_shared>> -> memref<128x128xf32, #tpu.memory_space<vmem_shared>>
      tpu.wait_dma2 semaphore(%run_scoped3A : memref<!tpu.dma_semaphore, #tpu.memory_space<semaphore_mem>>) src(%arg10 : memref<128x128xf32, #tpu.memory_space<vmem>>) dst(%dma_wait3A_103 : memref<128x128xf32, #tpu.memory_space<vmem_shared>>)
      tpu.yield
    }) : () -> ()
    %barrier3A = arith.constant 0 : index
    tpu.barrier barrier_id(%barrier3A)
    %add3A_48 = arith.constant 0 : i32
    %add3A_49 = arith.addi %mul3A_10, %add3A_48 : i32
    %dma_start3A_50 = tpu.memref_slice %arg4[%add3A_49] : memref<320000xi32, #tpu.memory_space<hbm>> -> memref<128xi32, #tpu.memory_space<hbm>>
    %dma_start3A_51 = tpu.memref_slice %arg4[%add3A_49] : memref<320000xi32, #tpu.memory_space<hbm>> -> memref<128xi32, #tpu.memory_space<hbm>>
    tpu.enqueue_dma source(%dma_start3A_51 : memref<128xi32, #tpu.memory_space<hbm>>) target(%arg8 : memref<128xi32, #tpu.memory_space<vmem>>) target_semaphore(%arg18 : memref<!tpu.dma_semaphore, #tpu.memory_space<semaphore_mem>>)
    %dma_start3A_52 = arith.constant 0 : i32
    %dma_start3A_53 = tpu.memref_slice %arg7[%dma_start3A_52] : memref<10240xi32, #tpu.memory_space<vmem>> -> memref<128xi32, #tpu.memory_space<vmem>>
    %dma_start3A_54 = arith.constant 0 : i32
    %dma_start3A_55 = arith.constant 0 : i32
    %dma_start3A_56 = tpu.memref_slice %arg2[%dma_start3A_54, %dma_start3A_55] : memref<10000x128xf32, #tpu.memory_space<hbm>> -> memref<10000x128xf32, #tpu.memory_space<hbm>>
    tpu.enqueue_indirect_dma source(%dma_start3A_56 : memref<10000x128xf32, #tpu.memory_space<hbm>>) target(%arg10 : memref<128x128xf32, #tpu.memory_space<vmem>>) offsets(%dma_start3A_53 : memref<128xi32, #tpu.memory_space<vmem>>) semaphore(%arg14 : memref<!tpu.dma_semaphore, #tpu.memory_space<semaphore_mem>>)
    %jit3A_57 = arith.constant 2 : i32
    %div3A = arith.divsi %select_n3A, %jit3A_57 : i32
    %sign3A = arith.constant 0 : i32
    %sign3A_58 = arith.cmpi sgt, %select_n3A, %sign3A : i32
    %sign3A_59 = arith.extui %sign3A_58 : i1 to i32
    %sign3A_60 = arith.constant 0 : i32
    %sign3A_61 = arith.cmpi slt, %select_n3A, %sign3A_60 : i32
    %sign3A_62 = arith.extui %sign3A_61 : i1 to i32
    %sign3A_63 = arith.subi %sign3A_59, %sign3A_62 : i32
    %sign3A_64 = arith.constant 0 : i32
    %sign3A_65 = arith.cmpi sgt, %jit3A_57, %sign3A_64 : i32
    %sign3A_66 = arith.extui %sign3A_65 : i1 to i32
    %sign3A_67 = arith.constant 0 : i32
    %sign3A_68 = arith.cmpi slt, %jit3A_57, %sign3A_67 : i32
    %sign3A_69 = arith.extui %sign3A_68 : i1 to i32
    %sign3A_70 = arith.subi %sign3A_66, %sign3A_69 : i32
    %ne3A = arith.cmpi ne, %sign3A_63, %sign3A_70 : i32
    %rem3A = arith.remsi %select_n3A, %jit3A_57 : i32
    %ne3A_71 = arith.constant 0 : i32
    %ne3A_72 = arith.cmpi ne, %rem3A, %ne3A_71 : i32
    %and3A = arith.andi %ne3A, %ne3A_72 : i1
    %sub3A = arith.constant 1 : i32
    %sub3A_73 = arith.subi %div3A, %sub3A : i32
    %select_n3A_74 = arith.select %and3A, %sub3A_73, %div3A : i32
    %while3A = arith.constant 0 : i32
    %while3A_75 = arith.subi %select_n3A_74, %while3A : i32
    %while3A_76 = arith.addi %while3A, %while3A_75 : i32
    %while3A_77 = arith.constant 1 : i32
    %while3A_78 = arith.divsi %while3A_75, %while3A_77 : i32
    %while3A_79 = arith.muli %while3A_78, %while3A_77 : i32
    %while3A_80 = arith.addi %while3A, %while3A_79 : i32
    %while3A_81 = arith.constant 1 : i32
    scf.for %while3A_96 = %while3A to %while3A_80 step %while3A_81  : i32 {
      %mul3A_97 = arith.constant 2 : i32
      %mul3A_98 = arith.muli %mul3A_97, %while3A_96 : i32
      %add3A_99 = arith.constant 0 : i32
      %add3A_100 = arith.addi %mul3A_98, %add3A_99 : i32
      %ge3A = arith.constant 1 : i32
      %ge3A_101 = arith.cmpi sge, %add3A_100, %ge3A : i32
      %convert_element_type3A_102 = arith.extui %ge3A_101 : i1 to i32
      %cond3A_103 = arith.constant 0 : i32
      %cond3A_104 = arith.cmpi ne, %convert_element_type3A_102, %cond3A_103 : i32
      scf.if %cond3A_104 {
        %dma_wait3A_150 = arith.constant 0 : i32
        %dma_wait3A_151 = arith.constant 0 : i32
        %dma_wait3A_152 = tpu.memref_slice %arg12[%dma_wait3A_150, %dma_wait3A_151] : memref<10240x128xf32, #tpu.memory_space<vmem_shared>> -> memref<10240x128xf32, #tpu.memory_space<vmem_shared>>
        tpu.wait_indirect_dma semaphore(%arg17 : memref<!tpu.dma_semaphore, #tpu.memory_space<semaphore_mem>>) src(%arg11 : memref<128x128xf32, #tpu.memory_space<vmem>>) dst(%dma_wait3A_152 : memref<10240x128xf32, #tpu.memory_space<vmem_shared>>)
      } else {
      }
      %add3A_105 = arith.constant 1 : i32
      %add3A_106 = arith.addi %add3A_100, %add3A_105 : i32
      %lt3A_107 = arith.cmpi slt, %add3A_106, %select_n3A : i32
      %convert_element_type3A_108 = arith.extui %lt3A_107 : i1 to i32
      %cond3A_109 = arith.constant 0 : i32
      %cond3A_110 = arith.cmpi ne, %convert_element_type3A_108, %cond3A_109 : i32
      scf.if %cond3A_110 {
        %add3A_150 = arith.constant 1 : i32
        %add3A_151 = arith.addi %add3A_100, %add3A_150 : i32
        %mul3A_152 = arith.constant 128 : i32
        %mul3A_153 = arith.muli %add3A_151, %mul3A_152 : i32
        %add3A_154 = arith.addi %mul3A_10, %mul3A_153 : i32
        %dma_start3A_155 = tpu.memref_slice %arg4[%add3A_154] : memref<320000xi32, #tpu.memory_space<hbm>> -> memref<128xi32, #tpu.memory_space<hbm>>
        %dma_start3A_156 = tpu.memref_slice %arg4[%add3A_154] : memref<320000xi32, #tpu.memory_space<hbm>> -> memref<128xi32, #tpu.memory_space<hbm>>
        tpu.enqueue_dma source(%dma_start3A_156 : memref<128xi32, #tpu.memory_space<hbm>>) target(%arg9 : memref<128xi32, #tpu.memory_space<vmem>>) target_semaphore(%arg19 : memref<!tpu.dma_semaphore, #tpu.memory_space<semaphore_mem>>)
        %mul3A_157 = arith.constant 128 : i32
        %mul3A_158 = arith.muli %add3A_151, %mul3A_157 : i32
        %dma_start3A_159 = tpu.memref_slice %arg7[%mul3A_158] : memref<10240xi32, #tpu.memory_space<vmem>> -> memref<128xi32, #tpu.memory_space<vmem>>
        %dma_start3A_160 = arith.constant 0 : i32
        %dma_start3A_161 = arith.constant 0 : i32
        %dma_start3A_162 = tpu.memref_slice %arg2[%dma_start3A_160, %dma_start3A_161] : memref<10000x128xf32, #tpu.memory_space<hbm>> -> memref<10000x128xf32, #tpu.memory_space<hbm>>
        tpu.enqueue_indirect_dma source(%dma_start3A_162 : memref<10000x128xf32, #tpu.memory_space<hbm>>) target(%arg11 : memref<128x128xf32, #tpu.memory_space<vmem>>) offsets(%dma_start3A_159 : memref<128xi32, #tpu.memory_space<vmem>>) semaphore(%arg15 : memref<!tpu.dma_semaphore, #tpu.memory_space<semaphore_mem>>)
      } else {
      }
      %dma_wait3A_111 = arith.constant 0 : i32
      %dma_wait3A_112 = tpu.memref_slice %arg4[%dma_wait3A_111] : memref<320000xi32, #tpu.memory_space<hbm>> -> memref<128xi32, #tpu.memory_space<hbm>>
      %dma_wait3A_113 = arith.constant 0 : i32
      %dma_wait3A_114 = tpu.memref_slice %arg4[%dma_wait3A_113] : memref<320000xi32, #tpu.memory_space<hbm>> -> memref<128xi32, #tpu.memory_space<hbm>>
      tpu.wait_dma2 semaphore(%arg18 : memref<!tpu.dma_semaphore, #tpu.memory_space<semaphore_mem>>) src(%dma_wait3A_114 : memref<128xi32, #tpu.memory_space<hbm>>) dst(%arg8 : memref<128xi32, #tpu.memory_space<vmem>>)
      %dma_wait3A_115 = arith.constant 0 : i32
      %dma_wait3A_116 = tpu.memref_slice %arg7[%dma_wait3A_115] : memref<10240xi32, #tpu.memory_space<vmem>> -> memref<128xi32, #tpu.memory_space<vmem>>
      %dma_wait3A_117 = arith.constant 0 : i32
      %dma_wait3A_118 = arith.constant 0 : i32
      %dma_wait3A_119 = tpu.memref_slice %arg2[%dma_wait3A_117, %dma_wait3A_118] : memref<10000x128xf32, #tpu.memory_space<hbm>> -> memref<10000x128xf32, #tpu.memory_space<hbm>>
      tpu.wait_indirect_dma semaphore(%arg14 : memref<!tpu.dma_semaphore, #tpu.memory_space<semaphore_mem>>) src(%dma_wait3A_119 : memref<10000x128xf32, #tpu.memory_space<hbm>>) dst(%arg10 : memref<128x128xf32, #tpu.memory_space<vmem>>)
      %dma_start3A_120 = arith.constant 0 : i32
      %dma_start3A_121 = arith.constant 0 : i32
      %dma_start3A_122 = tpu.memref_slice %arg12[%dma_start3A_120, %dma_start3A_121] : memref<10240x128xf32, #tpu.memory_space<vmem_shared>> -> memref<10240x128xf32, #tpu.memory_space<vmem_shared>>
      tpu.enqueue_indirect_dma source(%arg10 : memref<128x128xf32, #tpu.memory_space<vmem>>) target(%dma_start3A_122 : memref<10240x128xf32, #tpu.memory_space<vmem_shared>>) offsets(%arg8 : memref<128xi32, #tpu.memory_space<vmem>>) semaphore(%arg16 : memref<!tpu.dma_semaphore, #tpu.memory_space<semaphore_mem>>) {add = true}
      %mul3A_123 = arith.constant 2 : i32
      %mul3A_124 = arith.muli %mul3A_123, %while3A_96 : i32
      %add3A_125 = arith.constant 1 : i32
      %add3A_126 = arith.addi %mul3A_124, %add3A_125 : i32
      %ge3A_127 = arith.constant 1 : i32
      %ge3A_128 = arith.cmpi sge, %add3A_126, %ge3A_127 : i32
      %convert_element_type3A_129 = arith.extui %ge3A_128 : i1 to i32
      %cond3A_130 = arith.constant 0 : i32
      %cond3A_131 = arith.cmpi ne, %convert_element_type3A_129, %cond3A_130 : i32
      scf.if %cond3A_131 {
        %dma_wait3A_150 = arith.constant 0 : i32
        %dma_wait3A_151 = arith.constant 0 : i32
        %dma_wait3A_152 = tpu.memref_slice %arg12[%dma_wait3A_150, %dma_wait3A_151] : memref<10240x128xf32, #tpu.memory_space<vmem_shared>> -> memref<10240x128xf32, #tpu.memory_space<vmem_shared>>
        tpu.wait_indirect_dma semaphore(%arg16 : memref<!tpu.dma_semaphore, #tpu.memory_space<semaphore_mem>>) src(%arg10 : memref<128x128xf32, #tpu.memory_space<vmem>>) dst(%dma_wait3A_152 : memref<10240x128xf32, #tpu.memory_space<vmem_shared>>)
      } else {
      }
      %add3A_132 = arith.constant 1 : i32
      %add3A_133 = arith.addi %add3A_126, %add3A_132 : i32
      %lt3A_134 = arith.cmpi slt, %add3A_133, %select_n3A : i32
      %convert_element_type3A_135 = arith.extui %lt3A_134 : i1 to i32
      %cond3A_136 = arith.constant 0 : i32
      %cond3A_137 = arith.cmpi ne, %convert_element_type3A_135, %cond3A_136 : i32
      scf.if %cond3A_137 {
        %add3A_150 = arith.constant 1 : i32
        %add3A_151 = arith.addi %add3A_126, %add3A_150 : i32
        %mul3A_152 = arith.constant 128 : i32
        %mul3A_153 = arith.muli %add3A_151, %mul3A_152 : i32
        %add3A_154 = arith.addi %mul3A_10, %mul3A_153 : i32
        %dma_start3A_155 = tpu.memref_slice %arg4[%add3A_154] : memref<320000xi32, #tpu.memory_space<hbm>> -> memref<128xi32, #tpu.memory_space<hbm>>
        %dma_start3A_156 = tpu.memref_slice %arg4[%add3A_154] : memref<320000xi32, #tpu.memory_space<hbm>> -> memref<128xi32, #tpu.memory_space<hbm>>
        tpu.enqueue_dma source(%dma_start3A_156 : memref<128xi32, #tpu.memory_space<hbm>>) target(%arg8 : memref<128xi32, #tpu.memory_space<vmem>>) target_semaphore(%arg18 : memref<!tpu.dma_semaphore, #tpu.memory_space<semaphore_mem>>)
        %mul3A_157 = arith.constant 128 : i32
        %mul3A_158 = arith.muli %add3A_151, %mul3A_157 : i32
        %dma_start3A_159 = tpu.memref_slice %arg7[%mul3A_158] : memref<10240xi32, #tpu.memory_space<vmem>> -> memref<128xi32, #tpu.memory_space<vmem>>
        %dma_start3A_160 = arith.constant 0 : i32
        %dma_start3A_161 = arith.constant 0 : i32
        %dma_start3A_162 = tpu.memref_slice %arg2[%dma_start3A_160, %dma_start3A_161] : memref<10000x128xf32, #tpu.memory_space<hbm>> -> memref<10000x128xf32, #tpu.memory_space<hbm>>
        tpu.enqueue_indirect_dma source(%dma_start3A_162 : memref<10000x128xf32, #tpu.memory_space<hbm>>) target(%arg10 : memref<128x128xf32, #tpu.memory_space<vmem>>) offsets(%dma_start3A_159 : memref<128xi32, #tpu.memory_space<vmem>>) semaphore(%arg14 : memref<!tpu.dma_semaphore, #tpu.memory_space<semaphore_mem>>)
      } else {
      }
      %dma_wait3A_138 = arith.constant 0 : i32
      %dma_wait3A_139 = tpu.memref_slice %arg4[%dma_wait3A_138] : memref<320000xi32, #tpu.memory_space<hbm>> -> memref<128xi32, #tpu.memory_space<hbm>>
      %dma_wait3A_140 = arith.constant 0 : i32
      %dma_wait3A_141 = tpu.memref_slice %arg4[%dma_wait3A_140] : memref<320000xi32, #tpu.memory_space<hbm>> -> memref<128xi32, #tpu.memory_space<hbm>>
      tpu.wait_dma2 semaphore(%arg19 : memref<!tpu.dma_semaphore, #tpu.memory_space<semaphore_mem>>) src(%dma_wait3A_141 : memref<128xi32, #tpu.memory_space<hbm>>) dst(%arg9 : memref<128xi32, #tpu.memory_space<vmem>>)
      %dma_wait3A_142 = arith.constant 0 : i32
      %dma_wait3A_143 = tpu.memref_slice %arg7[%dma_wait3A_142] : memref<10240xi32, #tpu.memory_space<vmem>> -> memref<128xi32, #tpu.memory_space<vmem>>
      %dma_wait3A_144 = arith.constant 0 : i32
      %dma_wait3A_145 = arith.constant 0 : i32
      %dma_wait3A_146 = tpu.memref_slice %arg2[%dma_wait3A_144, %dma_wait3A_145] : memref<10000x128xf32, #tpu.memory_space<hbm>> -> memref<10000x128xf32, #tpu.memory_space<hbm>>
      tpu.wait_indirect_dma semaphore(%arg15 : memref<!tpu.dma_semaphore, #tpu.memory_space<semaphore_mem>>) src(%dma_wait3A_146 : memref<10000x128xf32, #tpu.memory_space<hbm>>) dst(%arg11 : memref<128x128xf32, #tpu.memory_space<vmem>>)
      %dma_start3A_147 = arith.constant 0 : i32
      %dma_start3A_148 = arith.constant 0 : i32
      %dma_start3A_149 = tpu.memref_slice %arg12[%dma_start3A_147, %dma_start3A_148] : memref<10240x128xf32, #tpu.memory_space<vmem_shared>> -> memref<10240x128xf32, #tpu.memory_space<vmem_shared>>
      tpu.enqueue_indirect_dma source(%arg11 : memref<128x128xf32, #tpu.memory_space<vmem>>) target(%dma_start3A_149 : memref<10240x128xf32, #tpu.memory_space<vmem_shared>>) offsets(%arg9 : memref<128xi32, #tpu.memory_space<vmem>>) semaphore(%arg17 : memref<!tpu.dma_semaphore, #tpu.memory_space<semaphore_mem>>) {add = true}
    }
    %while3A_82 = arith.constant 1 : i32
    scf.for %while3A_96 = %while3A_80 to %while3A_76 step %while3A_82  : i32 {
      %mul3A_97 = arith.constant 2 : i32
      %mul3A_98 = arith.muli %mul3A_97, %while3A_96 : i32
      %add3A_99 = arith.constant 0 : i32
      %add3A_100 = arith.addi %mul3A_98, %add3A_99 : i32
      %ge3A = arith.constant 1 : i32
      %ge3A_101 = arith.cmpi sge, %add3A_100, %ge3A : i32
      %convert_element_type3A_102 = arith.extui %ge3A_101 : i1 to i32
      %cond3A_103 = arith.constant 0 : i32
      %cond3A_104 = arith.cmpi ne, %convert_element_type3A_102, %cond3A_103 : i32
      scf.if %cond3A_104 {
        %dma_wait3A_150 = arith.constant 0 : i32
        %dma_wait3A_151 = arith.constant 0 : i32
        %dma_wait3A_152 = tpu.memref_slice %arg12[%dma_wait3A_150, %dma_wait3A_151] : memref<10240x128xf32, #tpu.memory_space<vmem_shared>> -> memref<10240x128xf32, #tpu.memory_space<vmem_shared>>
        tpu.wait_indirect_dma semaphore(%arg17 : memref<!tpu.dma_semaphore, #tpu.memory_space<semaphore_mem>>) src(%arg11 : memref<128x128xf32, #tpu.memory_space<vmem>>) dst(%dma_wait3A_152 : memref<10240x128xf32, #tpu.memory_space<vmem_shared>>)
      } else {
      }
      %add3A_105 = arith.constant 1 : i32
      %add3A_106 = arith.addi %add3A_100, %add3A_105 : i32
      %lt3A_107 = arith.cmpi slt, %add3A_106, %select_n3A : i32
      %convert_element_type3A_108 = arith.extui %lt3A_107 : i1 to i32
      %cond3A_109 = arith.constant 0 : i32
      %cond3A_110 = arith.cmpi ne, %convert_element_type3A_108, %cond3A_109 : i32
      scf.if %cond3A_110 {
        %add3A_150 = arith.constant 1 : i32
        %add3A_151 = arith.addi %add3A_100, %add3A_150 : i32
        %mul3A_152 = arith.constant 128 : i32
        %mul3A_153 = arith.muli %add3A_151, %mul3A_152 : i32
        %add3A_154 = arith.addi %mul3A_10, %mul3A_153 : i32
        %dma_start3A_155 = tpu.memref_slice %arg4[%add3A_154] : memref<320000xi32, #tpu.memory_space<hbm>> -> memref<128xi32, #tpu.memory_space<hbm>>
        %dma_start3A_156 = tpu.memref_slice %arg4[%add3A_154] : memref<320000xi32, #tpu.memory_space<hbm>> -> memref<128xi32, #tpu.memory_space<hbm>>
        tpu.enqueue_dma source(%dma_start3A_156 : memref<128xi32, #tpu.memory_space<hbm>>) target(%arg9 : memref<128xi32, #tpu.memory_space<vmem>>) target_semaphore(%arg19 : memref<!tpu.dma_semaphore, #tpu.memory_space<semaphore_mem>>)
        %mul3A_157 = arith.constant 128 : i32
        %mul3A_158 = arith.muli %add3A_151, %mul3A_157 : i32
        %dma_start3A_159 = tpu.memref_slice %arg7[%mul3A_158] : memref<10240xi32, #tpu.memory_space<vmem>> -> memref<128xi32, #tpu.memory_space<vmem>>
        %dma_start3A_160 = arith.constant 0 : i32
        %dma_start3A_161 = arith.constant 0 : i32
        %dma_start3A_162 = tpu.memref_slice %arg2[%dma_start3A_160, %dma_start3A_161] : memref<10000x128xf32, #tpu.memory_space<hbm>> -> memref<10000x128xf32, #tpu.memory_space<hbm>>
        tpu.enqueue_indirect_dma source(%dma_start3A_162 : memref<10000x128xf32, #tpu.memory_space<hbm>>) target(%arg11 : memref<128x128xf32, #tpu.memory_space<vmem>>) offsets(%dma_start3A_159 : memref<128xi32, #tpu.memory_space<vmem>>) semaphore(%arg15 : memref<!tpu.dma_semaphore, #tpu.memory_space<semaphore_mem>>)
      } else {
      }
      %dma_wait3A_111 = arith.constant 0 : i32
      %dma_wait3A_112 = tpu.memref_slice %arg4[%dma_wait3A_111] : memref<320000xi32, #tpu.memory_space<hbm>> -> memref<128xi32, #tpu.memory_space<hbm>>
      %dma_wait3A_113 = arith.constant 0 : i32
      %dma_wait3A_114 = tpu.memref_slice %arg4[%dma_wait3A_113] : memref<320000xi32, #tpu.memory_space<hbm>> -> memref<128xi32, #tpu.memory_space<hbm>>
      tpu.wait_dma2 semaphore(%arg18 : memref<!tpu.dma_semaphore, #tpu.memory_space<semaphore_mem>>) src(%dma_wait3A_114 : memref<128xi32, #tpu.memory_space<hbm>>) dst(%arg8 : memref<128xi32, #tpu.memory_space<vmem>>)
      %dma_wait3A_115 = arith.constant 0 : i32
      %dma_wait3A_116 = tpu.memref_slice %arg7[%dma_wait3A_115] : memref<10240xi32, #tpu.memory_space<vmem>> -> memref<128xi32, #tpu.memory_space<vmem>>
      %dma_wait3A_117 = arith.constant 0 : i32
      %dma_wait3A_118 = arith.constant 0 : i32
      %dma_wait3A_119 = tpu.memref_slice %arg2[%dma_wait3A_117, %dma_wait3A_118] : memref<10000x128xf32, #tpu.memory_space<hbm>> -> memref<10000x128xf32, #tpu.memory_space<hbm>>
      tpu.wait_indirect_dma semaphore(%arg14 : memref<!tpu.dma_semaphore, #tpu.memory_space<semaphore_mem>>) src(%dma_wait3A_119 : memref<10000x128xf32, #tpu.memory_space<hbm>>) dst(%arg10 : memref<128x128xf32, #tpu.memory_space<vmem>>)
      %dma_start3A_120 = arith.constant 0 : i32
      %dma_start3A_121 = arith.constant 0 : i32
      %dma_start3A_122 = tpu.memref_slice %arg12[%dma_start3A_120, %dma_start3A_121] : memref<10240x128xf32, #tpu.memory_space<vmem_shared>> -> memref<10240x128xf32, #tpu.memory_space<vmem_shared>>
      tpu.enqueue_indirect_dma source(%arg10 : memref<128x128xf32, #tpu.memory_space<vmem>>) target(%dma_start3A_122 : memref<10240x128xf32, #tpu.memory_space<vmem_shared>>) offsets(%arg8 : memref<128xi32, #tpu.memory_space<vmem>>) semaphore(%arg16 : memref<!tpu.dma_semaphore, #tpu.memory_space<semaphore_mem>>) {add = true}
      %mul3A_123 = arith.constant 2 : i32
      %mul3A_124 = arith.muli %mul3A_123, %while3A_96 : i32
      %add3A_125 = arith.constant 1 : i32
      %add3A_126 = arith.addi %mul3A_124, %add3A_125 : i32
      %ge3A_127 = arith.constant 1 : i32
      %ge3A_128 = arith.cmpi sge, %add3A_126, %ge3A_127 : i32
      %convert_element_type3A_129 = arith.extui %ge3A_128 : i1 to i32
      %cond3A_130 = arith.constant 0 : i32
      %cond3A_131 = arith.cmpi ne, %convert_element_type3A_129, %cond3A_130 : i32
      scf.if %cond3A_131 {
        %dma_wait3A_150 = arith.constant 0 : i32
        %dma_wait3A_151 = arith.constant 0 : i32
        %dma_wait3A_152 = tpu.memref_slice %arg12[%dma_wait3A_150, %dma_wait3A_151] : memref<10240x128xf32, #tpu.memory_space<vmem_shared>> -> memref<10240x128xf32, #tpu.memory_space<vmem_shared>>
        tpu.wait_indirect_dma semaphore(%arg16 : memref<!tpu.dma_semaphore, #tpu.memory_space<semaphore_mem>>) src(%arg10 : memref<128x128xf32, #tpu.memory_space<vmem>>) dst(%dma_wait3A_152 : memref<10240x128xf32, #tpu.memory_space<vmem_shared>>)
      } else {
      }
      %add3A_132 = arith.constant 1 : i32
      %add3A_133 = arith.addi %add3A_126, %add3A_132 : i32
      %lt3A_134 = arith.cmpi slt, %add3A_133, %select_n3A : i32
      %convert_element_type3A_135 = arith.extui %lt3A_134 : i1 to i32
      %cond3A_136 = arith.constant 0 : i32
      %cond3A_137 = arith.cmpi ne, %convert_element_type3A_135, %cond3A_136 : i32
      scf.if %cond3A_137 {
        %add3A_150 = arith.constant 1 : i32
        %add3A_151 = arith.addi %add3A_126, %add3A_150 : i32
        %mul3A_152 = arith.constant 128 : i32
        %mul3A_153 = arith.muli %add3A_151, %mul3A_152 : i32
        %add3A_154 = arith.addi %mul3A_10, %mul3A_153 : i32
        %dma_start3A_155 = tpu.memref_slice %arg4[%add3A_154] : memref<320000xi32, #tpu.memory_space<hbm>> -> memref<128xi32, #tpu.memory_space<hbm>>
        %dma_start3A_156 = tpu.memref_slice %arg4[%add3A_154] : memref<320000xi32, #tpu.memory_space<hbm>> -> memref<128xi32, #tpu.memory_space<hbm>>
        tpu.enqueue_dma source(%dma_start3A_156 : memref<128xi32, #tpu.memory_space<hbm>>) target(%arg8 : memref<128xi32, #tpu.memory_space<vmem>>) target_semaphore(%arg18 : memref<!tpu.dma_semaphore, #tpu.memory_space<semaphore_mem>>)
        %mul3A_157 = arith.constant 128 : i32
        %mul3A_158 = arith.muli %add3A_151, %mul3A_157 : i32
        %dma_start3A_159 = tpu.memref_slice %arg7[%mul3A_158] : memref<10240xi32, #tpu.memory_space<vmem>> -> memref<128xi32, #tpu.memory_space<vmem>>
        %dma_start3A_160 = arith.constant 0 : i32
        %dma_start3A_161 = arith.constant 0 : i32
        %dma_start3A_162 = tpu.memref_slice %arg2[%dma_start3A_160, %dma_start3A_161] : memref<10000x128xf32, #tpu.memory_space<hbm>> -> memref<10000x128xf32, #tpu.memory_space<hbm>>
        tpu.enqueue_indirect_dma source(%dma_start3A_162 : memref<10000x128xf32, #tpu.memory_space<hbm>>) target(%arg10 : memref<128x128xf32, #tpu.memory_space<vmem>>) offsets(%dma_start3A_159 : memref<128xi32, #tpu.memory_space<vmem>>) semaphore(%arg14 : memref<!tpu.dma_semaphore, #tpu.memory_space<semaphore_mem>>)
      } else {
      }
      %dma_wait3A_138 = arith.constant 0 : i32
      %dma_wait3A_139 = tpu.memref_slice %arg4[%dma_wait3A_138] : memref<320000xi32, #tpu.memory_space<hbm>> -> memref<128xi32, #tpu.memory_space<hbm>>
      %dma_wait3A_140 = arith.constant 0 : i32
      %dma_wait3A_141 = tpu.memref_slice %arg4[%dma_wait3A_140] : memref<320000xi32, #tpu.memory_space<hbm>> -> memref<128xi32, #tpu.memory_space<hbm>>
      tpu.wait_dma2 semaphore(%arg19 : memref<!tpu.dma_semaphore, #tpu.memory_space<semaphore_mem>>) src(%dma_wait3A_141 : memref<128xi32, #tpu.memory_space<hbm>>) dst(%arg9 : memref<128xi32, #tpu.memory_space<vmem>>)
      %dma_wait3A_142 = arith.constant 0 : i32
      %dma_wait3A_143 = tpu.memref_slice %arg7[%dma_wait3A_142] : memref<10240xi32, #tpu.memory_space<vmem>> -> memref<128xi32, #tpu.memory_space<vmem>>
      %dma_wait3A_144 = arith.constant 0 : i32
      %dma_wait3A_145 = arith.constant 0 : i32
      %dma_wait3A_146 = tpu.memref_slice %arg2[%dma_wait3A_144, %dma_wait3A_145] : memref<10000x128xf32, #tpu.memory_space<hbm>> -> memref<10000x128xf32, #tpu.memory_space<hbm>>
      tpu.wait_indirect_dma semaphore(%arg15 : memref<!tpu.dma_semaphore, #tpu.memory_space<semaphore_mem>>) src(%dma_wait3A_146 : memref<10000x128xf32, #tpu.memory_space<hbm>>) dst(%arg11 : memref<128x128xf32, #tpu.memory_space<vmem>>)
      %dma_start3A_147 = arith.constant 0 : i32
      %dma_start3A_148 = arith.constant 0 : i32
      %dma_start3A_149 = tpu.memref_slice %arg12[%dma_start3A_147, %dma_start3A_148] : memref<10240x128xf32, #tpu.memory_space<vmem_shared>> -> memref<10240x128xf32, #tpu.memory_space<vmem_shared>>
      tpu.enqueue_indirect_dma source(%arg11 : memref<128x128xf32, #tpu.memory_space<vmem>>) target(%dma_start3A_149 : memref<10240x128xf32, #tpu.memory_space<vmem_shared>>) offsets(%arg9 : memref<128xi32, #tpu.memory_space<vmem>>) semaphore(%arg17 : memref<!tpu.dma_semaphore, #tpu.memory_space<semaphore_mem>>) {add = true}
    }
    %dma_wait3A_83 = arith.constant 0 : i32
    %dma_wait3A_84 = arith.constant 0 : i32
    %dma_wait3A_85 = tpu.memref_slice %arg12[%dma_wait3A_83, %dma_wait3A_84] : memref<10240x128xf32, #tpu.memory_space<vmem_shared>> -> memref<10240x128xf32, #tpu.memory_space<vmem_shared>>
    tpu.wait_indirect_dma semaphore(%arg17 : memref<!tpu.dma_semaphore, #tpu.memory_space<semaphore_mem>>) src(%arg11 : memref<128x128xf32, #tpu.memory_space<vmem>>) dst(%dma_wait3A_85 : memref<10240x128xf32, #tpu.memory_space<vmem_shared>>)
    %barrier3A_86 = arith.constant 0 : index
    tpu.barrier barrier_id(%barrier3A_86)
    %eq3A = arith.constant 0 : i32
    %eq3A_87 = arith.cmpi eq, %arg0, %eq3A : i32
    %convert_element_type3A_88 = arith.extui %eq3A_87 : i1 to i32
    %cond3A_89 = arith.constant 0 : i32
    %cond3A_90 = arith.cmpi ne, %convert_element_type3A_88, %cond3A_89 : i32
    scf.if %cond3A_90 {
      %mul3A_96 = arith.constant 640 : i32
      %mul3A_97 = arith.muli %arg1, %mul3A_96 : i32
      %mul3A_98 = arith.constant 640 : i32
      %mul3A_99 = arith.muli %arg1, %mul3A_98 : i32
      "tpu.region"() ({
        %run_scoped3A = tpu.sem_alloc : memref<!tpu.dma_semaphore, #tpu.memory_space<semaphore_mem>>
        %dma_start3A_100 = arith.constant 0 : i32
        %dma_start3A_101 = tpu.memref_slice %arg5[%mul3A_99, %dma_start3A_100] : memref<10240x128xf32, #tpu.memory_space<hbm>> -> memref<640x128xf32, #tpu.memory_space<hbm>>
        %dma_start3A_102 = arith.constant 0 : i32
        %dma_start3A_103 = tpu.memref_slice %arg12[%mul3A_97, %dma_start3A_102] : memref<10240x128xf32, #tpu.memory_space<vmem_shared>> -> memref<640x128xf32, #tpu.memory_space<vmem_shared>>
        tpu.enqueue_dma source(%dma_start3A_103 : memref<640x128xf32, #tpu.memory_space<vmem_shared>>) target(%dma_start3A_101 : memref<640x128xf32, #tpu.memory_space<hbm>>) target_semaphore(%run_scoped3A : memref<!tpu.dma_semaphore, #tpu.memory_space<semaphore_mem>>)
        %dma_wait3A_104 = arith.constant 0 : i32
        %dma_wait3A_105 = tpu.memref_slice %arg5[%mul3A_99, %dma_wait3A_104] : memref<10240x128xf32, #tpu.memory_space<hbm>> -> memref<640x128xf32, #tpu.memory_space<hbm>>
        %dma_wait3A_106 = arith.constant 0 : i32
        %dma_wait3A_107 = tpu.memref_slice %arg12[%mul3A_97, %dma_wait3A_106] : memref<10240x128xf32, #tpu.memory_space<vmem_shared>> -> memref<640x128xf32, #tpu.memory_space<vmem_shared>>
        tpu.wait_dma2 semaphore(%run_scoped3A : memref<!tpu.dma_semaphore, #tpu.memory_space<semaphore_mem>>) src(%dma_wait3A_107 : memref<640x128xf32, #tpu.memory_space<vmem_shared>>) dst(%dma_wait3A_105 : memref<640x128xf32, #tpu.memory_space<hbm>>)
        tpu.yield
      }) : () -> ()
    } else {
    }
    %eq3A_91 = arith.constant 1 : i32
    %eq3A_92 = arith.cmpi eq, %arg0, %eq3A_91 : i32
    %convert_element_type3A_93 = arith.extui %eq3A_92 : i1 to i32
    %cond3A_94 = arith.constant 0 : i32
    %cond3A_95 = arith.cmpi ne, %convert_element_type3A_93, %cond3A_94 : i32
    scf.if %cond3A_95 {
      %mul3A_96 = arith.constant 640 : i32
      %mul3A_97 = arith.muli %arg1, %mul3A_96 : i32
      %mul3A_98 = arith.constant 640 : i32
      %mul3A_99 = arith.muli %arg1, %mul3A_98 : i32
      "tpu.region"() ({
        %run_scoped3A = tpu.sem_alloc : memref<!tpu.dma_semaphore, #tpu.memory_space<semaphore_mem>>
        %dma_start3A_100 = arith.constant 0 : i32
        %dma_start3A_101 = tpu.memref_slice %arg6[%mul3A_99, %dma_start3A_100] : memref<10240x128xf32, #tpu.memory_space<hbm>> -> memref<640x128xf32, #tpu.memory_space<hbm>>
        %dma_start3A_102 = arith.constant 0 : i32
        %dma_start3A_103 = tpu.memref_slice %arg12[%mul3A_97, %dma_start3A_102] : memref<10240x128xf32, #tpu.memory_space<vmem_shared>> -> memref<640x128xf32, #tpu.memory_space<vmem_shared>>
        tpu.enqueue_dma source(%dma_start3A_103 : memref<640x128xf32, #tpu.memory_space<vmem_shared>>) target(%dma_start3A_101 : memref<640x128xf32, #tpu.memory_space<hbm>>) target_semaphore(%run_scoped3A : memref<!tpu.dma_semaphore, #tpu.memory_space<semaphore_mem>>)
        %dma_wait3A_104 = arith.constant 0 : i32
        %dma_wait3A_105 = tpu.memref_slice %arg6[%mul3A_99, %dma_wait3A_104] : memref<10240x128xf32, #tpu.memory_space<hbm>> -> memref<640x128xf32, #tpu.memory_space<hbm>>
        %dma_wait3A_106 = arith.constant 0 : i32
        %dma_wait3A_107 = tpu.memref_slice %arg12[%mul3A_97, %dma_wait3A_106] : memref<10240x128xf32, #tpu.memory_space<vmem_shared>> -> memref<640x128xf32, #tpu.memory_space<vmem_shared>>
        tpu.wait_dma2 semaphore(%run_scoped3A : memref<!tpu.dma_semaphore, #tpu.memory_space<semaphore_mem>>) src(%dma_wait3A_107 : memref<640x128xf32, #tpu.memory_space<vmem_shared>>) dst(%dma_wait3A_105 : memref<640x128xf32, #tpu.memory_space<hbm>>)
        tpu.yield
      }) : () -> ()
    } else {
    }
    return
  }
}

#map = affine_map<(d0, d1) -> (0, 0)>
#map1 = affine_map<(d0, d1) -> (0)>
module attributes {stable_mosaic.version = 14 : i64} {
  func.func @_sc_agg_body(%arg0: i32, %arg1: i32, %arg2: memref<10000x128xf32, #tpu.memory_space<hbm>>, %arg3: memref<320000xi32, #tpu.memory_space<hbm>>, %arg4: memref<320000xi32, #tpu.memory_space<hbm>>, %arg5: memref<10240x128xf32, #tpu.memory_space<hbm>>, %arg6: memref<10240x128xf32, #tpu.memory_space<hbm>>, %arg7: memref<10240xi32, #tpu.memory_space<vmem>>, %arg8: memref<128xi32, #tpu.memory_space<vmem>>, %arg9: memref<128xi32, #tpu.memory_space<vmem>>, %arg10: memref<128x128xf32, #tpu.memory_space<vmem>>, %arg11: memref<128x128xf32, #tpu.memory_space<vmem>>, %arg12: memref<10240x128xf32, #tpu.memory_space<vmem_shared>>, %arg13: memref<!tpu.dma_semaphore, #tpu.memory_space<semaphore_mem>>, %arg14: memref<!tpu.dma_semaphore, #tpu.memory_space<semaphore_mem>>, %arg15: memref<!tpu.dma_semaphore, #tpu.memory_space<semaphore_mem>>, %arg16: memref<!tpu.dma_semaphore, #tpu.memory_space<semaphore_mem>>, %arg17: memref<!tpu.dma_semaphore, #tpu.memory_space<semaphore_mem>>, %arg18: memref<!tpu.dma_semaphore, #tpu.memory_space<semaphore_mem>>, %arg19: memref<!tpu.dma_semaphore, #tpu.memory_space<semaphore_mem>>) attributes {dimension_semantics = [#tpu.dimension_semantics<core_parallel>, #tpu.dimension_semantics<subcore_parallel>], iteration_bounds = array<i64: 2, 16>, scalar_prefetch = 0 : i64, scratch_operands = 13 : i64, tpu.core_type = #tpu.core_type<sc_vector_subcore>, window_params = [{transform_indices = #map}, {transform_indices = #map1}, {transform_indices = #map1}, {transform_indices = #map}, {transform_indices = #map}]} {
    %mul3A = arith.constant 2 : i32
    %mul3A_0 = arith.muli %arg1, %mul3A : i32
    %add3A = arith.addi %mul3A_0, %arg0 : i32
    %lt3A = arith.constant 2 : i32
    %lt3A_1 = arith.cmpi slt, %add3A, %lt3A : i32
    %jit3A = arith.constant 80 : i32
    %jit3A_2 = arith.constant 78 : i32
    %select_n3A = arith.select %lt3A_1, %jit3A, %jit3A_2 : i32
    %mul3A_3 = arith.constant 78 : i32
    %mul3A_4 = arith.muli %mul3A_3, %add3A : i32
    %min3A = arith.constant 2 : i32
    %min3A_5 = arith.minsi %add3A, %min3A : i32
    %mul3A_6 = arith.constant 2 : i32
    %mul3A_7 = arith.muli %mul3A_6, %min3A_5 : i32
    %add3A_8 = arith.addi %mul3A_4, %mul3A_7 : i32
    %mul3A_9 = arith.constant 128 : i32
    %mul3A_10 = arith.muli %add3A_8, %mul3A_9 : i32
    %dma_start3A = arith.constant 0 : i32
    %dma_start3A_11 = tpu.memref_slice %arg7[%dma_start3A] : memref<10240xi32, #tpu.memory_space<vmem>> -> memref<9984xi32, #tpu.memory_space<vmem>>
    %dma_start3A_12 = tpu.memref_slice %arg3[%mul3A_10] : memref<320000xi32, #tpu.memory_space<hbm>> -> memref<9984xi32, #tpu.memory_space<hbm>>
    %dma_start3A_13 = arith.constant 0 : i32
    %dma_start3A_14 = tpu.memref_slice %arg7[%dma_start3A_13] : memref<10240xi32, #tpu.memory_space<vmem>> -> memref<9984xi32, #tpu.memory_space<vmem>>
    %dma_start3A_15 = tpu.memref_slice %arg3[%mul3A_10] : memref<320000xi32, #tpu.memory_space<hbm>> -> memref<9984xi32, #tpu.memory_space<hbm>>
    tpu.enqueue_dma source(%dma_start3A_15 : memref<9984xi32, #tpu.memory_space<hbm>>) target(%dma_start3A_14 : memref<9984xi32, #tpu.memory_space<vmem>>) target_semaphore(%arg13 : memref<!tpu.dma_semaphore, #tpu.memory_space<semaphore_mem>>)
    %dma_wait3A = arith.constant 0 : i32
    %dma_wait3A_16 = tpu.memref_slice %arg7[%dma_wait3A] : memref<10240xi32, #tpu.memory_space<vmem>> -> memref<9984xi32, #tpu.memory_space<vmem>>
    %dma_wait3A_17 = tpu.memref_slice %arg3[%mul3A_10] : memref<320000xi32, #tpu.memory_space<hbm>> -> memref<9984xi32, #tpu.memory_space<hbm>>
    %dma_wait3A_18 = arith.constant 0 : i32
    %dma_wait3A_19 = tpu.memref_slice %arg7[%dma_wait3A_18] : memref<10240xi32, #tpu.memory_space<vmem>> -> memref<9984xi32, #tpu.memory_space<vmem>>
    %dma_wait3A_20 = tpu.memref_slice %arg3[%mul3A_10] : memref<320000xi32, #tpu.memory_space<hbm>> -> memref<9984xi32, #tpu.memory_space<hbm>>
    tpu.wait_dma2 semaphore(%arg13 : memref<!tpu.dma_semaphore, #tpu.memory_space<semaphore_mem>>) src(%dma_wait3A_20 : memref<9984xi32, #tpu.memory_space<hbm>>) dst(%dma_wait3A_19 : memref<9984xi32, #tpu.memory_space<vmem>>)
    %lt3A_21 = arith.constant 2 : i32
    %lt3A_22 = arith.cmpi slt, %add3A, %lt3A_21 : i32
    %convert_element_type3A = arith.extui %lt3A_22 : i1 to i32
    %cond3A = arith.constant 0 : i32
    %cond3A_23 = arith.cmpi ne, %convert_element_type3A, %cond3A : i32
    scf.if %cond3A_23 {
      %add3A_96 = arith.constant 9984 : i32
      %add3A_97 = arith.addi %mul3A_10, %add3A_96 : i32
      %dma_start3A_98 = arith.constant 9984 : i32
      %dma_start3A_99 = tpu.memref_slice %arg7[%dma_start3A_98] : memref<10240xi32, #tpu.memory_space<vmem>> -> memref<256xi32, #tpu.memory_space<vmem>>
      %dma_start3A_100 = tpu.memref_slice %arg3[%add3A_97] : memref<320000xi32, #tpu.memory_space<hbm>> -> memref<256xi32, #tpu.memory_space<hbm>>
      %dma_start3A_101 = arith.constant 9984 : i32
      %dma_start3A_102 = tpu.memref_slice %arg7[%dma_start3A_101] : memref<10240xi32, #tpu.memory_space<vmem>> -> memref<256xi32, #tpu.memory_space<vmem>>
      %dma_start3A_103 = tpu.memref_slice %arg3[%add3A_97] : memref<320000xi32, #tpu.memory_space<hbm>> -> memref<256xi32, #tpu.memory_space<hbm>>
      tpu.enqueue_dma source(%dma_start3A_103 : memref<256xi32, #tpu.memory_space<hbm>>) target(%dma_start3A_102 : memref<256xi32, #tpu.memory_space<vmem>>) target_semaphore(%arg13 : memref<!tpu.dma_semaphore, #tpu.memory_space<semaphore_mem>>)
      %dma_wait3A_104 = arith.constant 9984 : i32
      %dma_wait3A_105 = tpu.memref_slice %arg7[%dma_wait3A_104] : memref<10240xi32, #tpu.memory_space<vmem>> -> memref<256xi32, #tpu.memory_space<vmem>>
      %dma_wait3A_106 = tpu.memref_slice %arg3[%add3A_97] : memref<320000xi32, #tpu.memory_space<hbm>> -> memref<256xi32, #tpu.memory_space<hbm>>
      %dma_wait3A_107 = arith.constant 9984 : i32
      %dma_wait3A_108 = tpu.memref_slice %arg7[%dma_wait3A_107] : memref<10240xi32, #tpu.memory_space<vmem>> -> memref<256xi32, #tpu.memory_space<vmem>>
      %dma_wait3A_109 = tpu.memref_slice %arg3[%add3A_97] : memref<320000xi32, #tpu.memory_space<hbm>> -> memref<256xi32, #tpu.memory_space<hbm>>
      tpu.wait_dma2 semaphore(%arg13 : memref<!tpu.dma_semaphore, #tpu.memory_space<semaphore_mem>>) src(%dma_wait3A_109 : memref<256xi32, #tpu.memory_space<hbm>>) dst(%dma_wait3A_108 : memref<256xi32, #tpu.memory_space<vmem>>)
    } else {
    }
    %scan3A = arith.constant 0 : i32
    %scan3A_24 = arith.constant 128 : i32
    %scan3A_25 = arith.addi %scan3A, %scan3A_24 : i32
    %scan3A_26 = arith.constant 1 : i32
    scf.for %scan3A_96 = %scan3A to %scan3A_25 step %scan3A_26  : i32 {
      %broadcast_in_dim3A = arith.constant 0.000000e+00 : f32
      %broadcast_in_dim3A_97 = vector.broadcast %broadcast_in_dim3A : f32 to vector<16xf32>
      %swap3A = arith.index_cast %scan3A_96 : i32 to index
      %swap3A_98 = arith.constant 0 : index
      %swap3A_99 = tpu.vector_load %arg10[%swap3A, %swap3A_98] {strides = array<i32>} : memref<128x128xf32, #tpu.memory_space<vmem>>, vector<1x16xf32>,
      %swap3A_100 = vector.shape_cast %swap3A_99 : vector<1x16xf32> to vector<16xf32>
      %swap3A_101 = vector.shape_cast %broadcast_in_dim3A_97 : vector<16xf32> to vector<1x16xf32>
      tpu.vector_store %arg10[%swap3A, %swap3A_98], %swap3A_101 {strides = array<i32>} : memref<128x128xf32, #tpu.memory_space<vmem>>, vector<1x16xf32>,
      %broadcast_in_dim3A_102 = arith.constant 0.000000e+00 : f32
      %broadcast_in_dim3A_103 = vector.broadcast %broadcast_in_dim3A_102 : f32 to vector<16xf32>
      %swap3A_104 = arith.index_cast %scan3A_96 : i32 to index
      %swap3A_105 = arith.constant 16 : index
      %swap3A_106 = tpu.vector_load %arg10[%swap3A_104, %swap3A_105] {strides = array<i32>} : memref<128x128xf32, #tpu.memory_space<vmem>>, vector<1x16xf32>,
      %swap3A_107 = vector.shape_cast %swap3A_106 : vector<1x16xf32> to vector<16xf32>
      %swap3A_108 = vector.shape_cast %broadcast_in_dim3A_103 : vector<16xf32> to vector<1x16xf32>
      tpu.vector_store %arg10[%swap3A_104, %swap3A_105], %swap3A_108 {strides = array<i32>} : memref<128x128xf32, #tpu.memory_space<vmem>>, vector<1x16xf32>,
      %broadcast_in_dim3A_109 = arith.constant 0.000000e+00 : f32
      %broadcast_in_dim3A_110 = vector.broadcast %broadcast_in_dim3A_109 : f32 to vector<16xf32>
      %swap3A_111 = arith.index_cast %scan3A_96 : i32 to index
      %swap3A_112 = arith.constant 32 : index
      %swap3A_113 = tpu.vector_load %arg10[%swap3A_111, %swap3A_112] {strides = array<i32>} : memref<128x128xf32, #tpu.memory_space<vmem>>, vector<1x16xf32>,
      %swap3A_114 = vector.shape_cast %swap3A_113 : vector<1x16xf32> to vector<16xf32>
      %swap3A_115 = vector.shape_cast %broadcast_in_dim3A_110 : vector<16xf32> to vector<1x16xf32>
      tpu.vector_store %arg10[%swap3A_111, %swap3A_112], %swap3A_115 {strides = array<i32>} : memref<128x128xf32, #tpu.memory_space<vmem>>, vector<1x16xf32>,
      %broadcast_in_dim3A_116 = arith.constant 0.000000e+00 : f32
      %broadcast_in_dim3A_117 = vector.broadcast %broadcast_in_dim3A_116 : f32 to vector<16xf32>
      %swap3A_118 = arith.index_cast %scan3A_96 : i32 to index
      %swap3A_119 = arith.constant 48 : index
      %swap3A_120 = tpu.vector_load %arg10[%swap3A_118, %swap3A_119] {strides = array<i32>} : memref<128x128xf32, #tpu.memory_space<vmem>>, vector<1x16xf32>,
      %swap3A_121 = vector.shape_cast %swap3A_120 : vector<1x16xf32> to vector<16xf32>
      %swap3A_122 = vector.shape_cast %broadcast_in_dim3A_117 : vector<16xf32> to vector<1x16xf32>
      tpu.vector_store %arg10[%swap3A_118, %swap3A_119], %swap3A_122 {strides = array<i32>} : memref<128x128xf32, #tpu.memory_space<vmem>>, vector<1x16xf32>,
      %broadcast_in_dim3A_123 = arith.constant 0.000000e+00 : f32
      %broadcast_in_dim3A_124 = vector.broadcast %broadcast_in_dim3A_123 : f32 to vector<16xf32>
      %swap3A_125 = arith.index_cast %scan3A_96 : i32 to index
      %swap3A_126 = arith.constant 64 : index
      %swap3A_127 = tpu.vector_load %arg10[%swap3A_125, %swap3A_126] {strides = array<i32>} : memref<128x128xf32, #tpu.memory_space<vmem>>, vector<1x16xf32>,
      %swap3A_128 = vector.shape_cast %swap3A_127 : vector<1x16xf32> to vector<16xf32>
      %swap3A_129 = vector.shape_cast %broadcast_in_dim3A_124 : vector<16xf32> to vector<1x16xf32>
      tpu.vector_store %arg10[%swap3A_125, %swap3A_126], %swap3A_129 {strides = array<i32>} : memref<128x128xf32, #tpu.memory_space<vmem>>, vector<1x16xf32>,
      %broadcast_in_dim3A_130 = arith.constant 0.000000e+00 : f32
      %broadcast_in_dim3A_131 = vector.broadcast %broadcast_in_dim3A_130 : f32 to vector<16xf32>
      %swap3A_132 = arith.index_cast %scan3A_96 : i32 to index
      %swap3A_133 = arith.constant 80 : index
      %swap3A_134 = tpu.vector_load %arg10[%swap3A_132, %swap3A_133] {strides = array<i32>} : memref<128x128xf32, #tpu.memory_space<vmem>>, vector<1x16xf32>,
      %swap3A_135 = vector.shape_cast %swap3A_134 : vector<1x16xf32> to vector<16xf32>
      %swap3A_136 = vector.shape_cast %broadcast_in_dim3A_131 : vector<16xf32> to vector<1x16xf32>
      tpu.vector_store %arg10[%swap3A_132, %swap3A_133], %swap3A_136 {strides = array<i32>} : memref<128x128xf32, #tpu.memory_space<vmem>>, vector<1x16xf32>,
      %broadcast_in_dim3A_137 = arith.constant 0.000000e+00 : f32
      %broadcast_in_dim3A_138 = vector.broadcast %broadcast_in_dim3A_137 : f32 to vector<16xf32>
      %swap3A_139 = arith.index_cast %scan3A_96 : i32 to index
      %swap3A_140 = arith.constant 96 : index
      %swap3A_141 = tpu.vector_load %arg10[%swap3A_139, %swap3A_140] {strides = array<i32>} : memref<128x128xf32, #tpu.memory_space<vmem>>, vector<1x16xf32>,
      %swap3A_142 = vector.shape_cast %swap3A_141 : vector<1x16xf32> to vector<16xf32>
      %swap3A_143 = vector.shape_cast %broadcast_in_dim3A_138 : vector<16xf32> to vector<1x16xf32>
      tpu.vector_store %arg10[%swap3A_139, %swap3A_140], %swap3A_143 {strides = array<i32>} : memref<128x128xf32, #tpu.memory_space<vmem>>, vector<1x16xf32>,
      %broadcast_in_dim3A_144 = arith.constant 0.000000e+00 : f32
      %broadcast_in_dim3A_145 = vector.broadcast %broadcast_in_dim3A_144 : f32 to vector<16xf32>
      %swap3A_146 = arith.index_cast %scan3A_96 : i32 to index
      %swap3A_147 = arith.constant 112 : index
      %swap3A_148 = tpu.vector_load %arg10[%swap3A_146, %swap3A_147] {strides = array<i32>} : memref<128x128xf32, #tpu.memory_space<vmem>>, vector<1x16xf32>,
      %swap3A_149 = vector.shape_cast %swap3A_148 : vector<1x16xf32> to vector<16xf32>
      %swap3A_150 = vector.shape_cast %broadcast_in_dim3A_145 : vector<16xf32> to vector<1x16xf32>
      tpu.vector_store %arg10[%swap3A_146, %swap3A_147], %swap3A_150 {strides = array<i32>} : memref<128x128xf32, #tpu.memory_space<vmem>>, vector<1x16xf32>,
    }
    %scan3A_27 = arith.constant 128 : i32
    %mul3A_28 = arith.constant 640 : i32
    %mul3A_29 = arith.muli %arg1, %mul3A_28 : i32
    %add3A_30 = arith.constant 0 : i32
    %add3A_31 = arith.addi %mul3A_29, %add3A_30 : i32
    "tpu.region"() ({
      %run_scoped3A = tpu.sem_alloc : memref<!tpu.dma_semaphore, #tpu.memory_space<semaphore_mem>>
      %dma_start3A_96 = arith.constant 0 : i32
      %dma_start3A_97 = tpu.memref_slice %arg12[%add3A_31, %dma_start3A_96] : memref<10240x128xf32, #tpu.memory_space<vmem_shared>> -> memref<128x128xf32, #tpu.memory_space<vmem_shared>>
      %dma_start3A_98 = arith.constant 0 : i32
      %dma_start3A_99 = tpu.memref_slice %arg12[%add3A_31, %dma_start3A_98] : memref<10240x128xf32, #tpu.memory_space<vmem_shared>> -> memref<128x128xf32, #tpu.memory_space<vmem_shared>>
      tpu.enqueue_dma source(%arg10 : memref<128x128xf32, #tpu.memory_space<vmem>>) target(%dma_start3A_99 : memref<128x128xf32, #tpu.memory_space<vmem_shared>>) target_semaphore(%run_scoped3A : memref<!tpu.dma_semaphore, #tpu.memory_space<semaphore_mem>>)
      %dma_wait3A_100 = arith.constant 0 : i32
      %dma_wait3A_101 = tpu.memref_slice %arg12[%add3A_31, %dma_wait3A_100] : memref<10240x128xf32, #tpu.memory_space<vmem_shared>> -> memref<128x128xf32, #tpu.memory_space<vmem_shared>>
      %dma_wait3A_102 = arith.constant 0 : i32
      %dma_wait3A_103 = tpu.memref_slice %arg12[%add3A_31, %dma_wait3A_102] : memref<10240x128xf32, #tpu.memory_space<vmem_shared>> -> memref<128x128xf32, #tpu.memory_space<vmem_shared>>
      tpu.wait_dma2 semaphore(%run_scoped3A : memref<!tpu.dma_semaphore, #tpu.memory_space<semaphore_mem>>) src(%arg10 : memref<128x128xf32, #tpu.memory_space<vmem>>) dst(%dma_wait3A_103 : memref<128x128xf32, #tpu.memory_space<vmem_shared>>)
      tpu.yield
    }) : () -> ()
    %mul3A_32 = arith.constant 640 : i32
    %mul3A_33 = arith.muli %arg1, %mul3A_32 : i32
    %add3A_34 = arith.constant 128 : i32
    %add3A_35 = arith.addi %mul3A_33, %add3A_34 : i32
    "tpu.region"() ({
      %run_scoped3A = tpu.sem_alloc : memref<!tpu.dma_semaphore, #tpu.memory_space<semaphore_mem>>
      %dma_start3A_96 = arith.constant 0 : i32
      %dma_start3A_97 = tpu.memref_slice %arg12[%add3A_35, %dma_start3A_96] : memref<10240x128xf32, #tpu.memory_space<vmem_shared>> -> memref<128x128xf32, #tpu.memory_space<vmem_shared>>
      %dma_start3A_98 = arith.constant 0 : i32
      %dma_start3A_99 = tpu.memref_slice %arg12[%add3A_35, %dma_start3A_98] : memref<10240x128xf32, #tpu.memory_space<vmem_shared>> -> memref<128x128xf32, #tpu.memory_space<vmem_shared>>
      tpu.enqueue_dma source(%arg10 : memref<128x128xf32, #tpu.memory_space<vmem>>) target(%dma_start3A_99 : memref<128x128xf32, #tpu.memory_space<vmem_shared>>) target_semaphore(%run_scoped3A : memref<!tpu.dma_semaphore, #tpu.memory_space<semaphore_mem>>)
      %dma_wait3A_100 = arith.constant 0 : i32
      %dma_wait3A_101 = tpu.memref_slice %arg12[%add3A_35, %dma_wait3A_100] : memref<10240x128xf32, #tpu.memory_space<vmem_shared>> -> memref<128x128xf32, #tpu.memory_space<vmem_shared>>
      %dma_wait3A_102 = arith.constant 0 : i32
      %dma_wait3A_103 = tpu.memref_slice %arg12[%add3A_35, %dma_wait3A_102] : memref<10240x128xf32, #tpu.memory_space<vmem_shared>> -> memref<128x128xf32, #tpu.memory_space<vmem_shared>>
      tpu.wait_dma2 semaphore(%run_scoped3A : memref<!tpu.dma_semaphore, #tpu.memory_space<semaphore_mem>>) src(%arg10 : memref<128x128xf32, #tpu.memory_space<vmem>>) dst(%dma_wait3A_103 : memref<128x128xf32, #tpu.memory_space<vmem_shared>>)
      tpu.yield
    }) : () -> ()
    %mul3A_36 = arith.constant 640 : i32
    %mul3A_37 = arith.muli %arg1, %mul3A_36 : i32
    %add3A_38 = arith.constant 256 : i32
    %add3A_39 = arith.addi %mul3A_37, %add3A_38 : i32
    "tpu.region"() ({
      %run_scoped3A = tpu.sem_alloc : memref<!tpu.dma_semaphore, #tpu.memory_space<semaphore_mem>>
      %dma_start3A_96 = arith.constant 0 : i32
      %dma_start3A_97 = tpu.memref_slice %arg12[%add3A_39, %dma_start3A_96] : memref<10240x128xf32, #tpu.memory_space<vmem_shared>> -> memref<128x128xf32, #tpu.memory_space<vmem_shared>>
      %dma_start3A_98 = arith.constant 0 : i32
      %dma_start3A_99 = tpu.memref_slice %arg12[%add3A_39, %dma_start3A_98] : memref<10240x128xf32, #tpu.memory_space<vmem_shared>> -> memref<128x128xf32, #tpu.memory_space<vmem_shared>>
      tpu.enqueue_dma source(%arg10 : memref<128x128xf32, #tpu.memory_space<vmem>>) target(%dma_start3A_99 : memref<128x128xf32, #tpu.memory_space<vmem_shared>>) target_semaphore(%run_scoped3A : memref<!tpu.dma_semaphore, #tpu.memory_space<semaphore_mem>>)
      %dma_wait3A_100 = arith.constant 0 : i32
      %dma_wait3A_101 = tpu.memref_slice %arg12[%add3A_39, %dma_wait3A_100] : memref<10240x128xf32, #tpu.memory_space<vmem_shared>> -> memref<128x128xf32, #tpu.memory_space<vmem_shared>>
      %dma_wait3A_102 = arith.constant 0 : i32
      %dma_wait3A_103 = tpu.memref_slice %arg12[%add3A_39, %dma_wait3A_102] : memref<10240x128xf32, #tpu.memory_space<vmem_shared>> -> memref<128x128xf32, #tpu.memory_space<vmem_shared>>
      tpu.wait_dma2 semaphore(%run_scoped3A : memref<!tpu.dma_semaphore, #tpu.memory_space<semaphore_mem>>) src(%arg10 : memref<128x128xf32, #tpu.memory_space<vmem>>) dst(%dma_wait3A_103 : memref<128x128xf32, #tpu.memory_space<vmem_shared>>)
      tpu.yield
    }) : () -> ()
    %mul3A_40 = arith.constant 640 : i32
    %mul3A_41 = arith.muli %arg1, %mul3A_40 : i32
    %add3A_42 = arith.constant 384 : i32
    %add3A_43 = arith.addi %mul3A_41, %add3A_42 : i32
    "tpu.region"() ({
      %run_scoped3A = tpu.sem_alloc : memref<!tpu.dma_semaphore, #tpu.memory_space<semaphore_mem>>
      %dma_start3A_96 = arith.constant 0 : i32
      %dma_start3A_97 = tpu.memref_slice %arg12[%add3A_43, %dma_start3A_96] : memref<10240x128xf32, #tpu.memory_space<vmem_shared>> -> memref<128x128xf32, #tpu.memory_space<vmem_shared>>
      %dma_start3A_98 = arith.constant 0 : i32
      %dma_start3A_99 = tpu.memref_slice %arg12[%add3A_43, %dma_start3A_98] : memref<10240x128xf32, #tpu.memory_space<vmem_shared>> -> memref<128x128xf32, #tpu.memory_space<vmem_shared>>
      tpu.enqueue_dma source(%arg10 : memref<128x128xf32, #tpu.memory_space<vmem>>) target(%dma_start3A_99 : memref<128x128xf32, #tpu.memory_space<vmem_shared>>) target_semaphore(%run_scoped3A : memref<!tpu.dma_semaphore, #tpu.memory_space<semaphore_mem>>)
      %dma_wait3A_100 = arith.constant 0 : i32
      %dma_wait3A_101 = tpu.memref_slice %arg12[%add3A_43, %dma_wait3A_100] : memref<10240x128xf32, #tpu.memory_space<vmem_shared>> -> memref<128x128xf32, #tpu.memory_space<vmem_shared>>
      %dma_wait3A_102 = arith.constant 0 : i32
      %dma_wait3A_103 = tpu.memref_slice %arg12[%add3A_43, %dma_wait3A_102] : memref<10240x128xf32, #tpu.memory_space<vmem_shared>> -> memref<128x128xf32, #tpu.memory_space<vmem_shared>>
      tpu.wait_dma2 semaphore(%run_scoped3A : memref<!tpu.dma_semaphore, #tpu.memory_space<semaphore_mem>>) src(%arg10 : memref<128x128xf32, #tpu.memory_space<vmem>>) dst(%dma_wait3A_103 : memref<128x128xf32, #tpu.memory_space<vmem_shared>>)
      tpu.yield
    }) : () -> ()
    %mul3A_44 = arith.constant 640 : i32
    %mul3A_45 = arith.muli %arg1, %mul3A_44 : i32
    %add3A_46 = arith.constant 512 : i32
    %add3A_47 = arith.addi %mul3A_45, %add3A_46 : i32
    "tpu.region"() ({
      %run_scoped3A = tpu.sem_alloc : memref<!tpu.dma_semaphore, #tpu.memory_space<semaphore_mem>>
      %dma_start3A_96 = arith.constant 0 : i32
      %dma_start3A_97 = tpu.memref_slice %arg12[%add3A_47, %dma_start3A_96] : memref<10240x128xf32, #tpu.memory_space<vmem_shared>> -> memref<128x128xf32, #tpu.memory_space<vmem_shared>>
      %dma_start3A_98 = arith.constant 0 : i32
      %dma_start3A_99 = tpu.memref_slice %arg12[%add3A_47, %dma_start3A_98] : memref<10240x128xf32, #tpu.memory_space<vmem_shared>> -> memref<128x128xf32, #tpu.memory_space<vmem_shared>>
      tpu.enqueue_dma source(%arg10 : memref<128x128xf32, #tpu.memory_space<vmem>>) target(%dma_start3A_99 : memref<128x128xf32, #tpu.memory_space<vmem_shared>>) target_semaphore(%run_scoped3A : memref<!tpu.dma_semaphore, #tpu.memory_space<semaphore_mem>>)
      %dma_wait3A_100 = arith.constant 0 : i32
      %dma_wait3A_101 = tpu.memref_slice %arg12[%add3A_47, %dma_wait3A_100] : memref<10240x128xf32, #tpu.memory_space<vmem_shared>> -> memref<128x128xf32, #tpu.memory_space<vmem_shared>>
      %dma_wait3A_102 = arith.constant 0 : i32
      %dma_wait3A_103 = tpu.memref_slice %arg12[%add3A_47, %dma_wait3A_102] : memref<10240x128xf32, #tpu.memory_space<vmem_shared>> -> memref<128x128xf32, #tpu.memory_space<vmem_shared>>
      tpu.wait_dma2 semaphore(%run_scoped3A : memref<!tpu.dma_semaphore, #tpu.memory_space<semaphore_mem>>) src(%arg10 : memref<128x128xf32, #tpu.memory_space<vmem>>) dst(%dma_wait3A_103 : memref<128x128xf32, #tpu.memory_space<vmem_shared>>)
      tpu.yield
    }) : () -> ()
    %barrier3A = arith.constant 0 : index
    tpu.barrier barrier_id(%barrier3A)
    %add3A_48 = arith.constant 0 : i32
    %add3A_49 = arith.addi %mul3A_10, %add3A_48 : i32
    %dma_start3A_50 = tpu.memref_slice %arg4[%add3A_49] : memref<320000xi32, #tpu.memory_space<hbm>> -> memref<128xi32, #tpu.memory_space<hbm>>
    %dma_start3A_51 = tpu.memref_slice %arg4[%add3A_49] : memref<320000xi32, #tpu.memory_space<hbm>> -> memref<128xi32, #tpu.memory_space<hbm>>
    tpu.enqueue_dma source(%dma_start3A_51 : memref<128xi32, #tpu.memory_space<hbm>>) target(%arg8 : memref<128xi32, #tpu.memory_space<vmem>>) target_semaphore(%arg18 : memref<!tpu.dma_semaphore, #tpu.memory_space<semaphore_mem>>)
    %dma_start3A_52 = arith.constant 0 : i32
    %dma_start3A_53 = tpu.memref_slice %arg7[%dma_start3A_52] : memref<10240xi32, #tpu.memory_space<vmem>> -> memref<128xi32, #tpu.memory_space<vmem>>
    %dma_start3A_54 = arith.constant 0 : i32
    %dma_start3A_55 = arith.constant 0 : i32
    %dma_start3A_56 = tpu.memref_slice %arg2[%dma_start3A_54, %dma_start3A_55] : memref<10000x128xf32, #tpu.memory_space<hbm>> -> memref<10000x128xf32, #tpu.memory_space<hbm>>
    tpu.enqueue_indirect_dma source(%dma_start3A_56 : memref<10000x128xf32, #tpu.memory_space<hbm>>) target(%arg10 : memref<128x128xf32, #tpu.memory_space<vmem>>) offsets(%dma_start3A_53 : memref<128xi32, #tpu.memory_space<vmem>>) semaphore(%arg14 : memref<!tpu.dma_semaphore, #tpu.memory_space<semaphore_mem>>)
    %jit3A_57 = arith.constant 2 : i32
    %div3A = arith.divsi %select_n3A, %jit3A_57 : i32
    %sign3A = arith.constant 0 : i32
    %sign3A_58 = arith.cmpi sgt, %select_n3A, %sign3A : i32
    %sign3A_59 = arith.extui %sign3A_58 : i1 to i32
    %sign3A_60 = arith.constant 0 : i32
    %sign3A_61 = arith.cmpi slt, %select_n3A, %sign3A_60 : i32
    %sign3A_62 = arith.extui %sign3A_61 : i1 to i32
    %sign3A_63 = arith.subi %sign3A_59, %sign3A_62 : i32
    %sign3A_64 = arith.constant 0 : i32
    %sign3A_65 = arith.cmpi sgt, %jit3A_57, %sign3A_64 : i32
    %sign3A_66 = arith.extui %sign3A_65 : i1 to i32
    %sign3A_67 = arith.constant 0 : i32
    %sign3A_68 = arith.cmpi slt, %jit3A_57, %sign3A_67 : i32
    %sign3A_69 = arith.extui %sign3A_68 : i1 to i32
    %sign3A_70 = arith.subi %sign3A_66, %sign3A_69 : i32
    %ne3A = arith.cmpi ne, %sign3A_63, %sign3A_70 : i32
    %rem3A = arith.remsi %select_n3A, %jit3A_57 : i32
    %ne3A_71 = arith.constant 0 : i32
    %ne3A_72 = arith.cmpi ne, %rem3A, %ne3A_71 : i32
    %and3A = arith.andi %ne3A, %ne3A_72 : i1
    %sub3A = arith.constant 1 : i32
    %sub3A_73 = arith.subi %div3A, %sub3A : i32
    %select_n3A_74 = arith.select %and3A, %sub3A_73, %div3A : i32
    %while3A = arith.constant 0 : i32
    %while3A_75 = arith.subi %select_n3A_74, %while3A : i32
    %while3A_76 = arith.addi %while3A, %while3A_75 : i32
    %while3A_77 = arith.constant 1 : i32
    %while3A_78 = arith.divsi %while3A_75, %while3A_77 : i32
    %while3A_79 = arith.muli %while3A_78, %while3A_77 : i32
    %while3A_80 = arith.addi %while3A, %while3A_79 : i32
    %while3A_81 = arith.constant 1 : i32
    scf.for %while3A_96 = %while3A to %while3A_80 step %while3A_81  : i32 {
      %mul3A_97 = arith.constant 2 : i32
      %mul3A_98 = arith.muli %mul3A_97, %while3A_96 : i32
      %add3A_99 = arith.constant 0 : i32
      %add3A_100 = arith.addi %mul3A_98, %add3A_99 : i32
      %ge3A = arith.constant 1 : i32
      %ge3A_101 = arith.cmpi sge, %add3A_100, %ge3A : i32
      %convert_element_type3A_102 = arith.extui %ge3A_101 : i1 to i32
      %cond3A_103 = arith.constant 0 : i32
      %cond3A_104 = arith.cmpi ne, %convert_element_type3A_102, %cond3A_103 : i32
      scf.if %cond3A_104 {
        %dma_wait3A_150 = arith.constant 0 : i32
        %dma_wait3A_151 = arith.constant 0 : i32
        %dma_wait3A_152 = tpu.memref_slice %arg12[%dma_wait3A_150, %dma_wait3A_151] : memref<10240x128xf32, #tpu.memory_space<vmem_shared>> -> memref<10240x128xf32, #tpu.memory_space<vmem_shared>>
        tpu.wait_indirect_dma semaphore(%arg17 : memref<!tpu.dma_semaphore, #tpu.memory_space<semaphore_mem>>) src(%arg11 : memref<128x128xf32, #tpu.memory_space<vmem>>) dst(%dma_wait3A_152 : memref<10240x128xf32, #tpu.memory_space<vmem_shared>>)
      } else {
      }
      %add3A_105 = arith.constant 1 : i32
      %add3A_106 = arith.addi %add3A_100, %add3A_105 : i32
      %lt3A_107 = arith.cmpi slt, %add3A_106, %select_n3A : i32
      %convert_element_type3A_108 = arith.extui %lt3A_107 : i1 to i32
      %cond3A_109 = arith.constant 0 : i32
      %cond3A_110 = arith.cmpi ne, %convert_element_type3A_108, %cond3A_109 : i32
      scf.if %cond3A_110 {
        %add3A_150 = arith.constant 1 : i32
        %add3A_151 = arith.addi %add3A_100, %add3A_150 : i32
        %mul3A_152 = arith.constant 128 : i32
        %mul3A_153 = arith.muli %add3A_151, %mul3A_152 : i32
        %add3A_154 = arith.addi %mul3A_10, %mul3A_153 : i32
        %dma_start3A_155 = tpu.memref_slice %arg4[%add3A_154] : memref<320000xi32, #tpu.memory_space<hbm>> -> memref<128xi32, #tpu.memory_space<hbm>>
        %dma_start3A_156 = tpu.memref_slice %arg4[%add3A_154] : memref<320000xi32, #tpu.memory_space<hbm>> -> memref<128xi32, #tpu.memory_space<hbm>>
        tpu.enqueue_dma source(%dma_start3A_156 : memref<128xi32, #tpu.memory_space<hbm>>) target(%arg9 : memref<128xi32, #tpu.memory_space<vmem>>) target_semaphore(%arg19 : memref<!tpu.dma_semaphore, #tpu.memory_space<semaphore_mem>>)
        %mul3A_157 = arith.constant 128 : i32
        %mul3A_158 = arith.muli %add3A_151, %mul3A_157 : i32
        %dma_start3A_159 = tpu.memref_slice %arg7[%mul3A_158] : memref<10240xi32, #tpu.memory_space<vmem>> -> memref<128xi32, #tpu.memory_space<vmem>>
        %dma_start3A_160 = arith.constant 0 : i32
        %dma_start3A_161 = arith.constant 0 : i32
        %dma_start3A_162 = tpu.memref_slice %arg2[%dma_start3A_160, %dma_start3A_161] : memref<10000x128xf32, #tpu.memory_space<hbm>> -> memref<10000x128xf32, #tpu.memory_space<hbm>>
        tpu.enqueue_indirect_dma source(%dma_start3A_162 : memref<10000x128xf32, #tpu.memory_space<hbm>>) target(%arg11 : memref<128x128xf32, #tpu.memory_space<vmem>>) offsets(%dma_start3A_159 : memref<128xi32, #tpu.memory_space<vmem>>) semaphore(%arg15 : memref<!tpu.dma_semaphore, #tpu.memory_space<semaphore_mem>>)
      } else {
      }
      %dma_wait3A_111 = arith.constant 0 : i32
      %dma_wait3A_112 = tpu.memref_slice %arg4[%dma_wait3A_111] : memref<320000xi32, #tpu.memory_space<hbm>> -> memref<128xi32, #tpu.memory_space<hbm>>
      %dma_wait3A_113 = arith.constant 0 : i32
      %dma_wait3A_114 = tpu.memref_slice %arg4[%dma_wait3A_113] : memref<320000xi32, #tpu.memory_space<hbm>> -> memref<128xi32, #tpu.memory_space<hbm>>
      tpu.wait_dma2 semaphore(%arg18 : memref<!tpu.dma_semaphore, #tpu.memory_space<semaphore_mem>>) src(%dma_wait3A_114 : memref<128xi32, #tpu.memory_space<hbm>>) dst(%arg8 : memref<128xi32, #tpu.memory_space<vmem>>)
      %dma_wait3A_115 = arith.constant 0 : i32
      %dma_wait3A_116 = tpu.memref_slice %arg7[%dma_wait3A_115] : memref<10240xi32, #tpu.memory_space<vmem>> -> memref<128xi32, #tpu.memory_space<vmem>>
      %dma_wait3A_117 = arith.constant 0 : i32
      %dma_wait3A_118 = arith.constant 0 : i32
      %dma_wait3A_119 = tpu.memref_slice %arg2[%dma_wait3A_117, %dma_wait3A_118] : memref<10000x128xf32, #tpu.memory_space<hbm>> -> memref<10000x128xf32, #tpu.memory_space<hbm>>
      tpu.wait_indirect_dma semaphore(%arg14 : memref<!tpu.dma_semaphore, #tpu.memory_space<semaphore_mem>>) src(%dma_wait3A_119 : memref<10000x128xf32, #tpu.memory_space<hbm>>) dst(%arg10 : memref<128x128xf32, #tpu.memory_space<vmem>>)
      %dma_start3A_120 = arith.constant 0 : i32
      %dma_start3A_121 = arith.constant 0 : i32
      %dma_start3A_122 = tpu.memref_slice %arg12[%dma_start3A_120, %dma_start3A_121] : memref<10240x128xf32, #tpu.memory_space<vmem_shared>> -> memref<10240x128xf32, #tpu.memory_space<vmem_shared>>
      tpu.enqueue_indirect_dma source(%arg10 : memref<128x128xf32, #tpu.memory_space<vmem>>) target(%dma_start3A_122 : memref<10240x128xf32, #tpu.memory_space<vmem_shared>>) offsets(%arg8 : memref<128xi32, #tpu.memory_space<vmem>>) semaphore(%arg16 : memref<!tpu.dma_semaphore, #tpu.memory_space<semaphore_mem>>) {add = true}
      %mul3A_123 = arith.constant 2 : i32
      %mul3A_124 = arith.muli %mul3A_123, %while3A_96 : i32
      %add3A_125 = arith.constant 1 : i32
      %add3A_126 = arith.addi %mul3A_124, %add3A_125 : i32
      %ge3A_127 = arith.constant 1 : i32
      %ge3A_128 = arith.cmpi sge, %add3A_126, %ge3A_127 : i32
      %convert_element_type3A_129 = arith.extui %ge3A_128 : i1 to i32
      %cond3A_130 = arith.constant 0 : i32
      %cond3A_131 = arith.cmpi ne, %convert_element_type3A_129, %cond3A_130 : i32
      scf.if %cond3A_131 {
        %dma_wait3A_150 = arith.constant 0 : i32
        %dma_wait3A_151 = arith.constant 0 : i32
        %dma_wait3A_152 = tpu.memref_slice %arg12[%dma_wait3A_150, %dma_wait3A_151] : memref<10240x128xf32, #tpu.memory_space<vmem_shared>> -> memref<10240x128xf32, #tpu.memory_space<vmem_shared>>
        tpu.wait_indirect_dma semaphore(%arg16 : memref<!tpu.dma_semaphore, #tpu.memory_space<semaphore_mem>>) src(%arg10 : memref<128x128xf32, #tpu.memory_space<vmem>>) dst(%dma_wait3A_152 : memref<10240x128xf32, #tpu.memory_space<vmem_shared>>)
      } else {
      }
      %add3A_132 = arith.constant 1 : i32
      %add3A_133 = arith.addi %add3A_126, %add3A_132 : i32
      %lt3A_134 = arith.cmpi slt, %add3A_133, %select_n3A : i32
      %convert_element_type3A_135 = arith.extui %lt3A_134 : i1 to i32
      %cond3A_136 = arith.constant 0 : i32
      %cond3A_137 = arith.cmpi ne, %convert_element_type3A_135, %cond3A_136 : i32
      scf.if %cond3A_137 {
        %add3A_150 = arith.constant 1 : i32
        %add3A_151 = arith.addi %add3A_126, %add3A_150 : i32
        %mul3A_152 = arith.constant 128 : i32
        %mul3A_153 = arith.muli %add3A_151, %mul3A_152 : i32
        %add3A_154 = arith.addi %mul3A_10, %mul3A_153 : i32
        %dma_start3A_155 = tpu.memref_slice %arg4[%add3A_154] : memref<320000xi32, #tpu.memory_space<hbm>> -> memref<128xi32, #tpu.memory_space<hbm>>
        %dma_start3A_156 = tpu.memref_slice %arg4[%add3A_154] : memref<320000xi32, #tpu.memory_space<hbm>> -> memref<128xi32, #tpu.memory_space<hbm>>
        tpu.enqueue_dma source(%dma_start3A_156 : memref<128xi32, #tpu.memory_space<hbm>>) target(%arg8 : memref<128xi32, #tpu.memory_space<vmem>>) target_semaphore(%arg18 : memref<!tpu.dma_semaphore, #tpu.memory_space<semaphore_mem>>)
        %mul3A_157 = arith.constant 128 : i32
        %mul3A_158 = arith.muli %add3A_151, %mul3A_157 : i32
        %dma_start3A_159 = tpu.memref_slice %arg7[%mul3A_158] : memref<10240xi32, #tpu.memory_space<vmem>> -> memref<128xi32, #tpu.memory_space<vmem>>
        %dma_start3A_160 = arith.constant 0 : i32
        %dma_start3A_161 = arith.constant 0 : i32
        %dma_start3A_162 = tpu.memref_slice %arg2[%dma_start3A_160, %dma_start3A_161] : memref<10000x128xf32, #tpu.memory_space<hbm>> -> memref<10000x128xf32, #tpu.memory_space<hbm>>
        tpu.enqueue_indirect_dma source(%dma_start3A_162 : memref<10000x128xf32, #tpu.memory_space<hbm>>) target(%arg10 : memref<128x128xf32, #tpu.memory_space<vmem>>) offsets(%dma_start3A_159 : memref<128xi32, #tpu.memory_space<vmem>>) semaphore(%arg14 : memref<!tpu.dma_semaphore, #tpu.memory_space<semaphore_mem>>)
      } else {
      }
      %dma_wait3A_138 = arith.constant 0 : i32
      %dma_wait3A_139 = tpu.memref_slice %arg4[%dma_wait3A_138] : memref<320000xi32, #tpu.memory_space<hbm>> -> memref<128xi32, #tpu.memory_space<hbm>>
      %dma_wait3A_140 = arith.constant 0 : i32
      %dma_wait3A_141 = tpu.memref_slice %arg4[%dma_wait3A_140] : memref<320000xi32, #tpu.memory_space<hbm>> -> memref<128xi32, #tpu.memory_space<hbm>>
      tpu.wait_dma2 semaphore(%arg19 : memref<!tpu.dma_semaphore, #tpu.memory_space<semaphore_mem>>) src(%dma_wait3A_141 : memref<128xi32, #tpu.memory_space<hbm>>) dst(%arg9 : memref<128xi32, #tpu.memory_space<vmem>>)
      %dma_wait3A_142 = arith.constant 0 : i32
      %dma_wait3A_143 = tpu.memref_slice %arg7[%dma_wait3A_142] : memref<10240xi32, #tpu.memory_space<vmem>> -> memref<128xi32, #tpu.memory_space<vmem>>
      %dma_wait3A_144 = arith.constant 0 : i32
      %dma_wait3A_145 = arith.constant 0 : i32
      %dma_wait3A_146 = tpu.memref_slice %arg2[%dma_wait3A_144, %dma_wait3A_145] : memref<10000x128xf32, #tpu.memory_space<hbm>> -> memref<10000x128xf32, #tpu.memory_space<hbm>>
      tpu.wait_indirect_dma semaphore(%arg15 : memref<!tpu.dma_semaphore, #tpu.memory_space<semaphore_mem>>) src(%dma_wait3A_146 : memref<10000x128xf32, #tpu.memory_space<hbm>>) dst(%arg11 : memref<128x128xf32, #tpu.memory_space<vmem>>)
      %dma_start3A_147 = arith.constant 0 : i32
      %dma_start3A_148 = arith.constant 0 : i32
      %dma_start3A_149 = tpu.memref_slice %arg12[%dma_start3A_147, %dma_start3A_148] : memref<10240x128xf32, #tpu.memory_space<vmem_shared>> -> memref<10240x128xf32, #tpu.memory_space<vmem_shared>>
      tpu.enqueue_indirect_dma source(%arg11 : memref<128x128xf32, #tpu.memory_space<vmem>>) target(%dma_start3A_149 : memref<10240x128xf32, #tpu.memory_space<vmem_shared>>) offsets(%arg9 : memref<128xi32, #tpu.memory_space<vmem>>) semaphore(%arg17 : memref<!tpu.dma_semaphore, #tpu.memory_space<semaphore_mem>>) {add = true}
    }
    %while3A_82 = arith.constant 1 : i32
    scf.for %while3A_96 = %while3A_80 to %while3A_76 step %while3A_82  : i32 {
      %mul3A_97 = arith.constant 2 : i32
      %mul3A_98 = arith.muli %mul3A_97, %while3A_96 : i32
      %add3A_99 = arith.constant 0 : i32
      %add3A_100 = arith.addi %mul3A_98, %add3A_99 : i32
      %ge3A = arith.constant 1 : i32
      %ge3A_101 = arith.cmpi sge, %add3A_100, %ge3A : i32
      %convert_element_type3A_102 = arith.extui %ge3A_101 : i1 to i32
      %cond3A_103 = arith.constant 0 : i32
      %cond3A_104 = arith.cmpi ne, %convert_element_type3A_102, %cond3A_103 : i32
      scf.if %cond3A_104 {
        %dma_wait3A_150 = arith.constant 0 : i32
        %dma_wait3A_151 = arith.constant 0 : i32
        %dma_wait3A_152 = tpu.memref_slice %arg12[%dma_wait3A_150, %dma_wait3A_151] : memref<10240x128xf32, #tpu.memory_space<vmem_shared>> -> memref<10240x128xf32, #tpu.memory_space<vmem_shared>>
        tpu.wait_indirect_dma semaphore(%arg17 : memref<!tpu.dma_semaphore, #tpu.memory_space<semaphore_mem>>) src(%arg11 : memref<128x128xf32, #tpu.memory_space<vmem>>) dst(%dma_wait3A_152 : memref<10240x128xf32, #tpu.memory_space<vmem_shared>>)
      } else {
      }
      %add3A_105 = arith.constant 1 : i32
      %add3A_106 = arith.addi %add3A_100, %add3A_105 : i32
      %lt3A_107 = arith.cmpi slt, %add3A_106, %select_n3A : i32
      %convert_element_type3A_108 = arith.extui %lt3A_107 : i1 to i32
      %cond3A_109 = arith.constant 0 : i32
      %cond3A_110 = arith.cmpi ne, %convert_element_type3A_108, %cond3A_109 : i32
      scf.if %cond3A_110 {
        %add3A_150 = arith.constant 1 : i32
        %add3A_151 = arith.addi %add3A_100, %add3A_150 : i32
        %mul3A_152 = arith.constant 128 : i32
        %mul3A_153 = arith.muli %add3A_151, %mul3A_152 : i32
        %add3A_154 = arith.addi %mul3A_10, %mul3A_153 : i32
        %dma_start3A_155 = tpu.memref_slice %arg4[%add3A_154] : memref<320000xi32, #tpu.memory_space<hbm>> -> memref<128xi32, #tpu.memory_space<hbm>>
        %dma_start3A_156 = tpu.memref_slice %arg4[%add3A_154] : memref<320000xi32, #tpu.memory_space<hbm>> -> memref<128xi32, #tpu.memory_space<hbm>>
        tpu.enqueue_dma source(%dma_start3A_156 : memref<128xi32, #tpu.memory_space<hbm>>) target(%arg9 : memref<128xi32, #tpu.memory_space<vmem>>) target_semaphore(%arg19 : memref<!tpu.dma_semaphore, #tpu.memory_space<semaphore_mem>>)
        %mul3A_157 = arith.constant 128 : i32
        %mul3A_158 = arith.muli %add3A_151, %mul3A_157 : i32
        %dma_start3A_159 = tpu.memref_slice %arg7[%mul3A_158] : memref<10240xi32, #tpu.memory_space<vmem>> -> memref<128xi32, #tpu.memory_space<vmem>>
        %dma_start3A_160 = arith.constant 0 : i32
        %dma_start3A_161 = arith.constant 0 : i32
        %dma_start3A_162 = tpu.memref_slice %arg2[%dma_start3A_160, %dma_start3A_161] : memref<10000x128xf32, #tpu.memory_space<hbm>> -> memref<10000x128xf32, #tpu.memory_space<hbm>>
        tpu.enqueue_indirect_dma source(%dma_start3A_162 : memref<10000x128xf32, #tpu.memory_space<hbm>>) target(%arg11 : memref<128x128xf32, #tpu.memory_space<vmem>>) offsets(%dma_start3A_159 : memref<128xi32, #tpu.memory_space<vmem>>) semaphore(%arg15 : memref<!tpu.dma_semaphore, #tpu.memory_space<semaphore_mem>>)
      } else {
      }
      %dma_wait3A_111 = arith.constant 0 : i32
      %dma_wait3A_112 = tpu.memref_slice %arg4[%dma_wait3A_111] : memref<320000xi32, #tpu.memory_space<hbm>> -> memref<128xi32, #tpu.memory_space<hbm>>
      %dma_wait3A_113 = arith.constant 0 : i32
      %dma_wait3A_114 = tpu.memref_slice %arg4[%dma_wait3A_113] : memref<320000xi32, #tpu.memory_space<hbm>> -> memref<128xi32, #tpu.memory_space<hbm>>
      tpu.wait_dma2 semaphore(%arg18 : memref<!tpu.dma_semaphore, #tpu.memory_space<semaphore_mem>>) src(%dma_wait3A_114 : memref<128xi32, #tpu.memory_space<hbm>>) dst(%arg8 : memref<128xi32, #tpu.memory_space<vmem>>)
      %dma_wait3A_115 = arith.constant 0 : i32
      %dma_wait3A_116 = tpu.memref_slice %arg7[%dma_wait3A_115] : memref<10240xi32, #tpu.memory_space<vmem>> -> memref<128xi32, #tpu.memory_space<vmem>>
      %dma_wait3A_117 = arith.constant 0 : i32
      %dma_wait3A_118 = arith.constant 0 : i32
      %dma_wait3A_119 = tpu.memref_slice %arg2[%dma_wait3A_117, %dma_wait3A_118] : memref<10000x128xf32, #tpu.memory_space<hbm>> -> memref<10000x128xf32, #tpu.memory_space<hbm>>
      tpu.wait_indirect_dma semaphore(%arg14 : memref<!tpu.dma_semaphore, #tpu.memory_space<semaphore_mem>>) src(%dma_wait3A_119 : memref<10000x128xf32, #tpu.memory_space<hbm>>) dst(%arg10 : memref<128x128xf32, #tpu.memory_space<vmem>>)
      %dma_start3A_120 = arith.constant 0 : i32
      %dma_start3A_121 = arith.constant 0 : i32
      %dma_start3A_122 = tpu.memref_slice %arg12[%dma_start3A_120, %dma_start3A_121] : memref<10240x128xf32, #tpu.memory_space<vmem_shared>> -> memref<10240x128xf32, #tpu.memory_space<vmem_shared>>
      tpu.enqueue_indirect_dma source(%arg10 : memref<128x128xf32, #tpu.memory_space<vmem>>) target(%dma_start3A_122 : memref<10240x128xf32, #tpu.memory_space<vmem_shared>>) offsets(%arg8 : memref<128xi32, #tpu.memory_space<vmem>>) semaphore(%arg16 : memref<!tpu.dma_semaphore, #tpu.memory_space<semaphore_mem>>) {add = true}
      %mul3A_123 = arith.constant 2 : i32
      %mul3A_124 = arith.muli %mul3A_123, %while3A_96 : i32
      %add3A_125 = arith.constant 1 : i32
      %add3A_126 = arith.addi %mul3A_124, %add3A_125 : i32
      %ge3A_127 = arith.constant 1 : i32
      %ge3A_128 = arith.cmpi sge, %add3A_126, %ge3A_127 : i32
      %convert_element_type3A_129 = arith.extui %ge3A_128 : i1 to i32
      %cond3A_130 = arith.constant 0 : i32
      %cond3A_131 = arith.cmpi ne, %convert_element_type3A_129, %cond3A_130 : i32
      scf.if %cond3A_131 {
        %dma_wait3A_150 = arith.constant 0 : i32
        %dma_wait3A_151 = arith.constant 0 : i32
        %dma_wait3A_152 = tpu.memref_slice %arg12[%dma_wait3A_150, %dma_wait3A_151] : memref<10240x128xf32, #tpu.memory_space<vmem_shared>> -> memref<10240x128xf32, #tpu.memory_space<vmem_shared>>
        tpu.wait_indirect_dma semaphore(%arg16 : memref<!tpu.dma_semaphore, #tpu.memory_space<semaphore_mem>>) src(%arg10 : memref<128x128xf32, #tpu.memory_space<vmem>>) dst(%dma_wait3A_152 : memref<10240x128xf32, #tpu.memory_space<vmem_shared>>)
      } else {
      }
      %add3A_132 = arith.constant 1 : i32
      %add3A_133 = arith.addi %add3A_126, %add3A_132 : i32
      %lt3A_134 = arith.cmpi slt, %add3A_133, %select_n3A : i32
      %convert_element_type3A_135 = arith.extui %lt3A_134 : i1 to i32
      %cond3A_136 = arith.constant 0 : i32
      %cond3A_137 = arith.cmpi ne, %convert_element_type3A_135, %cond3A_136 : i32
      scf.if %cond3A_137 {
        %add3A_150 = arith.constant 1 : i32
        %add3A_151 = arith.addi %add3A_126, %add3A_150 : i32
        %mul3A_152 = arith.constant 128 : i32
        %mul3A_153 = arith.muli %add3A_151, %mul3A_152 : i32
        %add3A_154 = arith.addi %mul3A_10, %mul3A_153 : i32
        %dma_start3A_155 = tpu.memref_slice %arg4[%add3A_154] : memref<320000xi32, #tpu.memory_space<hbm>> -> memref<128xi32, #tpu.memory_space<hbm>>
        %dma_start3A_156 = tpu.memref_slice %arg4[%add3A_154] : memref<320000xi32, #tpu.memory_space<hbm>> -> memref<128xi32, #tpu.memory_space<hbm>>
        tpu.enqueue_dma source(%dma_start3A_156 : memref<128xi32, #tpu.memory_space<hbm>>) target(%arg8 : memref<128xi32, #tpu.memory_space<vmem>>) target_semaphore(%arg18 : memref<!tpu.dma_semaphore, #tpu.memory_space<semaphore_mem>>)
        %mul3A_157 = arith.constant 128 : i32
        %mul3A_158 = arith.muli %add3A_151, %mul3A_157 : i32
        %dma_start3A_159 = tpu.memref_slice %arg7[%mul3A_158] : memref<10240xi32, #tpu.memory_space<vmem>> -> memref<128xi32, #tpu.memory_space<vmem>>
        %dma_start3A_160 = arith.constant 0 : i32
        %dma_start3A_161 = arith.constant 0 : i32
        %dma_start3A_162 = tpu.memref_slice %arg2[%dma_start3A_160, %dma_start3A_161] : memref<10000x128xf32, #tpu.memory_space<hbm>> -> memref<10000x128xf32, #tpu.memory_space<hbm>>
        tpu.enqueue_indirect_dma source(%dma_start3A_162 : memref<10000x128xf32, #tpu.memory_space<hbm>>) target(%arg10 : memref<128x128xf32, #tpu.memory_space<vmem>>) offsets(%dma_start3A_159 : memref<128xi32, #tpu.memory_space<vmem>>) semaphore(%arg14 : memref<!tpu.dma_semaphore, #tpu.memory_space<semaphore_mem>>)
      } else {
      }
      %dma_wait3A_138 = arith.constant 0 : i32
      %dma_wait3A_139 = tpu.memref_slice %arg4[%dma_wait3A_138] : memref<320000xi32, #tpu.memory_space<hbm>> -> memref<128xi32, #tpu.memory_space<hbm>>
      %dma_wait3A_140 = arith.constant 0 : i32
      %dma_wait3A_141 = tpu.memref_slice %arg4[%dma_wait3A_140] : memref<320000xi32, #tpu.memory_space<hbm>> -> memref<128xi32, #tpu.memory_space<hbm>>
      tpu.wait_dma2 semaphore(%arg19 : memref<!tpu.dma_semaphore, #tpu.memory_space<semaphore_mem>>) src(%dma_wait3A_141 : memref<128xi32, #tpu.memory_space<hbm>>) dst(%arg9 : memref<128xi32, #tpu.memory_space<vmem>>)
      %dma_wait3A_142 = arith.constant 0 : i32
      %dma_wait3A_143 = tpu.memref_slice %arg7[%dma_wait3A_142] : memref<10240xi32, #tpu.memory_space<vmem>> -> memref<128xi32, #tpu.memory_space<vmem>>
      %dma_wait3A_144 = arith.constant 0 : i32
      %dma_wait3A_145 = arith.constant 0 : i32
      %dma_wait3A_146 = tpu.memref_slice %arg2[%dma_wait3A_144, %dma_wait3A_145] : memref<10000x128xf32, #tpu.memory_space<hbm>> -> memref<10000x128xf32, #tpu.memory_space<hbm>>
      tpu.wait_indirect_dma semaphore(%arg15 : memref<!tpu.dma_semaphore, #tpu.memory_space<semaphore_mem>>) src(%dma_wait3A_146 : memref<10000x128xf32, #tpu.memory_space<hbm>>) dst(%arg11 : memref<128x128xf32, #tpu.memory_space<vmem>>)
      %dma_start3A_147 = arith.constant 0 : i32
      %dma_start3A_148 = arith.constant 0 : i32
      %dma_start3A_149 = tpu.memref_slice %arg12[%dma_start3A_147, %dma_start3A_148] : memref<10240x128xf32, #tpu.memory_space<vmem_shared>> -> memref<10240x128xf32, #tpu.memory_space<vmem_shared>>
      tpu.enqueue_indirect_dma source(%arg11 : memref<128x128xf32, #tpu.memory_space<vmem>>) target(%dma_start3A_149 : memref<10240x128xf32, #tpu.memory_space<vmem_shared>>) offsets(%arg9 : memref<128xi32, #tpu.memory_space<vmem>>) semaphore(%arg17 : memref<!tpu.dma_semaphore, #tpu.memory_space<semaphore_mem>>) {add = true}
    }
    %dma_wait3A_83 = arith.constant 0 : i32
    %dma_wait3A_84 = arith.constant 0 : i32
    %dma_wait3A_85 = tpu.memref_slice %arg12[%dma_wait3A_83, %dma_wait3A_84] : memref<10240x128xf32, #tpu.memory_space<vmem_shared>> -> memref<10240x128xf32, #tpu.memory_space<vmem_shared>>
    tpu.wait_indirect_dma semaphore(%arg17 : memref<!tpu.dma_semaphore, #tpu.memory_space<semaphore_mem>>) src(%arg11 : memref<128x128xf32, #tpu.memory_space<vmem>>) dst(%dma_wait3A_85 : memref<10240x128xf32, #tpu.memory_space<vmem_shared>>)
    %barrier3A_86 = arith.constant 0 : index
    tpu.barrier barrier_id(%barrier3A_86)
    %eq3A = arith.constant 0 : i32
    %eq3A_87 = arith.cmpi eq, %arg0, %eq3A : i32
    %convert_element_type3A_88 = arith.extui %eq3A_87 : i1 to i32
    %cond3A_89 = arith.constant 0 : i32
    %cond3A_90 = arith.cmpi ne, %convert_element_type3A_88, %cond3A_89 : i32
    scf.if %cond3A_90 {
      %mul3A_96 = arith.constant 640 : i32
      %mul3A_97 = arith.muli %arg1, %mul3A_96 : i32
      %mul3A_98 = arith.constant 640 : i32
      %mul3A_99 = arith.muli %arg1, %mul3A_98 : i32
      "tpu.region"() ({
        %run_scoped3A = tpu.sem_alloc : memref<!tpu.dma_semaphore, #tpu.memory_space<semaphore_mem>>
        %dma_start3A_100 = arith.constant 0 : i32
        %dma_start3A_101 = tpu.memref_slice %arg5[%mul3A_99, %dma_start3A_100] : memref<10240x128xf32, #tpu.memory_space<hbm>> -> memref<640x128xf32, #tpu.memory_space<hbm>>
        %dma_start3A_102 = arith.constant 0 : i32
        %dma_start3A_103 = tpu.memref_slice %arg12[%mul3A_97, %dma_start3A_102] : memref<10240x128xf32, #tpu.memory_space<vmem_shared>> -> memref<640x128xf32, #tpu.memory_space<vmem_shared>>
        tpu.enqueue_dma source(%dma_start3A_103 : memref<640x128xf32, #tpu.memory_space<vmem_shared>>) target(%dma_start3A_101 : memref<640x128xf32, #tpu.memory_space<hbm>>) target_semaphore(%run_scoped3A : memref<!tpu.dma_semaphore, #tpu.memory_space<semaphore_mem>>)
        %dma_wait3A_104 = arith.constant 0 : i32
        %dma_wait3A_105 = tpu.memref_slice %arg5[%mul3A_99, %dma_wait3A_104] : memref<10240x128xf32, #tpu.memory_space<hbm>> -> memref<640x128xf32, #tpu.memory_space<hbm>>
        %dma_wait3A_106 = arith.constant 0 : i32
        %dma_wait3A_107 = tpu.memref_slice %arg12[%mul3A_97, %dma_wait3A_106] : memref<10240x128xf32, #tpu.memory_space<vmem_shared>> -> memref<640x128xf32, #tpu.memory_space<vmem_shared>>
        tpu.wait_dma2 semaphore(%run_scoped3A : memref<!tpu.dma_semaphore, #tpu.memory_space<semaphore_mem>>) src(%dma_wait3A_107 : memref<640x128xf32, #tpu.memory_space<vmem_shared>>) dst(%dma_wait3A_105 : memref<640x128xf32, #tpu.memory_space<hbm>>)
        tpu.yield
      }) : () -> ()
    } else {
    }
    %eq3A_91 = arith.constant 1 : i32
    %eq3A_92 = arith.cmpi eq, %arg0, %eq3A_91 : i32
    %convert_element_type3A_93 = arith.extui %eq3A_92 : i1 to i32
    %cond3A_94 = arith.constant 0 : i32
    %cond3A_95 = arith.cmpi ne, %convert_element_type3A_93, %cond3A_94 : i32
    scf.if %cond3A_95 {
      %mul3A_96 = arith.constant 640 : i32
      %mul3A_97 = arith.muli %arg1, %mul3A_96 : i32
      %mul3A_98 = arith.constant 640 : i32
      %mul3A_99 = arith.muli %arg1, %mul3A_98 : i32
      "tpu.region"() ({
        %run_scoped3A = tpu.sem_alloc : memref<!tpu.dma_semaphore, #tpu.memory_space<semaphore_mem>>
        %dma_start3A_100 = arith.constant 0 : i32
        %dma_start3A_101 = tpu.memref_slice %arg6[%mul3A_99, %dma_start3A_100] : memref<10240x128xf32, #tpu.memory_space<hbm>> -> memref<640x128xf32, #tpu.memory_space<hbm>>
        %dma_start3A_102 = arith.constant 0 : i32
        %dma_start3A_103 = tpu.memref_slice %arg12[%mul3A_97, %dma_start3A_102] : memref<10240x128xf32, #tpu.memory_space<vmem_shared>> -> memref<640x128xf32, #tpu.memory_space<vmem_shared>>
        tpu.enqueue_dma source(%dma_start3A_103 : memref<640x128xf32, #tpu.memory_space<vmem_shared>>) target(%dma_start3A_101 : memref<640x128xf32, #tpu.memory_space<hbm>>) target_semaphore(%run_scoped3A : memref<!tpu.dma_semaphore, #tpu.memory_space<semaphore_mem>>)
        %dma_wait3A_104 = arith.constant 0 : i32
        %dma_wait3A_105 = tpu.memref_slice %arg6[%mul3A_99, %dma_wait3A_104] : memref<10240x128xf32, #tpu.memory_space<hbm>> -> memref<640x128xf32, #tpu.memory_space<hbm>>
        %dma_wait3A_106 = arith.constant 0 : i32
        %dma_wait3A_107 = tpu.memref_slice %arg12[%mul3A_97, %dma_wait3A_106] : memref<10240x128xf32, #tpu.memory_space<vmem_shared>> -> memref<640x128xf32, #tpu.memory_space<vmem_shared>>
        tpu.wait_dma2 semaphore(%run_scoped3A : memref<!tpu.dma_semaphore, #tpu.memory_space<semaphore_mem>>) src(%dma_wait3A_107 : memref<640x128xf32, #tpu.memory_space<vmem_shared>>) dst(%dma_wait3A_105 : memref<640x128xf32, #tpu.memory_space<hbm>>)
        tpu.yield
      }) : () -> ()
    } else {
    }
    return
  }
}

#map = affine_map<(d0, d1) -> (0, 0)>
#map1 = affine_map<(d0, d1) -> (0)>
module attributes {stable_mosaic.version = 14 : i64} {
  func.func @_sc_agg_body(%arg0: i32, %arg1: i32, %arg2: memref<10000x128xf32, #tpu.memory_space<hbm>>, %arg3: memref<320000xi32, #tpu.memory_space<hbm>>, %arg4: memref<320000xi32, #tpu.memory_space<hbm>>, %arg5: memref<10240x128xf32, #tpu.memory_space<hbm>>, %arg6: memref<10240x128xf32, #tpu.memory_space<hbm>>, %arg7: memref<10240xi32, #tpu.memory_space<vmem>>, %arg8: memref<128xi32, #tpu.memory_space<vmem>>, %arg9: memref<128xi32, #tpu.memory_space<vmem>>, %arg10: memref<128x128xf32, #tpu.memory_space<vmem>>, %arg11: memref<128x128xf32, #tpu.memory_space<vmem>>, %arg12: memref<10240x128xf32, #tpu.memory_space<vmem_shared>>, %arg13: memref<!tpu.dma_semaphore, #tpu.memory_space<semaphore_mem>>, %arg14: memref<!tpu.dma_semaphore, #tpu.memory_space<semaphore_mem>>, %arg15: memref<!tpu.dma_semaphore, #tpu.memory_space<semaphore_mem>>, %arg16: memref<!tpu.dma_semaphore, #tpu.memory_space<semaphore_mem>>, %arg17: memref<!tpu.dma_semaphore, #tpu.memory_space<semaphore_mem>>, %arg18: memref<!tpu.dma_semaphore, #tpu.memory_space<semaphore_mem>>, %arg19: memref<!tpu.dma_semaphore, #tpu.memory_space<semaphore_mem>>) attributes {dimension_semantics = [#tpu.dimension_semantics<core_parallel>, #tpu.dimension_semantics<subcore_parallel>], iteration_bounds = array<i64: 2, 16>, scalar_prefetch = 0 : i64, scratch_operands = 13 : i64, tpu.core_type = #tpu.core_type<sc_vector_subcore>, window_params = [{transform_indices = #map}, {transform_indices = #map1}, {transform_indices = #map1}, {transform_indices = #map}, {transform_indices = #map}]} {
    %mul3A = arith.constant 2 : i32
    %mul3A_0 = arith.muli %arg1, %mul3A : i32
    %add3A = arith.addi %mul3A_0, %arg0 : i32
    %lt3A = arith.constant 2 : i32
    %lt3A_1 = arith.cmpi slt, %add3A, %lt3A : i32
    %jit3A = arith.constant 80 : i32
    %jit3A_2 = arith.constant 78 : i32
    %select_n3A = arith.select %lt3A_1, %jit3A, %jit3A_2 : i32
    %mul3A_3 = arith.constant 78 : i32
    %mul3A_4 = arith.muli %mul3A_3, %add3A : i32
    %min3A = arith.constant 2 : i32
    %min3A_5 = arith.minsi %add3A, %min3A : i32
    %mul3A_6 = arith.constant 2 : i32
    %mul3A_7 = arith.muli %mul3A_6, %min3A_5 : i32
    %add3A_8 = arith.addi %mul3A_4, %mul3A_7 : i32
    %mul3A_9 = arith.constant 128 : i32
    %mul3A_10 = arith.muli %add3A_8, %mul3A_9 : i32
    %dma_start3A = arith.constant 0 : i32
    %dma_start3A_11 = tpu.memref_slice %arg7[%dma_start3A] : memref<10240xi32, #tpu.memory_space<vmem>> -> memref<9984xi32, #tpu.memory_space<vmem>>
    %dma_start3A_12 = tpu.memref_slice %arg3[%mul3A_10] : memref<320000xi32, #tpu.memory_space<hbm>> -> memref<9984xi32, #tpu.memory_space<hbm>>
    %dma_start3A_13 = arith.constant 0 : i32
    %dma_start3A_14 = tpu.memref_slice %arg7[%dma_start3A_13] : memref<10240xi32, #tpu.memory_space<vmem>> -> memref<9984xi32, #tpu.memory_space<vmem>>
    %dma_start3A_15 = tpu.memref_slice %arg3[%mul3A_10] : memref<320000xi32, #tpu.memory_space<hbm>> -> memref<9984xi32, #tpu.memory_space<hbm>>
    tpu.enqueue_dma source(%dma_start3A_15 : memref<9984xi32, #tpu.memory_space<hbm>>) target(%dma_start3A_14 : memref<9984xi32, #tpu.memory_space<vmem>>) target_semaphore(%arg13 : memref<!tpu.dma_semaphore, #tpu.memory_space<semaphore_mem>>)
    %dma_wait3A = arith.constant 0 : i32
    %dma_wait3A_16 = tpu.memref_slice %arg7[%dma_wait3A] : memref<10240xi32, #tpu.memory_space<vmem>> -> memref<9984xi32, #tpu.memory_space<vmem>>
    %dma_wait3A_17 = tpu.memref_slice %arg3[%mul3A_10] : memref<320000xi32, #tpu.memory_space<hbm>> -> memref<9984xi32, #tpu.memory_space<hbm>>
    %dma_wait3A_18 = arith.constant 0 : i32
    %dma_wait3A_19 = tpu.memref_slice %arg7[%dma_wait3A_18] : memref<10240xi32, #tpu.memory_space<vmem>> -> memref<9984xi32, #tpu.memory_space<vmem>>
    %dma_wait3A_20 = tpu.memref_slice %arg3[%mul3A_10] : memref<320000xi32, #tpu.memory_space<hbm>> -> memref<9984xi32, #tpu.memory_space<hbm>>
    tpu.wait_dma2 semaphore(%arg13 : memref<!tpu.dma_semaphore, #tpu.memory_space<semaphore_mem>>) src(%dma_wait3A_20 : memref<9984xi32, #tpu.memory_space<hbm>>) dst(%dma_wait3A_19 : memref<9984xi32, #tpu.memory_space<vmem>>)
    %lt3A_21 = arith.constant 2 : i32
    %lt3A_22 = arith.cmpi slt, %add3A, %lt3A_21 : i32
    %convert_element_type3A = arith.extui %lt3A_22 : i1 to i32
    %cond3A = arith.constant 0 : i32
    %cond3A_23 = arith.cmpi ne, %convert_element_type3A, %cond3A : i32
    scf.if %cond3A_23 {
      %add3A_96 = arith.constant 9984 : i32
      %add3A_97 = arith.addi %mul3A_10, %add3A_96 : i32
      %dma_start3A_98 = arith.constant 9984 : i32
      %dma_start3A_99 = tpu.memref_slice %arg7[%dma_start3A_98] : memref<10240xi32, #tpu.memory_space<vmem>> -> memref<256xi32, #tpu.memory_space<vmem>>
      %dma_start3A_100 = tpu.memref_slice %arg3[%add3A_97] : memref<320000xi32, #tpu.memory_space<hbm>> -> memref<256xi32, #tpu.memory_space<hbm>>
      %dma_start3A_101 = arith.constant 9984 : i32
      %dma_start3A_102 = tpu.memref_slice %arg7[%dma_start3A_101] : memref<10240xi32, #tpu.memory_space<vmem>> -> memref<256xi32, #tpu.memory_space<vmem>>
      %dma_start3A_103 = tpu.memref_slice %arg3[%add3A_97] : memref<320000xi32, #tpu.memory_space<hbm>> -> memref<256xi32, #tpu.memory_space<hbm>>
      tpu.enqueue_dma source(%dma_start3A_103 : memref<256xi32, #tpu.memory_space<hbm>>) target(%dma_start3A_102 : memref<256xi32, #tpu.memory_space<vmem>>) target_semaphore(%arg13 : memref<!tpu.dma_semaphore, #tpu.memory_space<semaphore_mem>>)
      %dma_wait3A_104 = arith.constant 9984 : i32
      %dma_wait3A_105 = tpu.memref_slice %arg7[%dma_wait3A_104] : memref<10240xi32, #tpu.memory_space<vmem>> -> memref<256xi32, #tpu.memory_space<vmem>>
      %dma_wait3A_106 = tpu.memref_slice %arg3[%add3A_97] : memref<320000xi32, #tpu.memory_space<hbm>> -> memref<256xi32, #tpu.memory_space<hbm>>
      %dma_wait3A_107 = arith.constant 9984 : i32
      %dma_wait3A_108 = tpu.memref_slice %arg7[%dma_wait3A_107] : memref<10240xi32, #tpu.memory_space<vmem>> -> memref<256xi32, #tpu.memory_space<vmem>>
      %dma_wait3A_109 = tpu.memref_slice %arg3[%add3A_97] : memref<320000xi32, #tpu.memory_space<hbm>> -> memref<256xi32, #tpu.memory_space<hbm>>
      tpu.wait_dma2 semaphore(%arg13 : memref<!tpu.dma_semaphore, #tpu.memory_space<semaphore_mem>>) src(%dma_wait3A_109 : memref<256xi32, #tpu.memory_space<hbm>>) dst(%dma_wait3A_108 : memref<256xi32, #tpu.memory_space<vmem>>)
    } else {
    }
    %scan3A = arith.constant 0 : i32
    %scan3A_24 = arith.constant 128 : i32
    %scan3A_25 = arith.addi %scan3A, %scan3A_24 : i32
    %scan3A_26 = arith.constant 1 : i32
    scf.for %scan3A_96 = %scan3A to %scan3A_25 step %scan3A_26  : i32 {
      %broadcast_in_dim3A = arith.constant 0.000000e+00 : f32
      %broadcast_in_dim3A_97 = vector.broadcast %broadcast_in_dim3A : f32 to vector<16xf32>
      %swap3A = arith.index_cast %scan3A_96 : i32 to index
      %swap3A_98 = arith.constant 0 : index
      %swap3A_99 = tpu.vector_load %arg10[%swap3A, %swap3A_98] {strides = array<i32>} : memref<128x128xf32, #tpu.memory_space<vmem>>, vector<1x16xf32>,
      %swap3A_100 = vector.shape_cast %swap3A_99 : vector<1x16xf32> to vector<16xf32>
      %swap3A_101 = vector.shape_cast %broadcast_in_dim3A_97 : vector<16xf32> to vector<1x16xf32>
      tpu.vector_store %arg10[%swap3A, %swap3A_98], %swap3A_101 {strides = array<i32>} : memref<128x128xf32, #tpu.memory_space<vmem>>, vector<1x16xf32>,
      %broadcast_in_dim3A_102 = arith.constant 0.000000e+00 : f32
      %broadcast_in_dim3A_103 = vector.broadcast %broadcast_in_dim3A_102 : f32 to vector<16xf32>
      %swap3A_104 = arith.index_cast %scan3A_96 : i32 to index
      %swap3A_105 = arith.constant 16 : index
      %swap3A_106 = tpu.vector_load %arg10[%swap3A_104, %swap3A_105] {strides = array<i32>} : memref<128x128xf32, #tpu.memory_space<vmem>>, vector<1x16xf32>,
      %swap3A_107 = vector.shape_cast %swap3A_106 : vector<1x16xf32> to vector<16xf32>
      %swap3A_108 = vector.shape_cast %broadcast_in_dim3A_103 : vector<16xf32> to vector<1x16xf32>
      tpu.vector_store %arg10[%swap3A_104, %swap3A_105], %swap3A_108 {strides = array<i32>} : memref<128x128xf32, #tpu.memory_space<vmem>>, vector<1x16xf32>,
      %broadcast_in_dim3A_109 = arith.constant 0.000000e+00 : f32
      %broadcast_in_dim3A_110 = vector.broadcast %broadcast_in_dim3A_109 : f32 to vector<16xf32>
      %swap3A_111 = arith.index_cast %scan3A_96 : i32 to index
      %swap3A_112 = arith.constant 32 : index
      %swap3A_113 = tpu.vector_load %arg10[%swap3A_111, %swap3A_112] {strides = array<i32>} : memref<128x128xf32, #tpu.memory_space<vmem>>, vector<1x16xf32>,
      %swap3A_114 = vector.shape_cast %swap3A_113 : vector<1x16xf32> to vector<16xf32>
      %swap3A_115 = vector.shape_cast %broadcast_in_dim3A_110 : vector<16xf32> to vector<1x16xf32>
      tpu.vector_store %arg10[%swap3A_111, %swap3A_112], %swap3A_115 {strides = array<i32>} : memref<128x128xf32, #tpu.memory_space<vmem>>, vector<1x16xf32>,
      %broadcast_in_dim3A_116 = arith.constant 0.000000e+00 : f32
      %broadcast_in_dim3A_117 = vector.broadcast %broadcast_in_dim3A_116 : f32 to vector<16xf32>
      %swap3A_118 = arith.index_cast %scan3A_96 : i32 to index
      %swap3A_119 = arith.constant 48 : index
      %swap3A_120 = tpu.vector_load %arg10[%swap3A_118, %swap3A_119] {strides = array<i32>} : memref<128x128xf32, #tpu.memory_space<vmem>>, vector<1x16xf32>,
      %swap3A_121 = vector.shape_cast %swap3A_120 : vector<1x16xf32> to vector<16xf32>
      %swap3A_122 = vector.shape_cast %broadcast_in_dim3A_117 : vector<16xf32> to vector<1x16xf32>
      tpu.vector_store %arg10[%swap3A_118, %swap3A_119], %swap3A_122 {strides = array<i32>} : memref<128x128xf32, #tpu.memory_space<vmem>>, vector<1x16xf32>,
      %broadcast_in_dim3A_123 = arith.constant 0.000000e+00 : f32
      %broadcast_in_dim3A_124 = vector.broadcast %broadcast_in_dim3A_123 : f32 to vector<16xf32>
      %swap3A_125 = arith.index_cast %scan3A_96 : i32 to index
      %swap3A_126 = arith.constant 64 : index
      %swap3A_127 = tpu.vector_load %arg10[%swap3A_125, %swap3A_126] {strides = array<i32>} : memref<128x128xf32, #tpu.memory_space<vmem>>, vector<1x16xf32>,
      %swap3A_128 = vector.shape_cast %swap3A_127 : vector<1x16xf32> to vector<16xf32>
      %swap3A_129 = vector.shape_cast %broadcast_in_dim3A_124 : vector<16xf32> to vector<1x16xf32>
      tpu.vector_store %arg10[%swap3A_125, %swap3A_126], %swap3A_129 {strides = array<i32>} : memref<128x128xf32, #tpu.memory_space<vmem>>, vector<1x16xf32>,
      %broadcast_in_dim3A_130 = arith.constant 0.000000e+00 : f32
      %broadcast_in_dim3A_131 = vector.broadcast %broadcast_in_dim3A_130 : f32 to vector<16xf32>
      %swap3A_132 = arith.index_cast %scan3A_96 : i32 to index
      %swap3A_133 = arith.constant 80 : index
      %swap3A_134 = tpu.vector_load %arg10[%swap3A_132, %swap3A_133] {strides = array<i32>} : memref<128x128xf32, #tpu.memory_space<vmem>>, vector<1x16xf32>,
      %swap3A_135 = vector.shape_cast %swap3A_134 : vector<1x16xf32> to vector<16xf32>
      %swap3A_136 = vector.shape_cast %broadcast_in_dim3A_131 : vector<16xf32> to vector<1x16xf32>
      tpu.vector_store %arg10[%swap3A_132, %swap3A_133], %swap3A_136 {strides = array<i32>} : memref<128x128xf32, #tpu.memory_space<vmem>>, vector<1x16xf32>,
      %broadcast_in_dim3A_137 = arith.constant 0.000000e+00 : f32
      %broadcast_in_dim3A_138 = vector.broadcast %broadcast_in_dim3A_137 : f32 to vector<16xf32>
      %swap3A_139 = arith.index_cast %scan3A_96 : i32 to index
      %swap3A_140 = arith.constant 96 : index
      %swap3A_141 = tpu.vector_load %arg10[%swap3A_139, %swap3A_140] {strides = array<i32>} : memref<128x128xf32, #tpu.memory_space<vmem>>, vector<1x16xf32>,
      %swap3A_142 = vector.shape_cast %swap3A_141 : vector<1x16xf32> to vector<16xf32>
      %swap3A_143 = vector.shape_cast %broadcast_in_dim3A_138 : vector<16xf32> to vector<1x16xf32>
      tpu.vector_store %arg10[%swap3A_139, %swap3A_140], %swap3A_143 {strides = array<i32>} : memref<128x128xf32, #tpu.memory_space<vmem>>, vector<1x16xf32>,
      %broadcast_in_dim3A_144 = arith.constant 0.000000e+00 : f32
      %broadcast_in_dim3A_145 = vector.broadcast %broadcast_in_dim3A_144 : f32 to vector<16xf32>
      %swap3A_146 = arith.index_cast %scan3A_96 : i32 to index
      %swap3A_147 = arith.constant 112 : index
      %swap3A_148 = tpu.vector_load %arg10[%swap3A_146, %swap3A_147] {strides = array<i32>} : memref<128x128xf32, #tpu.memory_space<vmem>>, vector<1x16xf32>,
      %swap3A_149 = vector.shape_cast %swap3A_148 : vector<1x16xf32> to vector<16xf32>
      %swap3A_150 = vector.shape_cast %broadcast_in_dim3A_145 : vector<16xf32> to vector<1x16xf32>
      tpu.vector_store %arg10[%swap3A_146, %swap3A_147], %swap3A_150 {strides = array<i32>} : memref<128x128xf32, #tpu.memory_space<vmem>>, vector<1x16xf32>,
    }
    %scan3A_27 = arith.constant 128 : i32
    %mul3A_28 = arith.constant 640 : i32
    %mul3A_29 = arith.muli %arg1, %mul3A_28 : i32
    %add3A_30 = arith.constant 0 : i32
    %add3A_31 = arith.addi %mul3A_29, %add3A_30 : i32
    "tpu.region"() ({
      %run_scoped3A = tpu.sem_alloc : memref<!tpu.dma_semaphore, #tpu.memory_space<semaphore_mem>>
      %dma_start3A_96 = arith.constant 0 : i32
      %dma_start3A_97 = tpu.memref_slice %arg12[%add3A_31, %dma_start3A_96] : memref<10240x128xf32, #tpu.memory_space<vmem_shared>> -> memref<128x128xf32, #tpu.memory_space<vmem_shared>>
      %dma_start3A_98 = arith.constant 0 : i32
      %dma_start3A_99 = tpu.memref_slice %arg12[%add3A_31, %dma_start3A_98] : memref<10240x128xf32, #tpu.memory_space<vmem_shared>> -> memref<128x128xf32, #tpu.memory_space<vmem_shared>>
      tpu.enqueue_dma source(%arg10 : memref<128x128xf32, #tpu.memory_space<vmem>>) target(%dma_start3A_99 : memref<128x128xf32, #tpu.memory_space<vmem_shared>>) target_semaphore(%run_scoped3A : memref<!tpu.dma_semaphore, #tpu.memory_space<semaphore_mem>>)
      %dma_wait3A_100 = arith.constant 0 : i32
      %dma_wait3A_101 = tpu.memref_slice %arg12[%add3A_31, %dma_wait3A_100] : memref<10240x128xf32, #tpu.memory_space<vmem_shared>> -> memref<128x128xf32, #tpu.memory_space<vmem_shared>>
      %dma_wait3A_102 = arith.constant 0 : i32
      %dma_wait3A_103 = tpu.memref_slice %arg12[%add3A_31, %dma_wait3A_102] : memref<10240x128xf32, #tpu.memory_space<vmem_shared>> -> memref<128x128xf32, #tpu.memory_space<vmem_shared>>
      tpu.wait_dma2 semaphore(%run_scoped3A : memref<!tpu.dma_semaphore, #tpu.memory_space<semaphore_mem>>) src(%arg10 : memref<128x128xf32, #tpu.memory_space<vmem>>) dst(%dma_wait3A_103 : memref<128x128xf32, #tpu.memory_space<vmem_shared>>)
      tpu.yield
    }) : () -> ()
    %mul3A_32 = arith.constant 640 : i32
    %mul3A_33 = arith.muli %arg1, %mul3A_32 : i32
    %add3A_34 = arith.constant 128 : i32
    %add3A_35 = arith.addi %mul3A_33, %add3A_34 : i32
    "tpu.region"() ({
      %run_scoped3A = tpu.sem_alloc : memref<!tpu.dma_semaphore, #tpu.memory_space<semaphore_mem>>
      %dma_start3A_96 = arith.constant 0 : i32
      %dma_start3A_97 = tpu.memref_slice %arg12[%add3A_35, %dma_start3A_96] : memref<10240x128xf32, #tpu.memory_space<vmem_shared>> -> memref<128x128xf32, #tpu.memory_space<vmem_shared>>
      %dma_start3A_98 = arith.constant 0 : i32
      %dma_start3A_99 = tpu.memref_slice %arg12[%add3A_35, %dma_start3A_98] : memref<10240x128xf32, #tpu.memory_space<vmem_shared>> -> memref<128x128xf32, #tpu.memory_space<vmem_shared>>
      tpu.enqueue_dma source(%arg10 : memref<128x128xf32, #tpu.memory_space<vmem>>) target(%dma_start3A_99 : memref<128x128xf32, #tpu.memory_space<vmem_shared>>) target_semaphore(%run_scoped3A : memref<!tpu.dma_semaphore, #tpu.memory_space<semaphore_mem>>)
      %dma_wait3A_100 = arith.constant 0 : i32
      %dma_wait3A_101 = tpu.memref_slice %arg12[%add3A_35, %dma_wait3A_100] : memref<10240x128xf32, #tpu.memory_space<vmem_shared>> -> memref<128x128xf32, #tpu.memory_space<vmem_shared>>
      %dma_wait3A_102 = arith.constant 0 : i32
      %dma_wait3A_103 = tpu.memref_slice %arg12[%add3A_35, %dma_wait3A_102] : memref<10240x128xf32, #tpu.memory_space<vmem_shared>> -> memref<128x128xf32, #tpu.memory_space<vmem_shared>>
      tpu.wait_dma2 semaphore(%run_scoped3A : memref<!tpu.dma_semaphore, #tpu.memory_space<semaphore_mem>>) src(%arg10 : memref<128x128xf32, #tpu.memory_space<vmem>>) dst(%dma_wait3A_103 : memref<128x128xf32, #tpu.memory_space<vmem_shared>>)
      tpu.yield
    }) : () -> ()
    %mul3A_36 = arith.constant 640 : i32
    %mul3A_37 = arith.muli %arg1, %mul3A_36 : i32
    %add3A_38 = arith.constant 256 : i32
    %add3A_39 = arith.addi %mul3A_37, %add3A_38 : i32
    "tpu.region"() ({
      %run_scoped3A = tpu.sem_alloc : memref<!tpu.dma_semaphore, #tpu.memory_space<semaphore_mem>>
      %dma_start3A_96 = arith.constant 0 : i32
      %dma_start3A_97 = tpu.memref_slice %arg12[%add3A_39, %dma_start3A_96] : memref<10240x128xf32, #tpu.memory_space<vmem_shared>> -> memref<128x128xf32, #tpu.memory_space<vmem_shared>>
      %dma_start3A_98 = arith.constant 0 : i32
      %dma_start3A_99 = tpu.memref_slice %arg12[%add3A_39, %dma_start3A_98] : memref<10240x128xf32, #tpu.memory_space<vmem_shared>> -> memref<128x128xf32, #tpu.memory_space<vmem_shared>>
      tpu.enqueue_dma source(%arg10 : memref<128x128xf32, #tpu.memory_space<vmem>>) target(%dma_start3A_99 : memref<128x128xf32, #tpu.memory_space<vmem_shared>>) target_semaphore(%run_scoped3A : memref<!tpu.dma_semaphore, #tpu.memory_space<semaphore_mem>>)
      %dma_wait3A_100 = arith.constant 0 : i32
      %dma_wait3A_101 = tpu.memref_slice %arg12[%add3A_39, %dma_wait3A_100] : memref<10240x128xf32, #tpu.memory_space<vmem_shared>> -> memref<128x128xf32, #tpu.memory_space<vmem_shared>>
      %dma_wait3A_102 = arith.constant 0 : i32
      %dma_wait3A_103 = tpu.memref_slice %arg12[%add3A_39, %dma_wait3A_102] : memref<10240x128xf32, #tpu.memory_space<vmem_shared>> -> memref<128x128xf32, #tpu.memory_space<vmem_shared>>
      tpu.wait_dma2 semaphore(%run_scoped3A : memref<!tpu.dma_semaphore, #tpu.memory_space<semaphore_mem>>) src(%arg10 : memref<128x128xf32, #tpu.memory_space<vmem>>) dst(%dma_wait3A_103 : memref<128x128xf32, #tpu.memory_space<vmem_shared>>)
      tpu.yield
    }) : () -> ()
    %mul3A_40 = arith.constant 640 : i32
    %mul3A_41 = arith.muli %arg1, %mul3A_40 : i32
    %add3A_42 = arith.constant 384 : i32
    %add3A_43 = arith.addi %mul3A_41, %add3A_42 : i32
    "tpu.region"() ({
      %run_scoped3A = tpu.sem_alloc : memref<!tpu.dma_semaphore, #tpu.memory_space<semaphore_mem>>
      %dma_start3A_96 = arith.constant 0 : i32
      %dma_start3A_97 = tpu.memref_slice %arg12[%add3A_43, %dma_start3A_96] : memref<10240x128xf32, #tpu.memory_space<vmem_shared>> -> memref<128x128xf32, #tpu.memory_space<vmem_shared>>
      %dma_start3A_98 = arith.constant 0 : i32
      %dma_start3A_99 = tpu.memref_slice %arg12[%add3A_43, %dma_start3A_98] : memref<10240x128xf32, #tpu.memory_space<vmem_shared>> -> memref<128x128xf32, #tpu.memory_space<vmem_shared>>
      tpu.enqueue_dma source(%arg10 : memref<128x128xf32, #tpu.memory_space<vmem>>) target(%dma_start3A_99 : memref<128x128xf32, #tpu.memory_space<vmem_shared>>) target_semaphore(%run_scoped3A : memref<!tpu.dma_semaphore, #tpu.memory_space<semaphore_mem>>)
      %dma_wait3A_100 = arith.constant 0 : i32
      %dma_wait3A_101 = tpu.memref_slice %arg12[%add3A_43, %dma_wait3A_100] : memref<10240x128xf32, #tpu.memory_space<vmem_shared>> -> memref<128x128xf32, #tpu.memory_space<vmem_shared>>
      %dma_wait3A_102 = arith.constant 0 : i32
      %dma_wait3A_103 = tpu.memref_slice %arg12[%add3A_43, %dma_wait3A_102] : memref<10240x128xf32, #tpu.memory_space<vmem_shared>> -> memref<128x128xf32, #tpu.memory_space<vmem_shared>>
      tpu.wait_dma2 semaphore(%run_scoped3A : memref<!tpu.dma_semaphore, #tpu.memory_space<semaphore_mem>>) src(%arg10 : memref<128x128xf32, #tpu.memory_space<vmem>>) dst(%dma_wait3A_103 : memref<128x128xf32, #tpu.memory_space<vmem_shared>>)
      tpu.yield
    }) : () -> ()
    %mul3A_44 = arith.constant 640 : i32
    %mul3A_45 = arith.muli %arg1, %mul3A_44 : i32
    %add3A_46 = arith.constant 512 : i32
    %add3A_47 = arith.addi %mul3A_45, %add3A_46 : i32
    "tpu.region"() ({
      %run_scoped3A = tpu.sem_alloc : memref<!tpu.dma_semaphore, #tpu.memory_space<semaphore_mem>>
      %dma_start3A_96 = arith.constant 0 : i32
      %dma_start3A_97 = tpu.memref_slice %arg12[%add3A_47, %dma_start3A_96] : memref<10240x128xf32, #tpu.memory_space<vmem_shared>> -> memref<128x128xf32, #tpu.memory_space<vmem_shared>>
      %dma_start3A_98 = arith.constant 0 : i32
      %dma_start3A_99 = tpu.memref_slice %arg12[%add3A_47, %dma_start3A_98] : memref<10240x128xf32, #tpu.memory_space<vmem_shared>> -> memref<128x128xf32, #tpu.memory_space<vmem_shared>>
      tpu.enqueue_dma source(%arg10 : memref<128x128xf32, #tpu.memory_space<vmem>>) target(%dma_start3A_99 : memref<128x128xf32, #tpu.memory_space<vmem_shared>>) target_semaphore(%run_scoped3A : memref<!tpu.dma_semaphore, #tpu.memory_space<semaphore_mem>>)
      %dma_wait3A_100 = arith.constant 0 : i32
      %dma_wait3A_101 = tpu.memref_slice %arg12[%add3A_47, %dma_wait3A_100] : memref<10240x128xf32, #tpu.memory_space<vmem_shared>> -> memref<128x128xf32, #tpu.memory_space<vmem_shared>>
      %dma_wait3A_102 = arith.constant 0 : i32
      %dma_wait3A_103 = tpu.memref_slice %arg12[%add3A_47, %dma_wait3A_102] : memref<10240x128xf32, #tpu.memory_space<vmem_shared>> -> memref<128x128xf32, #tpu.memory_space<vmem_shared>>
      tpu.wait_dma2 semaphore(%run_scoped3A : memref<!tpu.dma_semaphore, #tpu.memory_space<semaphore_mem>>) src(%arg10 : memref<128x128xf32, #tpu.memory_space<vmem>>) dst(%dma_wait3A_103 : memref<128x128xf32, #tpu.memory_space<vmem_shared>>)
      tpu.yield
    }) : () -> ()
    %barrier3A = arith.constant 0 : index
    tpu.barrier barrier_id(%barrier3A)
    %add3A_48 = arith.constant 0 : i32
    %add3A_49 = arith.addi %mul3A_10, %add3A_48 : i32
    %dma_start3A_50 = tpu.memref_slice %arg4[%add3A_49] : memref<320000xi32, #tpu.memory_space<hbm>> -> memref<128xi32, #tpu.memory_space<hbm>>
    %dma_start3A_51 = tpu.memref_slice %arg4[%add3A_49] : memref<320000xi32, #tpu.memory_space<hbm>> -> memref<128xi32, #tpu.memory_space<hbm>>
    tpu.enqueue_dma source(%dma_start3A_51 : memref<128xi32, #tpu.memory_space<hbm>>) target(%arg8 : memref<128xi32, #tpu.memory_space<vmem>>) target_semaphore(%arg18 : memref<!tpu.dma_semaphore, #tpu.memory_space<semaphore_mem>>)
    %dma_start3A_52 = arith.constant 0 : i32
    %dma_start3A_53 = tpu.memref_slice %arg7[%dma_start3A_52] : memref<10240xi32, #tpu.memory_space<vmem>> -> memref<128xi32, #tpu.memory_space<vmem>>
    %dma_start3A_54 = arith.constant 0 : i32
    %dma_start3A_55 = arith.constant 0 : i32
    %dma_start3A_56 = tpu.memref_slice %arg2[%dma_start3A_54, %dma_start3A_55] : memref<10000x128xf32, #tpu.memory_space<hbm>> -> memref<10000x128xf32, #tpu.memory_space<hbm>>
    tpu.enqueue_indirect_dma source(%dma_start3A_56 : memref<10000x128xf32, #tpu.memory_space<hbm>>) target(%arg10 : memref<128x128xf32, #tpu.memory_space<vmem>>) offsets(%dma_start3A_53 : memref<128xi32, #tpu.memory_space<vmem>>) semaphore(%arg14 : memref<!tpu.dma_semaphore, #tpu.memory_space<semaphore_mem>>)
    %jit3A_57 = arith.constant 2 : i32
    %div3A = arith.divsi %select_n3A, %jit3A_57 : i32
    %sign3A = arith.constant 0 : i32
    %sign3A_58 = arith.cmpi sgt, %select_n3A, %sign3A : i32
    %sign3A_59 = arith.extui %sign3A_58 : i1 to i32
    %sign3A_60 = arith.constant 0 : i32
    %sign3A_61 = arith.cmpi slt, %select_n3A, %sign3A_60 : i32
    %sign3A_62 = arith.extui %sign3A_61 : i1 to i32
    %sign3A_63 = arith.subi %sign3A_59, %sign3A_62 : i32
    %sign3A_64 = arith.constant 0 : i32
    %sign3A_65 = arith.cmpi sgt, %jit3A_57, %sign3A_64 : i32
    %sign3A_66 = arith.extui %sign3A_65 : i1 to i32
    %sign3A_67 = arith.constant 0 : i32
    %sign3A_68 = arith.cmpi slt, %jit3A_57, %sign3A_67 : i32
    %sign3A_69 = arith.extui %sign3A_68 : i1 to i32
    %sign3A_70 = arith.subi %sign3A_66, %sign3A_69 : i32
    %ne3A = arith.cmpi ne, %sign3A_63, %sign3A_70 : i32
    %rem3A = arith.remsi %select_n3A, %jit3A_57 : i32
    %ne3A_71 = arith.constant 0 : i32
    %ne3A_72 = arith.cmpi ne, %rem3A, %ne3A_71 : i32
    %and3A = arith.andi %ne3A, %ne3A_72 : i1
    %sub3A = arith.constant 1 : i32
    %sub3A_73 = arith.subi %div3A, %sub3A : i32
    %select_n3A_74 = arith.select %and3A, %sub3A_73, %div3A : i32
    %while3A = arith.constant 0 : i32
    %while3A_75 = arith.subi %select_n3A_74, %while3A : i32
    %while3A_76 = arith.addi %while3A, %while3A_75 : i32
    %while3A_77 = arith.constant 1 : i32
    %while3A_78 = arith.divsi %while3A_75, %while3A_77 : i32
    %while3A_79 = arith.muli %while3A_78, %while3A_77 : i32
    %while3A_80 = arith.addi %while3A, %while3A_79 : i32
    %while3A_81 = arith.constant 1 : i32
    scf.for %while3A_96 = %while3A to %while3A_80 step %while3A_81  : i32 {
      %mul3A_97 = arith.constant 2 : i32
      %mul3A_98 = arith.muli %mul3A_97, %while3A_96 : i32
      %add3A_99 = arith.constant 0 : i32
      %add3A_100 = arith.addi %mul3A_98, %add3A_99 : i32
      %ge3A = arith.constant 1 : i32
      %ge3A_101 = arith.cmpi sge, %add3A_100, %ge3A : i32
      %convert_element_type3A_102 = arith.extui %ge3A_101 : i1 to i32
      %cond3A_103 = arith.constant 0 : i32
      %cond3A_104 = arith.cmpi ne, %convert_element_type3A_102, %cond3A_103 : i32
      scf.if %cond3A_104 {
        %dma_wait3A_150 = arith.constant 0 : i32
        %dma_wait3A_151 = arith.constant 0 : i32
        %dma_wait3A_152 = tpu.memref_slice %arg12[%dma_wait3A_150, %dma_wait3A_151] : memref<10240x128xf32, #tpu.memory_space<vmem_shared>> -> memref<10240x128xf32, #tpu.memory_space<vmem_shared>>
        tpu.wait_indirect_dma semaphore(%arg17 : memref<!tpu.dma_semaphore, #tpu.memory_space<semaphore_mem>>) src(%arg11 : memref<128x128xf32, #tpu.memory_space<vmem>>) dst(%dma_wait3A_152 : memref<10240x128xf32, #tpu.memory_space<vmem_shared>>)
      } else {
      }
      %add3A_105 = arith.constant 1 : i32
      %add3A_106 = arith.addi %add3A_100, %add3A_105 : i32
      %lt3A_107 = arith.cmpi slt, %add3A_106, %select_n3A : i32
      %convert_element_type3A_108 = arith.extui %lt3A_107 : i1 to i32
      %cond3A_109 = arith.constant 0 : i32
      %cond3A_110 = arith.cmpi ne, %convert_element_type3A_108, %cond3A_109 : i32
      scf.if %cond3A_110 {
        %add3A_150 = arith.constant 1 : i32
        %add3A_151 = arith.addi %add3A_100, %add3A_150 : i32
        %mul3A_152 = arith.constant 128 : i32
        %mul3A_153 = arith.muli %add3A_151, %mul3A_152 : i32
        %add3A_154 = arith.addi %mul3A_10, %mul3A_153 : i32
        %dma_start3A_155 = tpu.memref_slice %arg4[%add3A_154] : memref<320000xi32, #tpu.memory_space<hbm>> -> memref<128xi32, #tpu.memory_space<hbm>>
        %dma_start3A_156 = tpu.memref_slice %arg4[%add3A_154] : memref<320000xi32, #tpu.memory_space<hbm>> -> memref<128xi32, #tpu.memory_space<hbm>>
        tpu.enqueue_dma source(%dma_start3A_156 : memref<128xi32, #tpu.memory_space<hbm>>) target(%arg9 : memref<128xi32, #tpu.memory_space<vmem>>) target_semaphore(%arg19 : memref<!tpu.dma_semaphore, #tpu.memory_space<semaphore_mem>>)
        %mul3A_157 = arith.constant 128 : i32
        %mul3A_158 = arith.muli %add3A_151, %mul3A_157 : i32
        %dma_start3A_159 = tpu.memref_slice %arg7[%mul3A_158] : memref<10240xi32, #tpu.memory_space<vmem>> -> memref<128xi32, #tpu.memory_space<vmem>>
        %dma_start3A_160 = arith.constant 0 : i32
        %dma_start3A_161 = arith.constant 0 : i32
        %dma_start3A_162 = tpu.memref_slice %arg2[%dma_start3A_160, %dma_start3A_161] : memref<10000x128xf32, #tpu.memory_space<hbm>> -> memref<10000x128xf32, #tpu.memory_space<hbm>>
        tpu.enqueue_indirect_dma source(%dma_start3A_162 : memref<10000x128xf32, #tpu.memory_space<hbm>>) target(%arg11 : memref<128x128xf32, #tpu.memory_space<vmem>>) offsets(%dma_start3A_159 : memref<128xi32, #tpu.memory_space<vmem>>) semaphore(%arg15 : memref<!tpu.dma_semaphore, #tpu.memory_space<semaphore_mem>>)
      } else {
      }
      %dma_wait3A_111 = arith.constant 0 : i32
      %dma_wait3A_112 = tpu.memref_slice %arg4[%dma_wait3A_111] : memref<320000xi32, #tpu.memory_space<hbm>> -> memref<128xi32, #tpu.memory_space<hbm>>
      %dma_wait3A_113 = arith.constant 0 : i32
      %dma_wait3A_114 = tpu.memref_slice %arg4[%dma_wait3A_113] : memref<320000xi32, #tpu.memory_space<hbm>> -> memref<128xi32, #tpu.memory_space<hbm>>
      tpu.wait_dma2 semaphore(%arg18 : memref<!tpu.dma_semaphore, #tpu.memory_space<semaphore_mem>>) src(%dma_wait3A_114 : memref<128xi32, #tpu.memory_space<hbm>>) dst(%arg8 : memref<128xi32, #tpu.memory_space<vmem>>)
      %dma_wait3A_115 = arith.constant 0 : i32
      %dma_wait3A_116 = tpu.memref_slice %arg7[%dma_wait3A_115] : memref<10240xi32, #tpu.memory_space<vmem>> -> memref<128xi32, #tpu.memory_space<vmem>>
      %dma_wait3A_117 = arith.constant 0 : i32
      %dma_wait3A_118 = arith.constant 0 : i32
      %dma_wait3A_119 = tpu.memref_slice %arg2[%dma_wait3A_117, %dma_wait3A_118] : memref<10000x128xf32, #tpu.memory_space<hbm>> -> memref<10000x128xf32, #tpu.memory_space<hbm>>
      tpu.wait_indirect_dma semaphore(%arg14 : memref<!tpu.dma_semaphore, #tpu.memory_space<semaphore_mem>>) src(%dma_wait3A_119 : memref<10000x128xf32, #tpu.memory_space<hbm>>) dst(%arg10 : memref<128x128xf32, #tpu.memory_space<vmem>>)
      %dma_start3A_120 = arith.constant 0 : i32
      %dma_start3A_121 = arith.constant 0 : i32
      %dma_start3A_122 = tpu.memref_slice %arg12[%dma_start3A_120, %dma_start3A_121] : memref<10240x128xf32, #tpu.memory_space<vmem_shared>> -> memref<10240x128xf32, #tpu.memory_space<vmem_shared>>
      tpu.enqueue_indirect_dma source(%arg10 : memref<128x128xf32, #tpu.memory_space<vmem>>) target(%dma_start3A_122 : memref<10240x128xf32, #tpu.memory_space<vmem_shared>>) offsets(%arg8 : memref<128xi32, #tpu.memory_space<vmem>>) semaphore(%arg16 : memref<!tpu.dma_semaphore, #tpu.memory_space<semaphore_mem>>) {add = true}
      %mul3A_123 = arith.constant 2 : i32
      %mul3A_124 = arith.muli %mul3A_123, %while3A_96 : i32
      %add3A_125 = arith.constant 1 : i32
      %add3A_126 = arith.addi %mul3A_124, %add3A_125 : i32
      %ge3A_127 = arith.constant 1 : i32
      %ge3A_128 = arith.cmpi sge, %add3A_126, %ge3A_127 : i32
      %convert_element_type3A_129 = arith.extui %ge3A_128 : i1 to i32
      %cond3A_130 = arith.constant 0 : i32
      %cond3A_131 = arith.cmpi ne, %convert_element_type3A_129, %cond3A_130 : i32
      scf.if %cond3A_131 {
        %dma_wait3A_150 = arith.constant 0 : i32
        %dma_wait3A_151 = arith.constant 0 : i32
        %dma_wait3A_152 = tpu.memref_slice %arg12[%dma_wait3A_150, %dma_wait3A_151] : memref<10240x128xf32, #tpu.memory_space<vmem_shared>> -> memref<10240x128xf32, #tpu.memory_space<vmem_shared>>
        tpu.wait_indirect_dma semaphore(%arg16 : memref<!tpu.dma_semaphore, #tpu.memory_space<semaphore_mem>>) src(%arg10 : memref<128x128xf32, #tpu.memory_space<vmem>>) dst(%dma_wait3A_152 : memref<10240x128xf32, #tpu.memory_space<vmem_shared>>)
      } else {
      }
      %add3A_132 = arith.constant 1 : i32
      %add3A_133 = arith.addi %add3A_126, %add3A_132 : i32
      %lt3A_134 = arith.cmpi slt, %add3A_133, %select_n3A : i32
      %convert_element_type3A_135 = arith.extui %lt3A_134 : i1 to i32
      %cond3A_136 = arith.constant 0 : i32
      %cond3A_137 = arith.cmpi ne, %convert_element_type3A_135, %cond3A_136 : i32
      scf.if %cond3A_137 {
        %add3A_150 = arith.constant 1 : i32
        %add3A_151 = arith.addi %add3A_126, %add3A_150 : i32
        %mul3A_152 = arith.constant 128 : i32
        %mul3A_153 = arith.muli %add3A_151, %mul3A_152 : i32
        %add3A_154 = arith.addi %mul3A_10, %mul3A_153 : i32
        %dma_start3A_155 = tpu.memref_slice %arg4[%add3A_154] : memref<320000xi32, #tpu.memory_space<hbm>> -> memref<128xi32, #tpu.memory_space<hbm>>
        %dma_start3A_156 = tpu.memref_slice %arg4[%add3A_154] : memref<320000xi32, #tpu.memory_space<hbm>> -> memref<128xi32, #tpu.memory_space<hbm>>
        tpu.enqueue_dma source(%dma_start3A_156 : memref<128xi32, #tpu.memory_space<hbm>>) target(%arg8 : memref<128xi32, #tpu.memory_space<vmem>>) target_semaphore(%arg18 : memref<!tpu.dma_semaphore, #tpu.memory_space<semaphore_mem>>)
        %mul3A_157 = arith.constant 128 : i32
        %mul3A_158 = arith.muli %add3A_151, %mul3A_157 : i32
        %dma_start3A_159 = tpu.memref_slice %arg7[%mul3A_158] : memref<10240xi32, #tpu.memory_space<vmem>> -> memref<128xi32, #tpu.memory_space<vmem>>
        %dma_start3A_160 = arith.constant 0 : i32
        %dma_start3A_161 = arith.constant 0 : i32
        %dma_start3A_162 = tpu.memref_slice %arg2[%dma_start3A_160, %dma_start3A_161] : memref<10000x128xf32, #tpu.memory_space<hbm>> -> memref<10000x128xf32, #tpu.memory_space<hbm>>
        tpu.enqueue_indirect_dma source(%dma_start3A_162 : memref<10000x128xf32, #tpu.memory_space<hbm>>) target(%arg10 : memref<128x128xf32, #tpu.memory_space<vmem>>) offsets(%dma_start3A_159 : memref<128xi32, #tpu.memory_space<vmem>>) semaphore(%arg14 : memref<!tpu.dma_semaphore, #tpu.memory_space<semaphore_mem>>)
      } else {
      }
      %dma_wait3A_138 = arith.constant 0 : i32
      %dma_wait3A_139 = tpu.memref_slice %arg4[%dma_wait3A_138] : memref<320000xi32, #tpu.memory_space<hbm>> -> memref<128xi32, #tpu.memory_space<hbm>>
      %dma_wait3A_140 = arith.constant 0 : i32
      %dma_wait3A_141 = tpu.memref_slice %arg4[%dma_wait3A_140] : memref<320000xi32, #tpu.memory_space<hbm>> -> memref<128xi32, #tpu.memory_space<hbm>>
      tpu.wait_dma2 semaphore(%arg19 : memref<!tpu.dma_semaphore, #tpu.memory_space<semaphore_mem>>) src(%dma_wait3A_141 : memref<128xi32, #tpu.memory_space<hbm>>) dst(%arg9 : memref<128xi32, #tpu.memory_space<vmem>>)
      %dma_wait3A_142 = arith.constant 0 : i32
      %dma_wait3A_143 = tpu.memref_slice %arg7[%dma_wait3A_142] : memref<10240xi32, #tpu.memory_space<vmem>> -> memref<128xi32, #tpu.memory_space<vmem>>
      %dma_wait3A_144 = arith.constant 0 : i32
      %dma_wait3A_145 = arith.constant 0 : i32
      %dma_wait3A_146 = tpu.memref_slice %arg2[%dma_wait3A_144, %dma_wait3A_145] : memref<10000x128xf32, #tpu.memory_space<hbm>> -> memref<10000x128xf32, #tpu.memory_space<hbm>>
      tpu.wait_indirect_dma semaphore(%arg15 : memref<!tpu.dma_semaphore, #tpu.memory_space<semaphore_mem>>) src(%dma_wait3A_146 : memref<10000x128xf32, #tpu.memory_space<hbm>>) dst(%arg11 : memref<128x128xf32, #tpu.memory_space<vmem>>)
      %dma_start3A_147 = arith.constant 0 : i32
      %dma_start3A_148 = arith.constant 0 : i32
      %dma_start3A_149 = tpu.memref_slice %arg12[%dma_start3A_147, %dma_start3A_148] : memref<10240x128xf32, #tpu.memory_space<vmem_shared>> -> memref<10240x128xf32, #tpu.memory_space<vmem_shared>>
      tpu.enqueue_indirect_dma source(%arg11 : memref<128x128xf32, #tpu.memory_space<vmem>>) target(%dma_start3A_149 : memref<10240x128xf32, #tpu.memory_space<vmem_shared>>) offsets(%arg9 : memref<128xi32, #tpu.memory_space<vmem>>) semaphore(%arg17 : memref<!tpu.dma_semaphore, #tpu.memory_space<semaphore_mem>>) {add = true}
    }
    %while3A_82 = arith.constant 1 : i32
    scf.for %while3A_96 = %while3A_80 to %while3A_76 step %while3A_82  : i32 {
      %mul3A_97 = arith.constant 2 : i32
      %mul3A_98 = arith.muli %mul3A_97, %while3A_96 : i32
      %add3A_99 = arith.constant 0 : i32
      %add3A_100 = arith.addi %mul3A_98, %add3A_99 : i32
      %ge3A = arith.constant 1 : i32
      %ge3A_101 = arith.cmpi sge, %add3A_100, %ge3A : i32
      %convert_element_type3A_102 = arith.extui %ge3A_101 : i1 to i32
      %cond3A_103 = arith.constant 0 : i32
      %cond3A_104 = arith.cmpi ne, %convert_element_type3A_102, %cond3A_103 : i32
      scf.if %cond3A_104 {
        %dma_wait3A_150 = arith.constant 0 : i32
        %dma_wait3A_151 = arith.constant 0 : i32
        %dma_wait3A_152 = tpu.memref_slice %arg12[%dma_wait3A_150, %dma_wait3A_151] : memref<10240x128xf32, #tpu.memory_space<vmem_shared>> -> memref<10240x128xf32, #tpu.memory_space<vmem_shared>>
        tpu.wait_indirect_dma semaphore(%arg17 : memref<!tpu.dma_semaphore, #tpu.memory_space<semaphore_mem>>) src(%arg11 : memref<128x128xf32, #tpu.memory_space<vmem>>) dst(%dma_wait3A_152 : memref<10240x128xf32, #tpu.memory_space<vmem_shared>>)
      } else {
      }
      %add3A_105 = arith.constant 1 : i32
      %add3A_106 = arith.addi %add3A_100, %add3A_105 : i32
      %lt3A_107 = arith.cmpi slt, %add3A_106, %select_n3A : i32
      %convert_element_type3A_108 = arith.extui %lt3A_107 : i1 to i32
      %cond3A_109 = arith.constant 0 : i32
      %cond3A_110 = arith.cmpi ne, %convert_element_type3A_108, %cond3A_109 : i32
      scf.if %cond3A_110 {
        %add3A_150 = arith.constant 1 : i32
        %add3A_151 = arith.addi %add3A_100, %add3A_150 : i32
        %mul3A_152 = arith.constant 128 : i32
        %mul3A_153 = arith.muli %add3A_151, %mul3A_152 : i32
        %add3A_154 = arith.addi %mul3A_10, %mul3A_153 : i32
        %dma_start3A_155 = tpu.memref_slice %arg4[%add3A_154] : memref<320000xi32, #tpu.memory_space<hbm>> -> memref<128xi32, #tpu.memory_space<hbm>>
        %dma_start3A_156 = tpu.memref_slice %arg4[%add3A_154] : memref<320000xi32, #tpu.memory_space<hbm>> -> memref<128xi32, #tpu.memory_space<hbm>>
        tpu.enqueue_dma source(%dma_start3A_156 : memref<128xi32, #tpu.memory_space<hbm>>) target(%arg9 : memref<128xi32, #tpu.memory_space<vmem>>) target_semaphore(%arg19 : memref<!tpu.dma_semaphore, #tpu.memory_space<semaphore_mem>>)
        %mul3A_157 = arith.constant 128 : i32
        %mul3A_158 = arith.muli %add3A_151, %mul3A_157 : i32
        %dma_start3A_159 = tpu.memref_slice %arg7[%mul3A_158] : memref<10240xi32, #tpu.memory_space<vmem>> -> memref<128xi32, #tpu.memory_space<vmem>>
        %dma_start3A_160 = arith.constant 0 : i32
        %dma_start3A_161 = arith.constant 0 : i32
        %dma_start3A_162 = tpu.memref_slice %arg2[%dma_start3A_160, %dma_start3A_161] : memref<10000x128xf32, #tpu.memory_space<hbm>> -> memref<10000x128xf32, #tpu.memory_space<hbm>>
        tpu.enqueue_indirect_dma source(%dma_start3A_162 : memref<10000x128xf32, #tpu.memory_space<hbm>>) target(%arg11 : memref<128x128xf32, #tpu.memory_space<vmem>>) offsets(%dma_start3A_159 : memref<128xi32, #tpu.memory_space<vmem>>) semaphore(%arg15 : memref<!tpu.dma_semaphore, #tpu.memory_space<semaphore_mem>>)
      } else {
      }
      %dma_wait3A_111 = arith.constant 0 : i32
      %dma_wait3A_112 = tpu.memref_slice %arg4[%dma_wait3A_111] : memref<320000xi32, #tpu.memory_space<hbm>> -> memref<128xi32, #tpu.memory_space<hbm>>
      %dma_wait3A_113 = arith.constant 0 : i32
      %dma_wait3A_114 = tpu.memref_slice %arg4[%dma_wait3A_113] : memref<320000xi32, #tpu.memory_space<hbm>> -> memref<128xi32, #tpu.memory_space<hbm>>
      tpu.wait_dma2 semaphore(%arg18 : memref<!tpu.dma_semaphore, #tpu.memory_space<semaphore_mem>>) src(%dma_wait3A_114 : memref<128xi32, #tpu.memory_space<hbm>>) dst(%arg8 : memref<128xi32, #tpu.memory_space<vmem>>)
      %dma_wait3A_115 = arith.constant 0 : i32
      %dma_wait3A_116 = tpu.memref_slice %arg7[%dma_wait3A_115] : memref<10240xi32, #tpu.memory_space<vmem>> -> memref<128xi32, #tpu.memory_space<vmem>>
      %dma_wait3A_117 = arith.constant 0 : i32
      %dma_wait3A_118 = arith.constant 0 : i32
      %dma_wait3A_119 = tpu.memref_slice %arg2[%dma_wait3A_117, %dma_wait3A_118] : memref<10000x128xf32, #tpu.memory_space<hbm>> -> memref<10000x128xf32, #tpu.memory_space<hbm>>
      tpu.wait_indirect_dma semaphore(%arg14 : memref<!tpu.dma_semaphore, #tpu.memory_space<semaphore_mem>>) src(%dma_wait3A_119 : memref<10000x128xf32, #tpu.memory_space<hbm>>) dst(%arg10 : memref<128x128xf32, #tpu.memory_space<vmem>>)
      %dma_start3A_120 = arith.constant 0 : i32
      %dma_start3A_121 = arith.constant 0 : i32
      %dma_start3A_122 = tpu.memref_slice %arg12[%dma_start3A_120, %dma_start3A_121] : memref<10240x128xf32, #tpu.memory_space<vmem_shared>> -> memref<10240x128xf32, #tpu.memory_space<vmem_shared>>
      tpu.enqueue_indirect_dma source(%arg10 : memref<128x128xf32, #tpu.memory_space<vmem>>) target(%dma_start3A_122 : memref<10240x128xf32, #tpu.memory_space<vmem_shared>>) offsets(%arg8 : memref<128xi32, #tpu.memory_space<vmem>>) semaphore(%arg16 : memref<!tpu.dma_semaphore, #tpu.memory_space<semaphore_mem>>) {add = true}
      %mul3A_123 = arith.constant 2 : i32
      %mul3A_124 = arith.muli %mul3A_123, %while3A_96 : i32
      %add3A_125 = arith.constant 1 : i32
      %add3A_126 = arith.addi %mul3A_124, %add3A_125 : i32
      %ge3A_127 = arith.constant 1 : i32
      %ge3A_128 = arith.cmpi sge, %add3A_126, %ge3A_127 : i32
      %convert_element_type3A_129 = arith.extui %ge3A_128 : i1 to i32
      %cond3A_130 = arith.constant 0 : i32
      %cond3A_131 = arith.cmpi ne, %convert_element_type3A_129, %cond3A_130 : i32
      scf.if %cond3A_131 {
        %dma_wait3A_150 = arith.constant 0 : i32
        %dma_wait3A_151 = arith.constant 0 : i32
        %dma_wait3A_152 = tpu.memref_slice %arg12[%dma_wait3A_150, %dma_wait3A_151] : memref<10240x128xf32, #tpu.memory_space<vmem_shared>> -> memref<10240x128xf32, #tpu.memory_space<vmem_shared>>
        tpu.wait_indirect_dma semaphore(%arg16 : memref<!tpu.dma_semaphore, #tpu.memory_space<semaphore_mem>>) src(%arg10 : memref<128x128xf32, #tpu.memory_space<vmem>>) dst(%dma_wait3A_152 : memref<10240x128xf32, #tpu.memory_space<vmem_shared>>)
      } else {
      }
      %add3A_132 = arith.constant 1 : i32
      %add3A_133 = arith.addi %add3A_126, %add3A_132 : i32
      %lt3A_134 = arith.cmpi slt, %add3A_133, %select_n3A : i32
      %convert_element_type3A_135 = arith.extui %lt3A_134 : i1 to i32
      %cond3A_136 = arith.constant 0 : i32
      %cond3A_137 = arith.cmpi ne, %convert_element_type3A_135, %cond3A_136 : i32
      scf.if %cond3A_137 {
        %add3A_150 = arith.constant 1 : i32
        %add3A_151 = arith.addi %add3A_126, %add3A_150 : i32
        %mul3A_152 = arith.constant 128 : i32
        %mul3A_153 = arith.muli %add3A_151, %mul3A_152 : i32
        %add3A_154 = arith.addi %mul3A_10, %mul3A_153 : i32
        %dma_start3A_155 = tpu.memref_slice %arg4[%add3A_154] : memref<320000xi32, #tpu.memory_space<hbm>> -> memref<128xi32, #tpu.memory_space<hbm>>
        %dma_start3A_156 = tpu.memref_slice %arg4[%add3A_154] : memref<320000xi32, #tpu.memory_space<hbm>> -> memref<128xi32, #tpu.memory_space<hbm>>
        tpu.enqueue_dma source(%dma_start3A_156 : memref<128xi32, #tpu.memory_space<hbm>>) target(%arg8 : memref<128xi32, #tpu.memory_space<vmem>>) target_semaphore(%arg18 : memref<!tpu.dma_semaphore, #tpu.memory_space<semaphore_mem>>)
        %mul3A_157 = arith.constant 128 : i32
        %mul3A_158 = arith.muli %add3A_151, %mul3A_157 : i32
        %dma_start3A_159 = tpu.memref_slice %arg7[%mul3A_158] : memref<10240xi32, #tpu.memory_space<vmem>> -> memref<128xi32, #tpu.memory_space<vmem>>
        %dma_start3A_160 = arith.constant 0 : i32
        %dma_start3A_161 = arith.constant 0 : i32
        %dma_start3A_162 = tpu.memref_slice %arg2[%dma_start3A_160, %dma_start3A_161] : memref<10000x128xf32, #tpu.memory_space<hbm>> -> memref<10000x128xf32, #tpu.memory_space<hbm>>
        tpu.enqueue_indirect_dma source(%dma_start3A_162 : memref<10000x128xf32, #tpu.memory_space<hbm>>) target(%arg10 : memref<128x128xf32, #tpu.memory_space<vmem>>) offsets(%dma_start3A_159 : memref<128xi32, #tpu.memory_space<vmem>>) semaphore(%arg14 : memref<!tpu.dma_semaphore, #tpu.memory_space<semaphore_mem>>)
      } else {
      }
      %dma_wait3A_138 = arith.constant 0 : i32
      %dma_wait3A_139 = tpu.memref_slice %arg4[%dma_wait3A_138] : memref<320000xi32, #tpu.memory_space<hbm>> -> memref<128xi32, #tpu.memory_space<hbm>>
      %dma_wait3A_140 = arith.constant 0 : i32
      %dma_wait3A_141 = tpu.memref_slice %arg4[%dma_wait3A_140] : memref<320000xi32, #tpu.memory_space<hbm>> -> memref<128xi32, #tpu.memory_space<hbm>>
      tpu.wait_dma2 semaphore(%arg19 : memref<!tpu.dma_semaphore, #tpu.memory_space<semaphore_mem>>) src(%dma_wait3A_141 : memref<128xi32, #tpu.memory_space<hbm>>) dst(%arg9 : memref<128xi32, #tpu.memory_space<vmem>>)
      %dma_wait3A_142 = arith.constant 0 : i32
      %dma_wait3A_143 = tpu.memref_slice %arg7[%dma_wait3A_142] : memref<10240xi32, #tpu.memory_space<vmem>> -> memref<128xi32, #tpu.memory_space<vmem>>
      %dma_wait3A_144 = arith.constant 0 : i32
      %dma_wait3A_145 = arith.constant 0 : i32
      %dma_wait3A_146 = tpu.memref_slice %arg2[%dma_wait3A_144, %dma_wait3A_145] : memref<10000x128xf32, #tpu.memory_space<hbm>> -> memref<10000x128xf32, #tpu.memory_space<hbm>>
      tpu.wait_indirect_dma semaphore(%arg15 : memref<!tpu.dma_semaphore, #tpu.memory_space<semaphore_mem>>) src(%dma_wait3A_146 : memref<10000x128xf32, #tpu.memory_space<hbm>>) dst(%arg11 : memref<128x128xf32, #tpu.memory_space<vmem>>)
      %dma_start3A_147 = arith.constant 0 : i32
      %dma_start3A_148 = arith.constant 0 : i32
      %dma_start3A_149 = tpu.memref_slice %arg12[%dma_start3A_147, %dma_start3A_148] : memref<10240x128xf32, #tpu.memory_space<vmem_shared>> -> memref<10240x128xf32, #tpu.memory_space<vmem_shared>>
      tpu.enqueue_indirect_dma source(%arg11 : memref<128x128xf32, #tpu.memory_space<vmem>>) target(%dma_start3A_149 : memref<10240x128xf32, #tpu.memory_space<vmem_shared>>) offsets(%arg9 : memref<128xi32, #tpu.memory_space<vmem>>) semaphore(%arg17 : memref<!tpu.dma_semaphore, #tpu.memory_space<semaphore_mem>>) {add = true}
    }
    %dma_wait3A_83 = arith.constant 0 : i32
    %dma_wait3A_84 = arith.constant 0 : i32
    %dma_wait3A_85 = tpu.memref_slice %arg12[%dma_wait3A_83, %dma_wait3A_84] : memref<10240x128xf32, #tpu.memory_space<vmem_shared>> -> memref<10240x128xf32, #tpu.memory_space<vmem_shared>>
    tpu.wait_indirect_dma semaphore(%arg17 : memref<!tpu.dma_semaphore, #tpu.memory_space<semaphore_mem>>) src(%arg11 : memref<128x128xf32, #tpu.memory_space<vmem>>) dst(%dma_wait3A_85 : memref<10240x128xf32, #tpu.memory_space<vmem_shared>>)
    %barrier3A_86 = arith.constant 0 : index
    tpu.barrier barrier_id(%barrier3A_86)
    %eq3A = arith.constant 0 : i32
    %eq3A_87 = arith.cmpi eq, %arg0, %eq3A : i32
    %convert_element_type3A_88 = arith.extui %eq3A_87 : i1 to i32
    %cond3A_89 = arith.constant 0 : i32
    %cond3A_90 = arith.cmpi ne, %convert_element_type3A_88, %cond3A_89 : i32
    scf.if %cond3A_90 {
      %mul3A_96 = arith.constant 640 : i32
      %mul3A_97 = arith.muli %arg1, %mul3A_96 : i32
      %mul3A_98 = arith.constant 640 : i32
      %mul3A_99 = arith.muli %arg1, %mul3A_98 : i32
      "tpu.region"() ({
        %run_scoped3A = tpu.sem_alloc : memref<!tpu.dma_semaphore, #tpu.memory_space<semaphore_mem>>
        %dma_start3A_100 = arith.constant 0 : i32
        %dma_start3A_101 = tpu.memref_slice %arg5[%mul3A_99, %dma_start3A_100] : memref<10240x128xf32, #tpu.memory_space<hbm>> -> memref<640x128xf32, #tpu.memory_space<hbm>>
        %dma_start3A_102 = arith.constant 0 : i32
        %dma_start3A_103 = tpu.memref_slice %arg12[%mul3A_97, %dma_start3A_102] : memref<10240x128xf32, #tpu.memory_space<vmem_shared>> -> memref<640x128xf32, #tpu.memory_space<vmem_shared>>
        tpu.enqueue_dma source(%dma_start3A_103 : memref<640x128xf32, #tpu.memory_space<vmem_shared>>) target(%dma_start3A_101 : memref<640x128xf32, #tpu.memory_space<hbm>>) target_semaphore(%run_scoped3A : memref<!tpu.dma_semaphore, #tpu.memory_space<semaphore_mem>>)
        %dma_wait3A_104 = arith.constant 0 : i32
        %dma_wait3A_105 = tpu.memref_slice %arg5[%mul3A_99, %dma_wait3A_104] : memref<10240x128xf32, #tpu.memory_space<hbm>> -> memref<640x128xf32, #tpu.memory_space<hbm>>
        %dma_wait3A_106 = arith.constant 0 : i32
        %dma_wait3A_107 = tpu.memref_slice %arg12[%mul3A_97, %dma_wait3A_106] : memref<10240x128xf32, #tpu.memory_space<vmem_shared>> -> memref<640x128xf32, #tpu.memory_space<vmem_shared>>
        tpu.wait_dma2 semaphore(%run_scoped3A : memref<!tpu.dma_semaphore, #tpu.memory_space<semaphore_mem>>) src(%dma_wait3A_107 : memref<640x128xf32, #tpu.memory_space<vmem_shared>>) dst(%dma_wait3A_105 : memref<640x128xf32, #tpu.memory_space<hbm>>)
        tpu.yield
      }) : () -> ()
    } else {
    }
    %eq3A_91 = arith.constant 1 : i32
    %eq3A_92 = arith.cmpi eq, %arg0, %eq3A_91 : i32
    %convert_element_type3A_93 = arith.extui %eq3A_92 : i1 to i32
    %cond3A_94 = arith.constant 0 : i32
    %cond3A_95 = arith.cmpi ne, %convert_element_type3A_93, %cond3A_94 : i32
    scf.if %cond3A_95 {
      %mul3A_96 = arith.constant 640 : i32
      %mul3A_97 = arith.muli %arg1, %mul3A_96 : i32
      %mul3A_98 = arith.constant 640 : i32
      %mul3A_99 = arith.muli %arg1, %mul3A_98 : i32
      "tpu.region"() ({
        %run_scoped3A = tpu.sem_alloc : memref<!tpu.dma_semaphore, #tpu.memory_space<semaphore_mem>>
        %dma_start3A_100 = arith.constant 0 : i32
        %dma_start3A_101 = tpu.memref_slice %arg6[%mul3A_99, %dma_start3A_100] : memref<10240x128xf32, #tpu.memory_space<hbm>> -> memref<640x128xf32, #tpu.memory_space<hbm>>
        %dma_start3A_102 = arith.constant 0 : i32
        %dma_start3A_103 = tpu.memref_slice %arg12[%mul3A_97, %dma_start3A_102] : memref<10240x128xf32, #tpu.memory_space<vmem_shared>> -> memref<640x128xf32, #tpu.memory_space<vmem_shared>>
        tpu.enqueue_dma source(%dma_start3A_103 : memref<640x128xf32, #tpu.memory_space<vmem_shared>>) target(%dma_start3A_101 : memref<640x128xf32, #tpu.memory_space<hbm>>) target_semaphore(%run_scoped3A : memref<!tpu.dma_semaphore, #tpu.memory_space<semaphore_mem>>)
        %dma_wait3A_104 = arith.constant 0 : i32
        %dma_wait3A_105 = tpu.memref_slice %arg6[%mul3A_99, %dma_wait3A_104] : memref<10240x128xf32, #tpu.memory_space<hbm>> -> memref<640x128xf32, #tpu.memory_space<hbm>>
        %dma_wait3A_106 = arith.constant 0 : i32
        %dma_wait3A_107 = tpu.memref_slice %arg12[%mul3A_97, %dma_wait3A_106] : memref<10240x128xf32, #tpu.memory_space<vmem_shared>> -> memref<640x128xf32, #tpu.memory_space<vmem_shared>>
        tpu.wait_dma2 semaphore(%run_scoped3A : memref<!tpu.dma_semaphore, #tpu.memory_space<semaphore_mem>>) src(%dma_wait3A_107 : memref<640x128xf32, #tpu.memory_space<vmem_shared>>) dst(%dma_wait3A_105 : memref<640x128xf32, #tpu.memory_space<hbm>>)
        tpu.yield
      }) : () -> ()
    } else {
    }
    return
  }
}

module attributes {stable_mosaic.version = 14 : i64} {
  func.func @_mlppool_body(%arg0: i32, %arg1: i32, %arg2: memref<2000x128xf32, #tpu.memory_space<vmem>>, %arg3: memref<2000x128xf32, #tpu.memory_space<vmem>>, %arg4: memref<2000x128xf32, #tpu.memory_space<vmem>>, %arg5: memref<128x128xf32, #tpu.memory_space<vmem>>, %arg6: memref<1x128xf32, #tpu.memory_space<vmem>>, %arg7: memref<128x128xf32, #tpu.memory_space<vmem>>, %arg8: memref<1x128xf32, #tpu.memory_space<vmem>>, %arg9: memref<1x128xf32, #tpu.memory_space<vmem>>, %arg10: memref<1x128xf32, #tpu.memory_space<vmem>>, %arg11: memref<1x1x2000xi32, #tpu.memory_space<vmem>>, %arg12: memref<128x128xf32, #tpu.memory_space<vmem>>, %arg13: memref<10000x128xf32, #tpu.memory_space<vmem>>, %arg14: memref<1x128xf32, #tpu.memory_space<vmem>>, %arg15: memref<1x128xf32, #tpu.memory_space<vmem>>, %arg16: memref<128x128xf32, #tpu.memory_space<vmem>>, %arg17: memref<128x8xf32, #tpu.memory_space<vmem>>) attributes {dimension_semantics = [#tpu.dimension_semantics<arbitrary>, #tpu.dimension_semantics<arbitrary>], iteration_bounds = array<i64: 2, 5>, scalar_prefetch = 0 : i64, scratch_operands = 5 : i64, tpu.core_type = #tpu.core_type<tc>, window_params = [{transform_indices = @transform_0, window_bounds = array<i64: 2000, 128>}, {transform_indices = @transform_1, window_bounds = array<i64: 2000, 128>}, {transform_indices = @transform_2, window_bounds = array<i64: 2000, 128>}, {pipeline_mode = #tpu.pipeline_mode<synchronous>, transform_indices = @transform_3, window_bounds = array<i64: 128, 128>}, {pipeline_mode = #tpu.pipeline_mode<synchronous>, transform_indices = @transform_4, window_bounds = array<i64: 1, 128>}, {pipeline_mode = #tpu.pipeline_mode<synchronous>, transform_indices = @transform_5, window_bounds = array<i64: 128, 128>}, {pipeline_mode = #tpu.pipeline_mode<synchronous>, transform_indices = @transform_6, window_bounds = array<i64: 1, 128>}, {pipeline_mode = #tpu.pipeline_mode<synchronous>, transform_indices = @transform_7, window_bounds = array<i64: 1, 128>}, {pipeline_mode = #tpu.pipeline_mode<synchronous>, transform_indices = @transform_8, window_bounds = array<i64: 1, 128>}, {transform_indices = @transform_9, window_bounds = array<i64: 1, 1, 2000>}, {pipeline_mode = #tpu.pipeline_mode<synchronous>, transform_indices = @transform_10, window_bounds = array<i64: 128, 128>}]} {
    %eq3A = arith.constant 0 : i32
    %eq3A_0 = arith.cmpi eq, %arg0, %eq3A : i32
    %convert_element_type3A = arith.extui %eq3A_0 : i1 to i32
    %cond3A = arith.constant 0 : i32
    %cond3A_1 = arith.cmpi ne, %convert_element_type3A, %cond3A : i32
    scf.if %cond3A_1 {
      %get3A = arith.constant 0 : index
      %get3A_7 = arith.constant 0 : index
      %get3A_8 = vector.load %arg2[%get3A, %get3A_7] : memref<2000x128xf32, #tpu.memory_space<vmem>>, vector<2000x128xf32>
      %get3A_9 = arith.constant 0 : index
      %get3A_10 = arith.constant 0 : index
      %get3A_11 = vector.load %arg3[%get3A_9, %get3A_10] : memref<2000x128xf32, #tpu.memory_space<vmem>>, vector<2000x128xf32>
      %add3A = arith.addf %get3A_8, %get3A_11 : vector<2000x128xf32>
      %get3A_12 = arith.constant 0 : index
      %get3A_13 = arith.constant 0 : index
      %get3A_14 = vector.load %arg4[%get3A_12, %get3A_13] : memref<2000x128xf32, #tpu.memory_space<vmem>>, vector<2000x128xf32>
      %add3A_15 = arith.addf %add3A, %get3A_14 : vector<2000x128xf32>
      %get3A_16 = arith.constant 0 : index
      %get3A_17 = arith.constant 0 : index
      %get3A_18 = vector.load %arg5[%get3A_16, %get3A_17] : memref<128x128xf32, #tpu.memory_space<vmem>>, vector<128x128xf32>
      %dot_general3A = arith.constant dense<0.000000e+00> : vector<2000x128xf32>
      %dot_general3A_19 = tpu.matmul %add3A_15, %get3A_18, %dot_general3A {dimension_numbers = #tpu.dot_dimension_numbers<[1], [0], [0], [1], [0, 0, 1, 1], [], []>, transpose_lhs_hint = false} : vector<2000x128xf32>, vector<128x128xf32>, vector<2000x128xf32> -> vector<2000x128xf32>
      %get3A_20 = arith.constant 0 : index
      %get3A_21 = arith.constant 0 : index
      %get3A_22 = vector.load %arg6[%get3A_20, %get3A_21] : memref<1x128xf32, #tpu.memory_space<vmem>>, vector<1x128xf32>
      %add3A_23 = vector.broadcast %get3A_22 : vector<1x128xf32> to vector<2000x128xf32>
      %add3A_24 = arith.addf %dot_general3A_19, %add3A_23 : vector<2000x128xf32>
      %max3A = arith.constant 0.000000e+00 : f32
      %max3A_25 = vector.broadcast %max3A : f32 to vector<2000x128xf32>
      %max3A_26 = arith.maximumf %add3A_24, %max3A_25 : vector<2000x128xf32>
      %get3A_27 = arith.constant 0 : index
      %get3A_28 = arith.constant 0 : index
      %get3A_29 = vector.load %arg7[%get3A_27, %get3A_28] : memref<128x128xf32, #tpu.memory_space<vmem>>, vector<128x128xf32>
      %dot_general3A_30 = arith.constant dense<0.000000e+00> : vector<2000x128xf32>
      %dot_general3A_31 = tpu.matmul %max3A_26, %get3A_29, %dot_general3A_30 {dimension_numbers = #tpu.dot_dimension_numbers<[1], [0], [0], [1], [0, 0, 1, 1], [], []>, transpose_lhs_hint = false} : vector<2000x128xf32>, vector<128x128xf32>, vector<2000x128xf32> -> vector<2000x128xf32>
      %get3A_32 = arith.constant 0 : index
      %get3A_33 = arith.constant 0 : index
      %get3A_34 = vector.load %arg8[%get3A_32, %get3A_33] : memref<1x128xf32, #tpu.memory_space<vmem>>, vector<1x128xf32>
      %add3A_35 = vector.broadcast %get3A_34 : vector<1x128xf32> to vector<2000x128xf32>
      %add3A_36 = arith.addf %dot_general3A_31, %add3A_35 : vector<2000x128xf32>
      %max3A_37 = arith.constant 0.000000e+00 : f32
      %max3A_38 = vector.broadcast %max3A_37 : f32 to vector<2000x128xf32>
      %max3A_39 = arith.maximumf %add3A_36, %max3A_38 : vector<2000x128xf32>
      %mul3A = arith.constant 2000 : i32
      %mul3A_40 = arith.muli %arg1, %mul3A : i32
      %swap3A = arith.index_cast %mul3A_40 : i32 to index
      %swap3A_41 = arith.constant 0 : index
      %swap3A_42 = vector.load %arg13[%swap3A, %swap3A_41] : memref<10000x128xf32, #tpu.memory_space<vmem>>, vector<2000x128xf32>
      tpu.vector_store %arg13[%swap3A, %swap3A_41], %max3A_39 {strides = array<i32>} : memref<10000x128xf32, #tpu.memory_space<vmem>>, vector<2000x128xf32>,
      %reduce_sum3A = arith.constant dense<0.000000e+00> : vector<128xf32>
      %reduce_sum3A_43 = vector.multi_reduction <add>, %max3A_39, %reduce_sum3A [0] : vector<2000x128xf32> to vector<128xf32>
      %broadcast_in_dim3A = vector.shape_cast %reduce_sum3A_43 : vector<128xf32> to vector<1x128xf32>
      %mul3A_44 = arith.mulf %max3A_39, %max3A_39 : vector<2000x128xf32>
      %reduce_sum3A_45 = arith.constant dense<0.000000e+00> : vector<128xf32>
      %reduce_sum3A_46 = vector.multi_reduction <add>, %mul3A_44, %reduce_sum3A_45 [0] : vector<2000x128xf32> to vector<128xf32>
      %broadcast_in_dim3A_47 = vector.shape_cast %reduce_sum3A_46 : vector<128xf32> to vector<1x128xf32>
      %eq3A_48 = arith.constant 0 : i32
      %eq3A_49 = arith.cmpi eq, %arg1, %eq3A_48 : i32
      %convert_element_type3A_50 = arith.extui %eq3A_49 : i1 to i32
      %cond3A_51 = arith.constant 0 : i32
      %cond3A_52 = arith.cmpi ne, %convert_element_type3A_50, %cond3A_51 : i32
      scf.if %cond3A_52 {
        %swap3A_57 = arith.constant 0 : index
        %swap3A_58 = arith.constant 0 : index
        %swap3A_59 = vector.load %arg14[%swap3A_57, %swap3A_58] : memref<1x128xf32, #tpu.memory_space<vmem>>, vector<1x128xf32>
        tpu.vector_store %arg14[%swap3A_57, %swap3A_58], %broadcast_in_dim3A {strides = array<i32>} : memref<1x128xf32, #tpu.memory_space<vmem>>, vector<1x128xf32>,
        %swap3A_60 = arith.constant 0 : index
        %swap3A_61 = arith.constant 0 : index
        %swap3A_62 = vector.load %arg15[%swap3A_60, %swap3A_61] : memref<1x128xf32, #tpu.memory_space<vmem>>, vector<1x128xf32>
        tpu.vector_store %arg15[%swap3A_60, %swap3A_61], %broadcast_in_dim3A_47 {strides = array<i32>} : memref<1x128xf32, #tpu.memory_space<vmem>>, vector<1x128xf32>,
      } else {
      }
      %ne3A = arith.constant 0 : i32
      %ne3A_53 = arith.cmpi ne, %arg1, %ne3A : i32
      %convert_element_type3A_54 = arith.extui %ne3A_53 : i1 to i32
      %cond3A_55 = arith.constant 0 : i32
      %cond3A_56 = arith.cmpi ne, %convert_element_type3A_54, %cond3A_55 : i32
      scf.if %cond3A_56 {
        %get3A_57 = arith.constant 0 : index
        %get3A_58 = arith.constant 0 : index
        %get3A_59 = vector.load %arg14[%get3A_57, %get3A_58] : memref<1x128xf32, #tpu.memory_space<vmem>>, vector<1x128xf32>
        %add3A_60 = arith.addf %get3A_59, %broadcast_in_dim3A : vector<1x128xf32>
        %swap3A_61 = arith.constant 0 : index
        %swap3A_62 = arith.constant 0 : index
        %swap3A_63 = vector.load %arg14[%swap3A_61, %swap3A_62] : memref<1x128xf32, #tpu.memory_space<vmem>>, vector<1x128xf32>
        tpu.vector_store %arg14[%swap3A_61, %swap3A_62], %add3A_60 {strides = array<i32>} : memref<1x128xf32, #tpu.memory_space<vmem>>, vector<1x128xf32>,
        %get3A_64 = arith.constant 0 : index
        %get3A_65 = arith.constant 0 : index
        %get3A_66 = vector.load %arg15[%get3A_64, %get3A_65] : memref<1x128xf32, #tpu.memory_space<vmem>>, vector<1x128xf32>
        %add3A_67 = arith.addf %get3A_66, %broadcast_in_dim3A_47 : vector<1x128xf32>
        %swap3A_68 = arith.constant 0 : index
        %swap3A_69 = arith.constant 0 : index
        %swap3A_70 = vector.load %arg15[%swap3A_68, %swap3A_69] : memref<1x128xf32, #tpu.memory_space<vmem>>, vector<1x128xf32>
        tpu.vector_store %arg15[%swap3A_68, %swap3A_69], %add3A_67 {strides = array<i32>} : memref<1x128xf32, #tpu.memory_space<vmem>>, vector<1x128xf32>,
      } else {
      }
    } else {
    }
    %eq3A_2 = arith.constant 1 : i32
    %eq3A_3 = arith.cmpi eq, %arg0, %eq3A_2 : i32
    %convert_element_type3A_4 = arith.extui %eq3A_3 : i1 to i32
    %cond3A_5 = arith.constant 0 : i32
    %cond3A_6 = arith.cmpi ne, %convert_element_type3A_4, %cond3A_5 : i32
    scf.if %cond3A_6 {
      %get3A = arith.constant 0 : index
      %get3A_7 = arith.constant 0 : index
      %get3A_8 = vector.load %arg14[%get3A, %get3A_7] : memref<1x128xf32, #tpu.memory_space<vmem>>, vector<1x128xf32>
      %mul3A = arith.constant 9.99999974E-5 : f32
      %mul3A_9 = vector.broadcast %mul3A : f32 to vector<1x128xf32>
      %mul3A_10 = arith.mulf %get3A_8, %mul3A_9 : vector<1x128xf32>
      %get3A_11 = arith.constant 0 : index
      %get3A_12 = arith.constant 0 : index
      %get3A_13 = vector.load %arg15[%get3A_11, %get3A_12] : memref<1x128xf32, #tpu.memory_space<vmem>>, vector<1x128xf32>
      %mul3A_14 = arith.constant 9.99999974E-5 : f32
      %mul3A_15 = vector.broadcast %mul3A_14 : f32 to vector<1x128xf32>
      %mul3A_16 = arith.mulf %get3A_13, %mul3A_15 : vector<1x128xf32>
      %mul3A_17 = arith.mulf %mul3A_10, %mul3A_10 : vector<1x128xf32>
      %sub3A = arith.subf %mul3A_16, %mul3A_17 : vector<1x128xf32>
      %add3A = arith.constant 9.99999974E-6 : f32
      %add3A_18 = vector.broadcast %add3A : f32 to vector<1x128xf32>
      %add3A_19 = arith.addf %sub3A, %add3A_18 : vector<1x128xf32>
      %rsqrt3A = math.rsqrt %add3A_19 : vector<1x128xf32>
      %get3A_20 = arith.constant 0 : index
      %get3A_21 = arith.constant 0 : index
      %get3A_22 = vector.load %arg9[%get3A_20, %get3A_21] : memref<1x128xf32, #tpu.memory_space<vmem>>, vector<1x128xf32>
      %mul3A_23 = arith.mulf %rsqrt3A, %get3A_22 : vector<1x128xf32>
      %mul3A_24 = arith.constant 2000 : i32
      %mul3A_25 = arith.muli %arg1, %mul3A_24 : i32
      %get3A_26 = arith.index_cast %mul3A_25 : i32 to index
      %get3A_27 = arith.constant 0 : index
      %get3A_28 = vector.load %arg13[%get3A_26, %get3A_27] : memref<10000x128xf32, #tpu.memory_space<vmem>>, vector<2000x128xf32>
      %sub3A_29 = vector.broadcast %mul3A_10 : vector<1x128xf32> to vector<2000x128xf32>
      %sub3A_30 = arith.subf %get3A_28, %sub3A_29 : vector<2000x128xf32>
      %mul3A_31 = vector.broadcast %mul3A_23 : vector<1x128xf32> to vector<2000x128xf32>
      %mul3A_32 = arith.mulf %sub3A_30, %mul3A_31 : vector<2000x128xf32>
      %get3A_33 = arith.constant 0 : index
      %get3A_34 = arith.constant 0 : index
      %get3A_35 = vector.load %arg10[%get3A_33, %get3A_34] : memref<1x128xf32, #tpu.memory_space<vmem>>, vector<1x128xf32>
      %add3A_36 = vector.broadcast %get3A_35 : vector<1x128xf32> to vector<2000x128xf32>
      %add3A_37 = arith.addf %mul3A_32, %add3A_36 : vector<2000x128xf32>
      %eq3A_38 = arith.constant 0 : i32
      %eq3A_39 = arith.cmpi eq, %arg1, %eq3A_38 : i32
      %convert_element_type3A_40 = arith.extui %eq3A_39 : i1 to i32
      %cond3A_41 = arith.constant 0 : i32
      %cond3A_42 = arith.cmpi ne, %convert_element_type3A_40, %cond3A_41 : i32
      scf.if %cond3A_42 {
        %broadcast_in_dim3A_75 = arith.constant 0.000000e+00 : f32
        %broadcast_in_dim3A_76 = vector.broadcast %broadcast_in_dim3A_75 : f32 to vector<128x128xf32>
        %swap3A_77 = arith.constant 0 : index
        %swap3A_78 = arith.constant 0 : index
        %swap3A_79 = vector.load %arg16[%swap3A_77, %swap3A_78] : memref<128x128xf32, #tpu.memory_space<vmem>>, vector<128x128xf32>
        tpu.vector_store %arg16[%swap3A_77, %swap3A_78], %broadcast_in_dim3A_76 {strides = array<i32>} : memref<128x128xf32, #tpu.memory_space<vmem>>, vector<128x128xf32>,
        %broadcast_in_dim3A_80 = arith.constant 0.000000e+00 : f32
        %broadcast_in_dim3A_81 = vector.broadcast %broadcast_in_dim3A_80 : f32 to vector<128x8xf32>
        %swap3A_82 = arith.constant 0 : index
        %swap3A_83 = arith.constant 0 : index
        %swap3A_84 = vector.load %arg17[%swap3A_82, %swap3A_83] : memref<128x8xf32, #tpu.memory_space<vmem>>, vector<128x8xf32>
        tpu.vector_store %arg17[%swap3A_82, %swap3A_83], %broadcast_in_dim3A_81 {strides = array<i32>} : memref<128x8xf32, #tpu.memory_space<vmem>>, vector<128x8xf32>,
      } else {
      }
      %get3A_43 = arith.constant 0 : index
      %get3A_44 = arith.constant 0 : index
      %get3A_45 = arith.constant 0 : index
      %get3A_46 = vector.load %arg11[%get3A_43, %get3A_44, %get3A_45] : memref<1x1x2000xi32, #tpu.memory_space<vmem>>, vector<1x1x2000xi32>
      %get3A_47 = vector.shape_cast %get3A_46 : vector<1x1x2000xi32> to vector<2000xi32>
      %broadcast_in_dim3A = vector.shape_cast %get3A_47 : vector<2000xi32> to vector<2000x1xi32>
      %iota3A = tpu.iota {dimensions = array<i32: 1>} : vector<2000x128xi32>
      %eq3A_48 = vector.broadcast %broadcast_in_dim3A : vector<2000x1xi32> to vector<2000x128xi32>
      %eq3A_49 = arith.cmpi eq, %eq3A_48, %iota3A : vector<2000x128xi32>
      %convert_element_type3A_50 = arith.extui %eq3A_49 : vector<2000x128xi1> to vector<2000x128xi32>
      %convert_element_type3A_51 = arith.sitofp %convert_element_type3A_50 : vector<2000x128xi32> to vector<2000x128xf32>
      %get3A_52 = arith.constant 0 : index
      %get3A_53 = arith.constant 0 : index
      %get3A_54 = vector.load %arg16[%get3A_52, %get3A_53] : memref<128x128xf32, #tpu.memory_space<vmem>>, vector<128x128xf32>
      %dot_general3A = arith.constant dense<0.000000e+00> : vector<128x128xf32>
      %dot_general3A_55 = tpu.matmul %convert_element_type3A_51, %add3A_37, %dot_general3A {dimension_numbers = #tpu.dot_dimension_numbers<[0], [0], [1], [1], [0, 1, 1, 1], [], []>, transpose_lhs_hint = false} : vector<2000x128xf32>, vector<2000x128xf32>, vector<128x128xf32> -> vector<128x128xf32>
      %add3A_56 = arith.addf %get3A_54, %dot_general3A_55 : vector<128x128xf32>
      %swap3A = arith.constant 0 : index
      %swap3A_57 = arith.constant 0 : index
      %swap3A_58 = vector.load %arg16[%swap3A, %swap3A_57] : memref<128x128xf32, #tpu.memory_space<vmem>>, vector<128x128xf32>
      tpu.vector_store %arg16[%swap3A, %swap3A_57], %add3A_56 {strides = array<i32>} : memref<128x128xf32, #tpu.memory_space<vmem>>, vector<128x128xf32>,
      %get3A_59 = arith.constant 0 : index
      %get3A_60 = arith.constant 0 : index
      %get3A_61 = vector.load %arg17[%get3A_59, %get3A_60] : memref<128x8xf32, #tpu.memory_space<vmem>>, vector<128x8xf32>
      %broadcast_in_dim3A_62 = arith.constant 1.000000e+00 : f32
      %broadcast_in_dim3A_63 = vector.broadcast %broadcast_in_dim3A_62 : f32 to vector<2000x8xf32>
      %dot_general3A_64 = arith.constant dense<0.000000e+00> : vector<128x8xf32>
      %dot_general3A_65 = tpu.matmul %convert_element_type3A_51, %broadcast_in_dim3A_63, %dot_general3A_64 {dimension_numbers = #tpu.dot_dimension_numbers<[0], [0], [1], [1], [0, 1, 1, 1], [], []>, transpose_lhs_hint = false} : vector<2000x128xf32>, vector<2000x8xf32>, vector<128x8xf32> -> vector<128x8xf32>
      %add3A_66 = arith.addf %get3A_61, %dot_general3A_65 : vector<128x8xf32>
      %swap3A_67 = arith.constant 0 : index
      %swap3A_68 = arith.constant 0 : index
      %swap3A_69 = vector.load %arg17[%swap3A_67, %swap3A_68] : memref<128x8xf32, #tpu.memory_space<vmem>>, vector<128x8xf32>
      tpu.vector_store %arg17[%swap3A_67, %swap3A_68], %add3A_66 {strides = array<i32>} : memref<128x8xf32, #tpu.memory_space<vmem>>, vector<128x8xf32>,
      %eq3A_70 = arith.constant 4 : i32
      %eq3A_71 = arith.cmpi eq, %arg1, %eq3A_70 : i32
      %convert_element_type3A_72 = arith.extui %eq3A_71 : i1 to i32
      %cond3A_73 = arith.constant 0 : i32
      %cond3A_74 = arith.cmpi ne, %convert_element_type3A_72, %cond3A_73 : i32
      scf.if %cond3A_74 {
        %get3A_75 = arith.constant 0 : index
        %get3A_76 = arith.constant 0 : index
        %get3A_77 = vector.load %arg16[%get3A_75, %get3A_76] : memref<128x128xf32, #tpu.memory_space<vmem>>, vector<128x128xf32>
        %get3A_78 = arith.constant 0 : index
        %get3A_79 = arith.constant 0 : index
        %get3A_80 = vector.load %arg17[%get3A_78, %get3A_79] : memref<128x8xf32, #tpu.memory_space<vmem>>, vector<128x8xf32>
        %slice3A = vector.extract_strided_slice %get3A_80 {offsets = [0, 0], sizes = [128, 1], strides = [1, 1]} : vector<128x8xf32> to vector<128x1xf32>
        %max3A = arith.constant 1.000000e+00 : f32
        %max3A_81 = vector.broadcast %max3A : f32 to vector<128x1xf32>
        %max3A_82 = arith.maximumf %slice3A, %max3A_81 : vector<128x1xf32>
        %div3A = vector.broadcast %max3A_82 : vector<128x1xf32> to vector<128x128xf32>
        %div3A_83 = arith.divf %get3A_77, %div3A : vector<128x128xf32>
        %swap3A_84 = arith.constant 0 : index
        %swap3A_85 = arith.constant 0 : index
        %swap3A_86 = vector.load %arg12[%swap3A_84, %swap3A_85] : memref<128x128xf32, #tpu.memory_space<vmem>>, vector<128x128xf32>
        tpu.vector_store %arg12[%swap3A_84, %swap3A_85], %div3A_83 {strides = array<i32>} : memref<128x128xf32, #tpu.memory_space<vmem>>, vector<128x128xf32>,
      } else {
      }
    } else {
    }
    return
  }
  func.func @transform_0(%arg0: i32, %arg1: i32) -> (i32, i32) {
    %sub3A = arith.constant 1 : i32
    %sub3A_0 = arith.subi %sub3A, %arg0 : i32
    %mul3A = arith.muli %arg1, %sub3A_0 : i32
    %mul3A_1 = arith.constant 4 : i32
    %mul3A_2 = arith.muli %mul3A_1, %arg0 : i32
    %add3A = arith.addi %mul3A, %mul3A_2 : i32
    %c0_i32 = arith.constant 0 : i32
    %c0_i32_3 = arith.constant 0 : i32
    return %add3A, %c0_i32 : i32, i32
  }
  func.func @transform_1(%arg0: i32, %arg1: i32) -> (i32, i32) {
    %sub3A = arith.constant 1 : i32
    %sub3A_0 = arith.subi %sub3A, %arg0 : i32
    %mul3A = arith.muli %arg1, %sub3A_0 : i32
    %mul3A_1 = arith.constant 4 : i32
    %mul3A_2 = arith.muli %mul3A_1, %arg0 : i32
    %add3A = arith.addi %mul3A, %mul3A_2 : i32
    %c0_i32 = arith.constant 0 : i32
    %c0_i32_3 = arith.constant 0 : i32
    return %add3A, %c0_i32 : i32, i32
  }
  func.func @transform_2(%arg0: i32, %arg1: i32) -> (i32, i32) {
    %sub3A = arith.constant 1 : i32
    %sub3A_0 = arith.subi %sub3A, %arg0 : i32
    %mul3A = arith.muli %arg1, %sub3A_0 : i32
    %mul3A_1 = arith.constant 4 : i32
    %mul3A_2 = arith.muli %mul3A_1, %arg0 : i32
    %add3A = arith.addi %mul3A, %mul3A_2 : i32
    %c0_i32 = arith.constant 0 : i32
    %c0_i32_3 = arith.constant 0 : i32
    return %add3A, %c0_i32 : i32, i32
  }
  func.func @transform_3(%arg0: i32, %arg1: i32) -> (i32, i32) {
    %c0_i32 = arith.constant 0 : i32
    %c0_i32_0 = arith.constant 0 : i32
    %c0_i32_1 = arith.constant 0 : i32
    return %c0_i32, %c0_i32_0 : i32, i32
  }
  func.func @transform_4(%arg0: i32, %arg1: i32) -> (i32, i32) {
    %c0_i32 = arith.constant 0 : i32
    %c0_i32_0 = arith.constant 0 : i32
    %c0_i32_1 = arith.constant 0 : i32
    return %c0_i32, %c0_i32_0 : i32, i32
  }
  func.func @transform_5(%arg0: i32, %arg1: i32) -> (i32, i32) {
    %c0_i32 = arith.constant 0 : i32
    %c0_i32_0 = arith.constant 0 : i32
    %c0_i32_1 = arith.constant 0 : i32
    return %c0_i32, %c0_i32_0 : i32, i32
  }
  func.func @transform_6(%arg0: i32, %arg1: i32) -> (i32, i32) {
    %c0_i32 = arith.constant 0 : i32
    %c0_i32_0 = arith.constant 0 : i32
    %c0_i32_1 = arith.constant 0 : i32
    return %c0_i32, %c0_i32_0 : i32, i32
  }
  func.func @transform_7(%arg0: i32, %arg1: i32) -> (i32, i32) {
    %c0_i32 = arith.constant 0 : i32
    %c0_i32_0 = arith.constant 0 : i32
    %c0_i32_1 = arith.constant 0 : i32
    return %c0_i32, %c0_i32_0 : i32, i32
  }
  func.func @transform_8(%arg0: i32, %arg1: i32) -> (i32, i32) {
    %c0_i32 = arith.constant 0 : i32
    %c0_i32_0 = arith.constant 0 : i32
    %c0_i32_1 = arith.constant 0 : i32
    return %c0_i32, %c0_i32_0 : i32, i32
  }
  func.func @transform_9(%arg0: i32, %arg1: i32) -> (i32, i32, i32) {
    %mul3A = arith.muli %arg1, %arg0 : i32
    %c0_i32 = arith.constant 0 : i32
    %c0_i32_0 = arith.constant 0 : i32
    %c0_i32_1 = arith.constant 0 : i32
    return %mul3A, %c0_i32, %c0_i32_0 : i32, i32, i32
  }
  func.func @transform_10(%arg0: i32, %arg1: i32) -> (i32, i32) {
    %c0_i32 = arith.constant 0 : i32
    %c0_i32_0 = arith.constant 0 : i32
    %c0_i32_1 = arith.constant 0 : i32
    return %c0_i32, %c0_i32_0 : i32, i32
  }
}

module attributes {stable_mosaic.version = 14 : i64} {
  func.func @_mlpnorm_body(%arg0: i32, %arg1: i32, %arg2: memref<2000x128xf32, #tpu.memory_space<vmem>>, %arg3: memref<2000x128xf32, #tpu.memory_space<vmem>>, %arg4: memref<2000x128xf32, #tpu.memory_space<vmem>>, %arg5: memref<128x128xf32, #tpu.memory_space<vmem>>, %arg6: memref<1x128xf32, #tpu.memory_space<vmem>>, %arg7: memref<128x128xf32, #tpu.memory_space<vmem>>, %arg8: memref<1x128xf32, #tpu.memory_space<vmem>>, %arg9: memref<1x128xf32, #tpu.memory_space<vmem>>, %arg10: memref<1x128xf32, #tpu.memory_space<vmem>>, %arg11: memref<2000x128xf32, #tpu.memory_space<vmem>>, %arg12: memref<10000x128xf32, #tpu.memory_space<vmem>>, %arg13: memref<1x128xf32, #tpu.memory_space<vmem>>, %arg14: memref<1x128xf32, #tpu.memory_space<vmem>>) attributes {dimension_semantics = [#tpu.dimension_semantics<arbitrary>, #tpu.dimension_semantics<arbitrary>], iteration_bounds = array<i64: 2, 5>, scalar_prefetch = 0 : i64, scratch_operands = 3 : i64, tpu.core_type = #tpu.core_type<tc>, window_params = [{transform_indices = @transform_0, window_bounds = array<i64: 2000, 128>}, {transform_indices = @transform_1, window_bounds = array<i64: 2000, 128>}, {transform_indices = @transform_2, window_bounds = array<i64: 2000, 128>}, {pipeline_mode = #tpu.pipeline_mode<synchronous>, transform_indices = @transform_3, window_bounds = array<i64: 128, 128>}, {pipeline_mode = #tpu.pipeline_mode<synchronous>, transform_indices = @transform_4, window_bounds = array<i64: 1, 128>}, {pipeline_mode = #tpu.pipeline_mode<synchronous>, transform_indices = @transform_5, window_bounds = array<i64: 128, 128>}, {pipeline_mode = #tpu.pipeline_mode<synchronous>, transform_indices = @transform_6, window_bounds = array<i64: 1, 128>}, {pipeline_mode = #tpu.pipeline_mode<synchronous>, transform_indices = @transform_7, window_bounds = array<i64: 1, 128>}, {pipeline_mode = #tpu.pipeline_mode<synchronous>, transform_indices = @transform_8, window_bounds = array<i64: 1, 128>}, {transform_indices = @transform_9, window_bounds = array<i64: 2000, 128>}]} {
    %eq3A = arith.constant 0 : i32
    %eq3A_0 = arith.cmpi eq, %arg0, %eq3A : i32
    %convert_element_type3A = arith.extui %eq3A_0 : i1 to i32
    %cond3A = arith.constant 0 : i32
    %cond3A_1 = arith.cmpi ne, %convert_element_type3A, %cond3A : i32
    scf.if %cond3A_1 {
      %get3A = arith.constant 0 : index
      %get3A_7 = arith.constant 0 : index
      %get3A_8 = vector.load %arg2[%get3A, %get3A_7] : memref<2000x128xf32, #tpu.memory_space<vmem>>, vector<2000x128xf32>
      %get3A_9 = arith.constant 0 : index
      %get3A_10 = arith.constant 0 : index
      %get3A_11 = vector.load %arg3[%get3A_9, %get3A_10] : memref<2000x128xf32, #tpu.memory_space<vmem>>, vector<2000x128xf32>
      %add3A = arith.addf %get3A_8, %get3A_11 : vector<2000x128xf32>
      %get3A_12 = arith.constant 0 : index
      %get3A_13 = arith.constant 0 : index
      %get3A_14 = vector.load %arg4[%get3A_12, %get3A_13] : memref<2000x128xf32, #tpu.memory_space<vmem>>, vector<2000x128xf32>
      %add3A_15 = arith.addf %add3A, %get3A_14 : vector<2000x128xf32>
      %get3A_16 = arith.constant 0 : index
      %get3A_17 = arith.constant 0 : index
      %get3A_18 = vector.load %arg5[%get3A_16, %get3A_17] : memref<128x128xf32, #tpu.memory_space<vmem>>, vector<128x128xf32>
      %dot_general3A = arith.constant dense<0.000000e+00> : vector<2000x128xf32>
      %dot_general3A_19 = tpu.matmul %add3A_15, %get3A_18, %dot_general3A {dimension_numbers = #tpu.dot_dimension_numbers<[1], [0], [0], [1], [0, 0, 1, 1], [], []>, transpose_lhs_hint = false} : vector<2000x128xf32>, vector<128x128xf32>, vector<2000x128xf32> -> vector<2000x128xf32>
      %get3A_20 = arith.constant 0 : index
      %get3A_21 = arith.constant 0 : index
      %get3A_22 = vector.load %arg6[%get3A_20, %get3A_21] : memref<1x128xf32, #tpu.memory_space<vmem>>, vector<1x128xf32>
      %add3A_23 = vector.broadcast %get3A_22 : vector<1x128xf32> to vector<2000x128xf32>
      %add3A_24 = arith.addf %dot_general3A_19, %add3A_23 : vector<2000x128xf32>
      %max3A = arith.constant 0.000000e+00 : f32
      %max3A_25 = vector.broadcast %max3A : f32 to vector<2000x128xf32>
      %max3A_26 = arith.maximumf %add3A_24, %max3A_25 : vector<2000x128xf32>
      %get3A_27 = arith.constant 0 : index
      %get3A_28 = arith.constant 0 : index
      %get3A_29 = vector.load %arg7[%get3A_27, %get3A_28] : memref<128x128xf32, #tpu.memory_space<vmem>>, vector<128x128xf32>
      %dot_general3A_30 = arith.constant dense<0.000000e+00> : vector<2000x128xf32>
      %dot_general3A_31 = tpu.matmul %max3A_26, %get3A_29, %dot_general3A_30 {dimension_numbers = #tpu.dot_dimension_numbers<[1], [0], [0], [1], [0, 0, 1, 1], [], []>, transpose_lhs_hint = false} : vector<2000x128xf32>, vector<128x128xf32>, vector<2000x128xf32> -> vector<2000x128xf32>
      %get3A_32 = arith.constant 0 : index
      %get3A_33 = arith.constant 0 : index
      %get3A_34 = vector.load %arg8[%get3A_32, %get3A_33] : memref<1x128xf32, #tpu.memory_space<vmem>>, vector<1x128xf32>
      %add3A_35 = vector.broadcast %get3A_34 : vector<1x128xf32> to vector<2000x128xf32>
      %add3A_36 = arith.addf %dot_general3A_31, %add3A_35 : vector<2000x128xf32>
      %max3A_37 = arith.constant 0.000000e+00 : f32
      %max3A_38 = vector.broadcast %max3A_37 : f32 to vector<2000x128xf32>
      %max3A_39 = arith.maximumf %add3A_36, %max3A_38 : vector<2000x128xf32>
      %mul3A = arith.constant 2000 : i32
      %mul3A_40 = arith.muli %arg1, %mul3A : i32
      %swap3A = arith.index_cast %mul3A_40 : i32 to index
      %swap3A_41 = arith.constant 0 : index
      %swap3A_42 = vector.load %arg12[%swap3A, %swap3A_41] : memref<10000x128xf32, #tpu.memory_space<vmem>>, vector<2000x128xf32>
      tpu.vector_store %arg12[%swap3A, %swap3A_41], %max3A_39 {strides = array<i32>} : memref<10000x128xf32, #tpu.memory_space<vmem>>, vector<2000x128xf32>,
      %reduce_sum3A = arith.constant dense<0.000000e+00> : vector<128xf32>
      %reduce_sum3A_43 = vector.multi_reduction <add>, %max3A_39, %reduce_sum3A [0] : vector<2000x128xf32> to vector<128xf32>
      %broadcast_in_dim3A = vector.shape_cast %reduce_sum3A_43 : vector<128xf32> to vector<1x128xf32>
      %mul3A_44 = arith.mulf %max3A_39, %max3A_39 : vector<2000x128xf32>
      %reduce_sum3A_45 = arith.constant dense<0.000000e+00> : vector<128xf32>
      %reduce_sum3A_46 = vector.multi_reduction <add>, %mul3A_44, %reduce_sum3A_45 [0] : vector<2000x128xf32> to vector<128xf32>
      %broadcast_in_dim3A_47 = vector.shape_cast %reduce_sum3A_46 : vector<128xf32> to vector<1x128xf32>
      %eq3A_48 = arith.constant 0 : i32
      %eq3A_49 = arith.cmpi eq, %arg1, %eq3A_48 : i32
      %convert_element_type3A_50 = arith.extui %eq3A_49 : i1 to i32
      %cond3A_51 = arith.constant 0 : i32
      %cond3A_52 = arith.cmpi ne, %convert_element_type3A_50, %cond3A_51 : i32
      scf.if %cond3A_52 {
        %swap3A_57 = arith.constant 0 : index
        %swap3A_58 = arith.constant 0 : index
        %swap3A_59 = vector.load %arg13[%swap3A_57, %swap3A_58] : memref<1x128xf32, #tpu.memory_space<vmem>>, vector<1x128xf32>
        tpu.vector_store %arg13[%swap3A_57, %swap3A_58], %broadcast_in_dim3A {strides = array<i32>} : memref<1x128xf32, #tpu.memory_space<vmem>>, vector<1x128xf32>,
        %swap3A_60 = arith.constant 0 : index
        %swap3A_61 = arith.constant 0 : index
        %swap3A_62 = vector.load %arg14[%swap3A_60, %swap3A_61] : memref<1x128xf32, #tpu.memory_space<vmem>>, vector<1x128xf32>
        tpu.vector_store %arg14[%swap3A_60, %swap3A_61], %broadcast_in_dim3A_47 {strides = array<i32>} : memref<1x128xf32, #tpu.memory_space<vmem>>, vector<1x128xf32>,
      } else {
      }
      %ne3A = arith.constant 0 : i32
      %ne3A_53 = arith.cmpi ne, %arg1, %ne3A : i32
      %convert_element_type3A_54 = arith.extui %ne3A_53 : i1 to i32
      %cond3A_55 = arith.constant 0 : i32
      %cond3A_56 = arith.cmpi ne, %convert_element_type3A_54, %cond3A_55 : i32
      scf.if %cond3A_56 {
        %get3A_57 = arith.constant 0 : index
        %get3A_58 = arith.constant 0 : index
        %get3A_59 = vector.load %arg13[%get3A_57, %get3A_58] : memref<1x128xf32, #tpu.memory_space<vmem>>, vector<1x128xf32>
        %add3A_60 = arith.addf %get3A_59, %broadcast_in_dim3A : vector<1x128xf32>
        %swap3A_61 = arith.constant 0 : index
        %swap3A_62 = arith.constant 0 : index
        %swap3A_63 = vector.load %arg13[%swap3A_61, %swap3A_62] : memref<1x128xf32, #tpu.memory_space<vmem>>, vector<1x128xf32>
        tpu.vector_store %arg13[%swap3A_61, %swap3A_62], %add3A_60 {strides = array<i32>} : memref<1x128xf32, #tpu.memory_space<vmem>>, vector<1x128xf32>,
        %get3A_64 = arith.constant 0 : index
        %get3A_65 = arith.constant 0 : index
        %get3A_66 = vector.load %arg14[%get3A_64, %get3A_65] : memref<1x128xf32, #tpu.memory_space<vmem>>, vector<1x128xf32>
        %add3A_67 = arith.addf %get3A_66, %broadcast_in_dim3A_47 : vector<1x128xf32>
        %swap3A_68 = arith.constant 0 : index
        %swap3A_69 = arith.constant 0 : index
        %swap3A_70 = vector.load %arg14[%swap3A_68, %swap3A_69] : memref<1x128xf32, #tpu.memory_space<vmem>>, vector<1x128xf32>
        tpu.vector_store %arg14[%swap3A_68, %swap3A_69], %add3A_67 {strides = array<i32>} : memref<1x128xf32, #tpu.memory_space<vmem>>, vector<1x128xf32>,
      } else {
      }
    } else {
    }
    %eq3A_2 = arith.constant 1 : i32
    %eq3A_3 = arith.cmpi eq, %arg0, %eq3A_2 : i32
    %convert_element_type3A_4 = arith.extui %eq3A_3 : i1 to i32
    %cond3A_5 = arith.constant 0 : i32
    %cond3A_6 = arith.cmpi ne, %convert_element_type3A_4, %cond3A_5 : i32
    scf.if %cond3A_6 {
      %get3A = arith.constant 0 : index
      %get3A_7 = arith.constant 0 : index
      %get3A_8 = vector.load %arg13[%get3A, %get3A_7] : memref<1x128xf32, #tpu.memory_space<vmem>>, vector<1x128xf32>
      %mul3A = arith.constant 9.99999974E-5 : f32
      %mul3A_9 = vector.broadcast %mul3A : f32 to vector<1x128xf32>
      %mul3A_10 = arith.mulf %get3A_8, %mul3A_9 : vector<1x128xf32>
      %get3A_11 = arith.constant 0 : index
      %get3A_12 = arith.constant 0 : index
      %get3A_13 = vector.load %arg14[%get3A_11, %get3A_12] : memref<1x128xf32, #tpu.memory_space<vmem>>, vector<1x128xf32>
      %mul3A_14 = arith.constant 9.99999974E-5 : f32
      %mul3A_15 = vector.broadcast %mul3A_14 : f32 to vector<1x128xf32>
      %mul3A_16 = arith.mulf %get3A_13, %mul3A_15 : vector<1x128xf32>
      %mul3A_17 = arith.mulf %mul3A_10, %mul3A_10 : vector<1x128xf32>
      %sub3A = arith.subf %mul3A_16, %mul3A_17 : vector<1x128xf32>
      %add3A = arith.constant 9.99999974E-6 : f32
      %add3A_18 = vector.broadcast %add3A : f32 to vector<1x128xf32>
      %add3A_19 = arith.addf %sub3A, %add3A_18 : vector<1x128xf32>
      %rsqrt3A = math.rsqrt %add3A_19 : vector<1x128xf32>
      %get3A_20 = arith.constant 0 : index
      %get3A_21 = arith.constant 0 : index
      %get3A_22 = vector.load %arg9[%get3A_20, %get3A_21] : memref<1x128xf32, #tpu.memory_space<vmem>>, vector<1x128xf32>
      %mul3A_23 = arith.mulf %rsqrt3A, %get3A_22 : vector<1x128xf32>
      %mul3A_24 = arith.constant 2000 : i32
      %mul3A_25 = arith.muli %arg1, %mul3A_24 : i32
      %get3A_26 = arith.index_cast %mul3A_25 : i32 to index
      %get3A_27 = arith.constant 0 : index
      %get3A_28 = vector.load %arg12[%get3A_26, %get3A_27] : memref<10000x128xf32, #tpu.memory_space<vmem>>, vector<2000x128xf32>
      %sub3A_29 = vector.broadcast %mul3A_10 : vector<1x128xf32> to vector<2000x128xf32>
      %sub3A_30 = arith.subf %get3A_28, %sub3A_29 : vector<2000x128xf32>
      %mul3A_31 = vector.broadcast %mul3A_23 : vector<1x128xf32> to vector<2000x128xf32>
      %mul3A_32 = arith.mulf %sub3A_30, %mul3A_31 : vector<2000x128xf32>
      %get3A_33 = arith.constant 0 : index
      %get3A_34 = arith.constant 0 : index
      %get3A_35 = vector.load %arg10[%get3A_33, %get3A_34] : memref<1x128xf32, #tpu.memory_space<vmem>>, vector<1x128xf32>
      %add3A_36 = vector.broadcast %get3A_35 : vector<1x128xf32> to vector<2000x128xf32>
      %add3A_37 = arith.addf %mul3A_32, %add3A_36 : vector<2000x128xf32>
      %swap3A = arith.constant 0 : index
      %swap3A_38 = arith.constant 0 : index
      %swap3A_39 = vector.load %arg11[%swap3A, %swap3A_38] : memref<2000x128xf32, #tpu.memory_space<vmem>>, vector<2000x128xf32>
      tpu.vector_store %arg11[%swap3A, %swap3A_38], %add3A_37 {strides = array<i32>} : memref<2000x128xf32, #tpu.memory_space<vmem>>, vector<2000x128xf32>,
    } else {
    }
    return
  }
  func.func @transform_0(%arg0: i32, %arg1: i32) -> (i32, i32) {
    %sub3A = arith.constant 1 : i32
    %sub3A_0 = arith.subi %sub3A, %arg0 : i32
    %mul3A = arith.muli %arg1, %sub3A_0 : i32
    %mul3A_1 = arith.constant 4 : i32
    %mul3A_2 = arith.muli %mul3A_1, %arg0 : i32
    %add3A = arith.addi %mul3A, %mul3A_2 : i32
    %c0_i32 = arith.constant 0 : i32
    %c0_i32_3 = arith.constant 0 : i32
    return %add3A, %c0_i32 : i32, i32
  }
  func.func @transform_1(%arg0: i32, %arg1: i32) -> (i32, i32) {
    %sub3A = arith.constant 1 : i32
    %sub3A_0 = arith.subi %sub3A, %arg0 : i32
    %mul3A = arith.muli %arg1, %sub3A_0 : i32
    %mul3A_1 = arith.constant 4 : i32
    %mul3A_2 = arith.muli %mul3A_1, %arg0 : i32
    %add3A = arith.addi %mul3A, %mul3A_2 : i32
    %c0_i32 = arith.constant 0 : i32
    %c0_i32_3 = arith.constant 0 : i32
    return %add3A, %c0_i32 : i32, i32
  }
  func.func @transform_2(%arg0: i32, %arg1: i32) -> (i32, i32) {
    %sub3A = arith.constant 1 : i32
    %sub3A_0 = arith.subi %sub3A, %arg0 : i32
    %mul3A = arith.muli %arg1, %sub3A_0 : i32
    %mul3A_1 = arith.constant 4 : i32
    %mul3A_2 = arith.muli %mul3A_1, %arg0 : i32
    %add3A = arith.addi %mul3A, %mul3A_2 : i32
    %c0_i32 = arith.constant 0 : i32
    %c0_i32_3 = arith.constant 0 : i32
    return %add3A, %c0_i32 : i32, i32
  }
  func.func @transform_3(%arg0: i32, %arg1: i32) -> (i32, i32) {
    %c0_i32 = arith.constant 0 : i32
    %c0_i32_0 = arith.constant 0 : i32
    %c0_i32_1 = arith.constant 0 : i32
    return %c0_i32, %c0_i32_0 : i32, i32
  }
  func.func @transform_4(%arg0: i32, %arg1: i32) -> (i32, i32) {
    %c0_i32 = arith.constant 0 : i32
    %c0_i32_0 = arith.constant 0 : i32
    %c0_i32_1 = arith.constant 0 : i32
    return %c0_i32, %c0_i32_0 : i32, i32
  }
  func.func @transform_5(%arg0: i32, %arg1: i32) -> (i32, i32) {
    %c0_i32 = arith.constant 0 : i32
    %c0_i32_0 = arith.constant 0 : i32
    %c0_i32_1 = arith.constant 0 : i32
    return %c0_i32, %c0_i32_0 : i32, i32
  }
  func.func @transform_6(%arg0: i32, %arg1: i32) -> (i32, i32) {
    %c0_i32 = arith.constant 0 : i32
    %c0_i32_0 = arith.constant 0 : i32
    %c0_i32_1 = arith.constant 0 : i32
    return %c0_i32, %c0_i32_0 : i32, i32
  }
  func.func @transform_7(%arg0: i32, %arg1: i32) -> (i32, i32) {
    %c0_i32 = arith.constant 0 : i32
    %c0_i32_0 = arith.constant 0 : i32
    %c0_i32_1 = arith.constant 0 : i32
    return %c0_i32, %c0_i32_0 : i32, i32
  }
  func.func @transform_8(%arg0: i32, %arg1: i32) -> (i32, i32) {
    %c0_i32 = arith.constant 0 : i32
    %c0_i32_0 = arith.constant 0 : i32
    %c0_i32_1 = arith.constant 0 : i32
    return %c0_i32, %c0_i32_0 : i32, i32
  }
  func.func @transform_9(%arg0: i32, %arg1: i32) -> (i32, i32) {
    %mul3A = arith.muli %arg1, %arg0 : i32
    %c0_i32 = arith.constant 0 : i32
    %c0_i32_0 = arith.constant 0 : i32
    return %mul3A, %c0_i32 : i32, i32
  }
}

</mosaic_0001>

<sc_bundles>
// kernel: kernel.11.cloned.1.call-start
scs
__scs_entry_jumppad:
0x0: {  	(pc) =	sbr.rel $0x88, $3  }
0x1: {  	(tag) =	ssettag $0x0;
	lr =	simm.s32 $0x1  }
0x2: {  	[smem:$0x3F8C] =	sst lr;
	_ =	strace $0xD0000000  }
0x3: {  	_ = 	snop  }
0x4: {  	_ = 	snop  }
0x5: {  	_ = 	snop  }
0x6: {  	_ = 	snop  }
0x7: {  	_ = 	snop  }
__scs_overlays_trampoline_lowered:
0x8: {  	[smem:$0x3F9B] =	sst s0  }
0x9: {  	[smem:$0x3F9C] =	sst s1  }
0xa: {  	[smem:$0x3F9D] =	sst s2  }
0xb: {  	[smem:$0x3F9E] =	sst s3  }
0xc: {  	[smem:$0x3F9F] =	sst s4  }
0xd: {  	[smem:$0x3FA0] =	sst s5  }
0xe: {  	[smem:$0x3FA1] =	sst s6  }
0xf: {  	[smem:$0x3FA2] =	sst s7  }
0x10: {  	[smem:$0x3FA3] =	sst s8  }
0x11: {  	[smem:$0x3FA4] =	sst s9;
	s0 =	simm.s32 @!p0 $0x0  }
0x12: {  	s1 =	sld [smem:$0x3F8A];
	s0 =	simm.s32 @p0 $0x1  }
0x13: {  	[smem:$0x3FA5] =	sst s0;
	s0 =	simm.s32 @!p1 $0x0  }
0x14: {  	s2 =	sld [smem:$0x3F89];
	s0 =	simm.s32 @p1 $0x1  }
0x15: {  	[smem:$0x3FA6] =	sst s0;
	s0 =	simm.s32 @!p2 $0x0  }
0x16: {  	s3 =	sld [smem:$0x3FDB];
	s0 =	simm.s32 @p2 $0x1  }
0x17: {  	s4 =	simm.s32 $0x1BF5;
	[smem:$0x3FA8] =	sst s0  }
0x18: {  	s0 =	sld [smem:$0x3F8B];
	_ =	swait.ge [sflag:s4], $0x0  }
0x19: {  	s7 =	sld [smem:$0x3F8C]  }
0x1a: {  	s8 =	sadd.s32 $0xFFFFE003, lr  }
0x1b: {  	s9 =	sadd.s32 $0xFFFFFEF7, lr;
	s5 =	simm.s32 $0xFFFFFFFF;
	p2 =	slt.u32 s8, $0xFFFFF086  }
0x1c: {  	p1 =	slt.u32 s9, $0xF7A;
	s5 =	simm.s32 @!p2 $0x0  }
0x1d: {  	s5 =	simm.s32 @p1 $0x1;
	p0 =	seq.s32 s7, s2  }
0x1e: {  	s7 =	smul.u32 @!p0 $0xF7A, s2;
	p2 =	seq.s32 @!p0 s5, $0x0  }
0x1f: {  	s9 =	smul.u32 $0xF7A, s1;
	s8 =	simm.s32 @!p0 $0x1BF5;
	p2 =	por !p2, p0  }
0x20: {  	[sflag:s8] =	ssyncset.s32 @!p0 $0xFFFFF086;
	s6 =	sadd.s32 @!p0 s3, s7;
	s7 =	simm.s32 @!p0 $0x108  }
0x21: {  	s3 =	sadd.s32 s3, s9;
	s6 =	sadd.s32 @!p0 $0x88, s6;
	s7 =	simm.s32 @p2 $0x1082  }
0x22: {  	[simem:s7], [sflag:s8] =	dma.local @!p0 [hbm:s6], $0xF7A  }
0x23: {  	s9 =	sor.u32 $0xD0000000, s2;
	s6 =	simm.s32 $0x108;
	_ =	swait.ge @!p0 [sflag:s8], $0x0  }
0x24: {  	s3 =	sadd.s32 $0x88, s3;
	s6 =	simm.s32 @!p1 $0x1082;
	[sflag:s4] =	ssyncset.s32 $0xFFFFF086  }
0x25: {  	[simem:s6], [sflag:s4] =	dma.local [hbm:s3], $0xF7A  }
0x26: {  	[smem:$0x3F8C] =	sst s1;
	(tag) =	ssettag s2;
	_ =	strace s9  }
0x27: {  	s1 =	sld [smem:$0x3F9C]  }
0x28: {  	s2 =	sld [smem:$0x3F9D]  }
0x29: {  	s4 =	sld [smem:$0x3F9F]  }
0x2a: {  	p0 =	seq.s32 s5, $0x0;
	s5 =	sld [smem:$0x3FA0]  }
0x2b: {  	s6 =	sld [smem:$0x3FA1]  }
0x2c: {  	s7 =	sld [smem:$0x3FA2]  }
0x2d: {  	s3 =	simm.s32 $0x108;
	s8 =	sld [smem:$0x3FA3]  }
0x2e: {  	s3 =	simm.s32 @!p0 $0x1082;
	s9 =	sld [smem:$0x3FA4]  }
0x2f: {  	lr =	sadd.s32 s0, s3;
	s0 =	sld [smem:$0x3F9B]  }
0x30: {  	s3 =	sld [smem:$0x3F9E]  }
0x31: {  	[smem:$0x3FA7] =	sst s10  }
0x32: {  	s10 =	sld [smem:$0x3FA5];
	_ =	sdelay $0x3  }
0x33: {  	p0 =	seq.s32 s10, $0x1;
	s10 =	sld [smem:$0x3FA7];
	_ =	sdelay $0x3  }
0x34: {  	[smem:$0x3FA7] =	sst s10  }
0x35: {  	s10 =	sld [smem:$0x3FA6];
	_ =	sdelay $0x3  }
0x36: {  	p1 =	seq.s32 s10, $0x1;
	s10 =	sld [smem:$0x3FA7];
	_ =	sdelay $0x3  }
0x37: {  	[smem:$0x3FA7] =	sst s10  }
0x38: {  	s10 =	sld [smem:$0x3FA8]  }
0x39: {  	_ = 	snop;
	(pc) =	sbr.ind lr, $3  }
0x3a: {  	_ = 	snop  }
0x3b: {  	_ = 	snop  }
0x3c: {  	p2 =	seq.s32 s10, $0x1;
	s10 =	sld [smem:$0x3FA7]  }
0x3d: {  	_ =	shalt  }
0x3e: {  	_ =	shalt  }
0x3f: {  	_ =	shalt  }
0x40: {  	_ =	shalt  }
0x41: {  	_ =	shalt  }
0x42: {  	_ =	shalt  }
0x43: {  	_ =	shalt  }
0x44: {  	_ =	shalt  }
0x45: {  	_ =	shalt  }
0x46: {  	_ =	shalt  }
0x47: {  	_ =	shalt  }
0x48: {  	_ =	shalt  }
0x49: {  	_ =	shalt  }
0x4a: {  	_ =	shalt  }
0x4b: {  	_ =	shalt  }
0x4c: {  	_ =	shalt  }
0x4d: {  	_ =	shalt  }
0x4e: {  	_ =	shalt  }
0x4f: {  	_ =	shalt  }
0x50: {  	_ =	shalt  }
0x51: {  	_ =	shalt  }
0x52: {  	_ =	shalt  }
0x53: {  	_ =	shalt  }
0x54: {  	_ =	shalt  }
0x55: {  	_ =	shalt  }
0x56: {  	_ =	shalt  }
0x57: {  	_ =	shalt  }
0x58: {  	_ =	shalt  }
0x59: {  	_ =	shalt  }
0x5a: {  	_ =	shalt  }
0x5b: {  	_ =	shalt  }
0x5c: {  	_ =	shalt  }
0x5d: {  	_ =	shalt  }
0x5e: {  	_ =	shalt  }
0x5f: {  	_ =	shalt  }
0x60: {  	_ =	shalt  }
0x61: {  	_ =	shalt  }
0x62: {  	_ =	shalt  }
0x63: {  	_ =	shalt  }
0x64: {  	_ =	shalt  }
0x65: {  	_ =	shalt  }
0x66: {  	_ =	shalt  }
0x67: {  	_ =	shalt  }
0x68: {  	_ =	shalt  }
0x69: {  	_ =	shalt  }
0x6a: {  	_ =	shalt  }
0x6b: {  	_ =	shalt  }
0x6c: {  	_ =	shalt  }
0x6d: {  	_ =	shalt  }
0x6e: {  	_ =	shalt  }
0x6f: {  	_ =	shalt  }
0x70: {  	_ =	shalt  }
0x71: {  	_ =	shalt  }
0x72: {  	_ =	shalt  }
0x73: {  	_ =	shalt  }
0x74: {  	_ =	shalt  }
0x75: {  	_ =	shalt  }
0x76: {  	_ =	shalt  }
0x77: {  	_ =	shalt  }
0x78: {  	_ =	shalt  }
0x79: {  	_ =	shalt  }
0x7a: {  	_ =	shalt  }
0x7b: {  	_ =	shalt  }
0x7c: {  	_ =	shalt  }
0x7d: {  	_ =	shalt  }
0x7e: {  	_ =	shalt  }
0x7f: {  	_ =	shalt  }
0x80: {  	_ =	shalt  }
0x81: {  	_ =	shalt  }
0x82: {  	_ =	shalt  }
0x83: {  	_ =	shalt  }
0x84: {  	_ =	shalt  }
0x85: {  	_ =	shalt  }
0x86: {  	_ =	shalt  }
0x87: {  	_ =	shalt  }
.Lfunc_end0:
.L_simem_size_0:
called_computation.1_lowered:
.L_overlay_start_0:
0x88: {  	s2 =	sld [smem:$0x3FD9]  }
0x89: {  	s3 =	sld [smem:$0x3FFE];
	_ =	sdelay $0x1  }
0x8a: {  	s1 =	srdreg.scid  }
0x8b: {  	s0 =	sand.u32 $0x1, s1  }
0x8c: {  	s16 =	sshll.u32 s0, $0xA;
	s2 =	sadd.s32 s3, s2  }
0x8d: {  	s2 =	sadd.s32 s2, s16  }
0x8e: {  	[smem:$0x3FB3] =	sst s2  }
0x8f: {  	_ = 	snop  }
0x90: {  	(tm) =	ssettm $0x1  }
0x91: {  	s17 =	sld [smem:$0x3FFB];
	_ =	sdelay $0x3  }
0x92: {  	_ =	strace s17  }
0x93: {  	s2 =	sld [smem:$0x3FFC];
	_ =	sdelay $0x3  }
0x94: {  	_ =	strace s2  }
0x95: {  	s2 =	sld [smem:$0x3FFD];
	_ =	sdelay $0x3  }
0x96: {  	_ =	strace s2  }
0x97: {  	_ =	strace $0x8FFFFFFF  }
0x98: {  	s18 =	sld [smem:$0x3FDB];
	_ =	sdelay $0x1  }
0x99: {  	s19 =	simm.s32 $_scs_section_size  }
0x9a: {  	s4 =	simm.s32 $_size__tile_overlayer_lowered;
	s5 =	simm.s32 $_tile_overlayer_lowered  }
0x9b: {  	s22 =	simm.s32 $0x1BFF;
	s21 =	sshll.u32 s5, $0x1;
	s2 =	sadd.s32 s19, s18  }
0x9c: {  	s6 =	simm.s32 $0x0;
	s20 =	sshll.u32 s4, $0x1;
	s4 =	sadd.s32 s21, s2  }
0x9d: {  	[timem:s6], [sflag:s22] =	dma.local [hbm:s4], s20  }
0x9e: {  	_ =	swait.ge [sflag:s22], s20  }
0x9f: {  	s3 =	ssub.s32 $0x0, s20;
	[sflag:s22] =	ssyncset.done $0x0  }
0xa0: {  	[sflag:s22] =	ssyncadd.s32 s3;
	_ =	sdelay $0x1  }
0xa1: {  	s23 =	simm.s32 $0x1B8B  }
0xa2: {  	_ =	swait.ge [sflag:s23], $0x1  }
0xa3: {  	[sflag:s23] =	ssyncset.done $0x0  }
0xa4: {  	s25 =	simm.s32 $0x1B8E;
	s24 =	sld [smem:$0x3FFE];
	[sflag:s23] =	ssyncadd.s32 $0xFFFFFFFF  }
0xa5: {  	s26 =	simm.s32 $execute0_lowered;
	[smem:$0x3FD2] =	sst s25  }
0xa6: {  	s4 =	sshll.u32 s26, $0x1;
	_ =	strace $0x80000049;
	[dreg:$0x1] =	wrdreg $0xFFFFFFFF  }
0xa7: {  	s28 =	simm.s32 $_size_execute0_lowered;
	s2 =	sadd.s32 s2, s4;
	[dreg:$0x0] =	wrdreg $0x0  }
0xa8: {  	s4 =	sshll.u32 s28, $0x1;
	[dreg:$0x2] =	wrdreg s2  }
0xa9: {  	[dreg:$0x3] =	wrdreg s4  }
0xaa: {  	[dreg:$0x4] =	wrdreg $0xC0  }
0xab: {  	_ =	task [dreg:s6], $0x5FFFF  }
0xac: {  	[dreg:$0x1] =	wrdreg $0xFFFFFFFF  }
0xad: {  	[dreg:$0x0] =	wrdreg $0x60  }
0xae: {  	[dreg:$0x2] =	wrdreg s24  }
0xaf: {  	[dreg:$0x3] =	wrdreg $0xA9000  }
0xb0: {  	[dreg:$0x4] =	wrdreg $0x9  }
0xb1: {  	_ =	task.clear_ibuf [dreg:s6], $0x5FFFF;
	_ =	strace $0x90000049  }
0xb2: {  	s29 =	simm.s32 $0x9;
	_ =	strace $0x8000004B  }
0xb3: {  	_ =	swait.ge [sflag:s29], $0x1  }
0xb4: {  	[sflag:s29] =	ssyncadd.s32 $0xFFFFFFFF  }
0xb5: {  	_ =	strace $0x9000004B  }
0xb6: {  	_ =	sfence  }
0xb7: {  	s30 =	sld [smem:$0x0];
	_ =	sdelay $0x2  }
0xb8: {  	s31 =	sshll.u32 s1, $0xD;
	s1 =	sshrl.u32 s1, $0x2  }
0xb9: {  	s3 =	sand.u32 $0x4000, s31;
	s1 =	sadd.s32 s1, s30  }
0xba: {  	s0 =	sor.u32 s3, s0;
	s1 =	sshll.u32 s1, $0x11  }
0xbb: {  	s0 =	sor.u32 s1, s0  }
0xbc: {  	s0 =	sadd.s32 $0x8F2B, s0  }
0xbd: {  	[sflag:s0] =	ssyncadd.remote.s32 $0x1  }
0xbe: {  	_ =	sfence.sel $0xFFFF  }
0xbf: {  	[dreg:$0x0] =	wrdreg $0xFFFFFFFF;
	(pc) =	sbr.abs _section_cstart, $3  }
0xc0: {  	[dreg:$0x1] =	wrdreg $0xFFFFFFFF  }
0xc1: {  	_ =	task.clear_ibuf [dreg:s6], $0x2FFFF;
	_ =	strace $0x9FFFFFFF  }
0xc2: {  	(tm) =	ssettm $0x7FFFFFFF  }
0xc3: {  	_ =	shalt  }
tec
execute0_lowered:
.L_overlay_start_1:
0x0: {  	(tag) =	ssettag $0x1  }
0x1: {  	s0 =	rddreg [dreg:$0x0];
	s1 =	srdreg.scid  }
0x2: {  	s12 =	stileid.u32;
	s2 =	rddreg [dreg:$0x1]  }
0x3: {  	s5 =	simm.s32 $0x0;
	s28 =	simm.s32 $0x6900;
	s29 =	simm.s32 $0x6  }
0x4: {  	s30 =	simm.s32 $0x2;
	s31 =	simm.s32 $0x4;
	s1 =	sand.u32 $0x1, s1  }
0x5: {  	s3 =	sshll.u32 s12, $0x1;
	[smem:$0x7FF] =	sst s5;
	s8 =	smul.u32 $0x50000, s12  }
0x6: {  	s10 =	sadd.s32 $0x5200, s0;
	p0 =	seq.s32 s12, $0x0;
	s23 =	smul.u32 $0x4E00, s12  }
0x7: {  	s5 =	simm.s32 $0x50;
	s26 =	smul.u32 $0x2800, s12;
	s3 =	sor.u32 s1, s3  }
0x8: {  	_ =	strace $0x8000004A;
	s6 =	ssub.s32 $0x2, s1;
	s5 =	simm.s32 @!p0 $0x4E  }
0x9: {  	s25 =	smul.u32 $0x2700, s1;
	s11 =	sshrl.u32 s6, $0x1;
	s8 =	sshrl.u32 s8, $0x2  }
0xa: {  	p0 =	seq.s32 s1, $0x1;
	s11 =	ssub.s32 s6, s11;
	s6 =	sadd.s32 s8, s2  }
0xb: {  	s4 =	smin.u32 s3, $0x2;
	s3 =	smul.u32 $0x2700, s3;
	s20 =	sadd.s32 $0x4000, s6  }
0xc: {  	s15 =	sshll.u32 s5, $0x4;
	s21 =	sadd.s32 $0x8000, s6;
	[dreg:$0x7] =	wrdreg s20  }
0xd: {  	s7 =	sshll.u32 s4, $0x8;
	s22 =	sadd.s32 $0xC000, s6;
	[dreg:$0x8] =	wrdreg s21  }
0xe: {  	s3 =	sadd.s32 s3, s7;
	s24 =	sadd.s32 $0x10000, s6;
	[dreg:$0x9] =	wrdreg s22  }
0xf: {  	s11 =	smax.u32 s11, $0x1;
	s3 =	sshrl.u32 s3, $0x3;
	[dreg:$0xa] =	wrdreg s24  }
0x10: {  	s4 =	sadd.s32 $0x18E00, s0;
	[dreg:$0xb] =	wrdreg s11;
	s9 =	sadd.s32 s3, s0  }
0x11: {  	s13 =	sadd.s32 s10, s3;
	s3 =	sadd.s32 s25, s23;
	s18 =	sadd.s32 $0xF000, s9  }
0x12: {  	s19 =	sadd.s32 $0xF4E0, s9;
	s14 =	sadd.s32 $0x10, s13;
	[dreg:$0x5] =	wrdreg s18  }
0x13: {  	s9 =	simm.s32 $0x68000;
	s16 =	sadd.s32 $0x20, s13;
	[dreg:$0x6] =	wrdreg s19  }
0x14: {  	s3 =	sadd.s32 s7, s3;
	s7 =	simm.s32 $0x0;
	[dreg:$0xc] =	wrdreg s14  }
0x15: {  	s9 =	simm.s32 @!p0 $0x40000;
	s18 =	sadd.s32 $0x300, s3;
	s19 =	sadd.s32 $0xFFFFFFC0, s15  }
0x16: {  	s22 =	sadd.s32 $0x280, s3;
	s24 =	sadd.s32 $0x180, s3;
	s3 =	sadd.s32 $0x200, s3  }
0x17: {  	p0 =	sne.s32 s12, $0x0;
	s0 =	sadd.s32 s9, s0;
	s20 =	sshrl.u32 s18, $0x3  }
0x18: {  	[dreg:$0x3] =	wrdreg s19;
	s23 =	sshrl.u32 s22, $0x3;
	s1 =	sshrl.u32 s24, $0x3  }
0x19: {  	s22 =	simm.s32 $0x2900;
	s24 =	simm.s32 $0x2800;
	s17 =	sadd.s32 s0, s26  }
0x1a: {  	s21 =	sadd.s32 s20, s10;
	s0 =	sadd.s32 s23, s10;
	s25 =	sadd.s32 s1, s10  }
0x1b: {  	s26 =	sshrl.u32 s3, $0x3;
	s23 =	simm.s32 $0x8;
	s3 =	simm.s32 $0x3  }
0x1c: {  	s1 =	simm.s32 $0x5;
	s18 =	sadd.s32 $0xFFFFFFE0, s21;
	s19 =	sadd.s32 $0xFFFFFFE0, s0  }
0x1d: {  	[dreg:$0x4] =	wrdreg s25;
	s20 =	sadd.s32 s26, s10;
	s21 =	simm.s32 $0x1  }
0x1e: {  	v0 =	vimm.f32 $0.0e+00;
	s25 =	simm.s32 $0x80;
	s26 =	simm.s32 $0x2880;
	s0 =	simm.s32 $0x7  }
.LBB2_1:
0x1f: {  	s8 =	simm.s32 $0x0;
	s9 =	rddreg [dreg:$0x5]  }
0x20: {  	[tilespmem:s8], [sflag:$0x1] =	stream.linear.gather [hbm4b:s9+s8], $0x2700, $0x38;
	[tilespmem:$0x1E900] =	vst v63  }
0x21: {  	_ =	swait.ge [sflag:s21], $0x2700  }
0x22: {  	s8 =	simm.s32 @!p0 $0x0;
	[sflag:s21] =	ssyncset.done $0x0  }
0x23: {  	s9 =	simm.s32 @!p0 $0x2700;
	s10 =	rddreg [dreg:$0x6];
	[sflag:s21] =	ssyncadd.s32 $0xFFFFD900  }
0x24: {  	[tilespmem:s9], [sflag:$0x1] =	stream.linear.gather @!p0 [hbm4b:s10+s8], $0x100, $0x38;
	[tilespmem:$0x1E900] =	vst v63  }
0x25: {  	s8 =	simm.s32 @!p0 $0x1  }
0x26: {  	_ =	swait.ge @!p0 [sflag:s8], $0x100  }
0x27: {  	[sflag:s8] =	ssyncset.done @!p0 $0x0  }
0x28: {  	s9 =	simm.s32 $0x200;
	[sflag:s8] =	ssyncadd.s32 @!p0 $0xFFFFFF00;
	s8 =	simm.s32 $0x0  }
.LBB2_2:
0x29: {  	p1 =	sne.s32 s9, $0xFE00;
	[tilespmem:s8+$0x2970] =	vst v0  }
0x2a: {  	[tilespmem:s8+$0x2900] =	vst v0  }
0x2b: {  	[tilespmem:s8+$0x2910] =	vst v0  }
.Ltmp0:
0x2c: {  	[tilespmem:s8+$0x2920] =	vst v0;
	(pc) =	sbr.rel @p1 .LBB2_2-.Ltmp0, $4  }
0x2d: {  	[tilespmem:s8+$0x2930] =	vst v0  }
0x2e: {  	[tilespmem:s8+$0x2940] =	vst v0  }
0x2f: {  	[tilespmem:s8+$0x2950] =	vst v0  }
0x30: {  	[tilespmem:s8+$0x2960] =	vst v0;
	s8 =	sshra.s32 s9, $0x2;
	s9 =	sadd.s32 $0x200, s9  }
0x31: {  	[tilespmem:s8+$0x2970] =	vst v0  }
0x32: {  	[tilespmem:s8+$0x2900] =	vst v0  }
0x33: {  	[tilespmem:s8+$0x2910] =	vst v0  }
0x34: {  	[tilespmem:s8+$0x2920] =	vst v0  }
0x35: {  	[tilespmem:s8+$0x2930] =	vst v0  }
0x36: {  	[tilespmem:s8+$0x2940] =	vst v0  }
0x37: {  	[tilespmem:s8+$0x2950] =	vst v0  }
0x38: {  	[tilespmem:s8+$0x2960] =	vst v0  }
0x39: {  	[spmem:s6] =	stream.linear.scatter [tilespmem:s22], [sflag:$0x8], $0x4000, $0x38;
	[tilespmem:$0x1E900] =	vst v63  }
0x3a: {  	_ =	swait.ge [sflag:s23], $0x4000  }
0x3b: {  	[sflag:s23] =	ssyncset.done $0x0  }
0x3c: {  	s11 =	rddreg [dreg:$0x7];
	[sflag:s23] =	ssyncadd.s32 $0xFFFFC000  }
0x3d: {  	[spmem:s11] =	stream.linear.scatter [tilespmem:s22], [sflag:$0x8], $0x4000, $0x38;
	[tilespmem:$0x1E900] =	vst v63  }
0x3e: {  	_ =	swait.ge [sflag:s23], $0x4000  }
0x3f: {  	[sflag:s23] =	ssyncset.done $0x0  }
0x40: {  	s12 =	rddreg [dreg:$0x8];
	[sflag:s23] =	ssyncadd.s32 $0xFFFFC000  }
0x41: {  	[spmem:s12] =	stream.linear.scatter [tilespmem:s22], [sflag:$0x8], $0x4000, $0x38;
	[tilespmem:$0x1E900] =	vst v63  }
0x42: {  	_ =	swait.ge [sflag:s23], $0x4000  }
0x43: {  	[sflag:s23] =	ssyncset.done $0x0  }
0x44: {  	s14 =	rddreg [dreg:$0x9];
	[sflag:s23] =	ssyncadd.s32 $0xFFFFC000  }
0x45: {  	[spmem:s14] =	stream.linear.scatter [tilespmem:s22], [sflag:$0x8], $0x4000, $0x38;
	[tilespmem:$0x1E900] =	vst v63  }
0x46: {  	_ =	swait.ge [sflag:s23], $0x4000  }
0x47: {  	[sflag:s23] =	ssyncset.done $0x0  }
0x48: {  	s15 =	rddreg [dreg:$0xa];
	[sflag:s23] =	ssyncadd.s32 $0xFFFFC000  }
0x49: {  	[spmem:s15] =	stream.linear.scatter [tilespmem:s22], [sflag:$0x8], $0x4000, $0x38;
	[tilespmem:$0x1E900] =	vst v63  }
0x4a: {  	_ =	swait.ge [sflag:s23], $0x4000  }
0x4b: {  	[sflag:s23] =	ssyncset.done $0x0  }
0x4c: {  	[sflag:s23] =	ssyncadd.s32 $0xFFFFC000  }
0x4d: {  	s8 =	simm.s32 $0x0;
	[bflag:$0x0] =	sbarrier.arrive $0xFFFF  }
0x4e: {  	[tilespmem:s24], [sflag:$0x6] =	stream.linear.gather [hbm4b:s13+s8], $0x80, $0x38;
	[tilespmem:$0x1E900] =	vst v63  }
0x4f: {  	_ = 	snop  }
0x50: {  	[tilespmem:s22], [sflag:$0x2] =	stream.indirect.gather [hbm4b:s4+s25], $0x80, s8, s25, $0xb8;
	[tilespmem:$0x1E900] =	vst v63  }
0x51: {  	s9 =	rddreg [dreg:$0xc]  }
0x52: {  	[tilespmem:s26], [sflag:$0x7] =	stream.linear.gather [hbm4b:s9+s8], $0x80, $0x38;
	[tilespmem:$0x1E900] =	vst v63  }
0x53: {  	_ = 	snop  }
0x54: {  	[tilespmem:s28], [sflag:$0x3] =	stream.indirect.gather [hbm4b:s4+s25], $0x80, s25, s25, $0xb8;
	[tilespmem:$0x1E900] =	vst v63  }
0x55: {  	_ =	swait.ge [sflag:s29], $0x80  }
0x56: {  	[sflag:s29] =	ssyncset.done $0x0  }
0x57: {  	[sflag:s29] =	ssyncadd.s32 $0xFFFFFF80  }
0x58: {  	_ =	swait.ge [sflag:s30], $0x4000  }
0x59: {  	[sflag:s30] =	ssyncset.done $0x0  }
0x5a: {  	s9 =	simm.s32 $0x4;
	[sflag:s30] =	ssyncadd.s32 $0xFFFFC000  }
0x5b: {  	[spmem:s2] =	stream.indirect.scatter.add.f32 [tilespmem:s22], [sflag:$0x4], $0x80, s24, s25, $0xb8;
	[tilespmem:$0x1E900] =	vst v63  }
0x5c: {  	_ =	swait.ge [sflag:s9], $0x4000  }
0x5d: {  	[sflag:s9] =	ssyncset.done $0x0  }
0x5e: {  	[sflag:s9] =	ssyncadd.s32 $0xFFFFC000  }
0x5f: {  	[tilespmem:s24], [sflag:$0x6] =	stream.linear.gather [hbm4b:s16+s8], $0x80, $0x38;
	[tilespmem:$0x1E900] =	vst v63  }
0x60: {  	s10 =	simm.s32 $0x100  }
0x61: {  	[tilespmem:s22], [sflag:$0x2] =	stream.indirect.gather [hbm4b:s4+s25], $0x80, s10, s25, $0xb8;
	[tilespmem:$0x1E900] =	vst v63  }
0x62: {  	_ =	swait.ge [sflag:s0], $0x80  }
0x63: {  	[sflag:s0] =	ssyncset.done $0x0  }
0x64: {  	[sflag:s0] =	ssyncadd.s32 $0xFFFFFF80  }
0x65: {  	_ =	swait.ge [sflag:s3], $0x4000  }
0x66: {  	[sflag:s3] =	ssyncset.done $0x0  }
0x67: {  	s11 =	simm.s32 $0x200;
	[sflag:s3] =	ssyncadd.s32 $0xFFFFC000  }
0x68: {  	[spmem:s2] =	stream.indirect.scatter.add.f32 [tilespmem:s28], [sflag:$0x5], $0x80, s26, s25, $0xb8;
	[tilespmem:$0x1E900] =	vst v63  }
.LBB2_4:
0x69: {  	_ =	swait.ge [sflag:s1], $0x4000;
	s12 =	sadd.s32 $0xFFFFFFFF, s9  }
0x6a: {  	s10 =	rddreg [dreg:$0x4];
	[sflag:s1] =	ssyncset.done $0x0;
	p1 =	sge.u32 s12, s5  }
0x6b: {  	[sflag:s1] =	ssyncadd.s32 $0xFFFFC000;
	s12 =	sadd.s32 @!p1 s8, s10  }
0x6c: {  	s14 =	simm.s32 @!p1 $0x0;
	s15 =	simm.s32 @!p1 $0x2880;
	s10 =	smov.u32 s11  }
0x6d: {  	[tilespmem:s15], [sflag:$0x7] =	stream.linear.gather @!p1 [hbm4b:s12+s14], $0x80, $0x38;
	[tilespmem:$0x1E900] =	vst v63  }
0x6e: {  	s11 =	sadd.s32 @!p1 $0xFFFFFF80, s11;
	s12 =	simm.s32 @!p1 $0x80;
	s14 =	simm.s32 @!p1 $0x6900  }
0x6f: {  	[tilespmem:s14], [sflag:$0x3] =	stream.indirect.gather @!p1 [hbm4b:s4+s12], $0x80, s11, s12, $0xb8;
	[tilespmem:$0x1E900] =	vst v63  }
0x70: {  	_ =	swait.ge [sflag:s29], $0x80  }
0x71: {  	[sflag:s29] =	ssyncset.done $0x0  }
0x72: {  	[sflag:s29] =	ssyncadd.s32 $0xFFFFFF80  }
0x73: {  	_ =	swait.ge [sflag:s30], $0x4000  }
0x74: {  	[sflag:s30] =	ssyncset.done $0x0  }
0x75: {  	[sflag:s30] =	ssyncadd.s32 $0xFFFFC000  }
0x76: {  	[spmem:s2] =	stream.indirect.scatter.add.f32 [tilespmem:s22], [sflag:$0x4], $0x80, s24, s25, $0xb8;
	[tilespmem:$0x1E900] =	vst v63  }
0x77: {  	p1 =	sge.u32 s9, s5;
	_ =	swait.ge [sflag:s31], $0x4000  }
0x78: {  	s11 =	sadd.s32 @!p1 s8, s20;
	[sflag:s31] =	ssyncset.done $0x0  }
0x79: {  	s12 =	simm.s32 @!p1 $0x0;
	s14 =	simm.s32 @!p1 $0x2800;
	[sflag:s31] =	ssyncadd.s32 $0xFFFFC000  }
0x7a: {  	[tilespmem:s14], [sflag:$0x6] =	stream.linear.gather @!p1 [hbm4b:s11+s12], $0x80, $0x38;
	[tilespmem:$0x1E900] =	vst v63  }
0x7b: {  	s11 =	simm.s32 @!p1 $0x80;
	s12 =	simm.s32 @!p1 $0x2900  }
0x7c: {  	[tilespmem:s12], [sflag:$0x2] =	stream.indirect.gather @!p1 [hbm4b:s4+s11], $0x80, s10, s11, $0xb8;
	[tilespmem:$0x1E900] =	vst v63  }
0x7d: {  	_ =	swait.ge [sflag:s0], $0x80  }
0x7e: {  	[sflag:s0] =	ssyncset.done $0x0  }
0x7f: {  	[sflag:s0] =	ssyncadd.s32 $0xFFFFFF80  }
0x80: {  	_ =	swait.ge [sflag:s3], $0x4000  }
0x81: {  	s8 =	sadd.s32 $0x20, s8;
	s15 =	rddreg [dreg:$0x3]  }
0x82: {  	p1 =	sne.s32 s15, s8  }
.Ltmp1:
0x83: {  	_ = 	snop;
	(pc) =	sbr.rel @p1 .LBB2_4-.Ltmp1, $4  }
0x84: {  	_ = 	snop  }
0x85: {  	[sflag:s3] =	ssyncset.done $0x0  }
0x86: {  	s9 =	sadd.s32 $0x2, s9;
	s11 =	sadd.s32 $0x100, s10;
	[sflag:s3] =	ssyncadd.s32 $0xFFFFC000  }
0x87: {  	[spmem:s2] =	stream.indirect.scatter.add.f32 [tilespmem:s28], [sflag:$0x5], $0x80, s26, s25, $0xb8;
	[tilespmem:$0x1E900] =	vst v63  }
0x88: {  	_ =	swait.ge [sflag:s1], $0x4000  }
0x89: {  	s12 =	sadd.s32 $0xFFFFFFFF, s9;
	[sflag:s1] =	ssyncset.done $0x0  }
0x8a: {  	p1 =	sge.u32 s12, s5;
	[sflag:s1] =	ssyncadd.s32 $0xFFFFC000  }
0x8b: {  	s12 =	sadd.s32 @!p1 s8, s19;
	s14 =	simm.s32 @!p1 $0x0;
	s15 =	simm.s32 @!p1 $0x2880  }
0x8c: {  	[tilespmem:s15], [sflag:$0x7] =	stream.linear.gather @!p1 [hbm4b:s12+s14], $0x80, $0x38;
	[tilespmem:$0x1E900] =	vst v63  }
0x8d: {  	s10 =	sadd.s32 @!p1 $0x80, s10;
	s12 =	simm.s32 @!p1 $0x80;
	s14 =	simm.s32 @!p1 $0x6900  }
0x8e: {  	[tilespmem:s14], [sflag:$0x3] =	stream.indirect.gather @!p1 [hbm4b:s4+s12], $0x80, s10, s12, $0xb8;
	[tilespmem:$0x1E900] =	vst v63  }
0x8f: {  	_ =	swait.ge [sflag:s29], $0x80  }
0x90: {  	[sflag:s29] =	ssyncset.done $0x0  }
0x91: {  	[sflag:s29] =	ssyncadd.s32 $0xFFFFFF80  }
0x92: {  	_ =	swait.ge [sflag:s30], $0x4000  }
0x93: {  	[sflag:s30] =	ssyncset.done $0x0  }
0x94: {  	[sflag:s30] =	ssyncadd.s32 $0xFFFFC000  }
0x95: {  	[spmem:s2] =	stream.indirect.scatter.add.f32 [tilespmem:s22], [sflag:$0x4], $0x80, s24, s25, $0xb8;
	[tilespmem:$0x1E900] =	vst v63  }
0x96: {  	p1 =	sge.u32 s9, s5;
	_ =	swait.ge [sflag:s31], $0x4000  }
0x97: {  	s8 =	sadd.s32 @!p1 s8, s18;
	[sflag:s31] =	ssyncset.done $0x0  }
0x98: {  	s9 =	simm.s32 @!p1 $0x0;
	s10 =	simm.s32 @!p1 $0x2800;
	[sflag:s31] =	ssyncadd.s32 $0xFFFFC000  }
0x99: {  	[tilespmem:s10], [sflag:$0x6] =	stream.linear.gather @!p1 [hbm4b:s8+s9], $0x80, $0x38;
	[tilespmem:$0x1E900] =	vst v63  }
0x9a: {  	s8 =	simm.s32 @!p1 $0x80;
	s9 =	simm.s32 @!p1 $0x2900  }
0x9b: {  	[tilespmem:s9], [sflag:$0x2] =	stream.indirect.gather @!p1 [hbm4b:s4+s8], $0x80, s11, s8, $0xb8;
	[tilespmem:$0x1E900] =	vst v63  }
0x9c: {  	_ =	swait.ge [sflag:s0], $0x80  }
0x9d: {  	[sflag:s0] =	ssyncset.done $0x0  }
0x9e: {  	[sflag:s0] =	ssyncadd.s32 $0xFFFFFF80  }
0x9f: {  	_ =	swait.ge [sflag:s3], $0x4000  }
0xa0: {  	[sflag:s3] =	ssyncset.done $0x0  }
0xa1: {  	[sflag:s3] =	ssyncadd.s32 $0xFFFFC000  }
0xa2: {  	[spmem:s2] =	stream.indirect.scatter.add.f32 [tilespmem:s28], [sflag:$0x5], $0x80, s26, s25, $0xb8;
	[tilespmem:$0x1E900] =	vst v63  }
0xa3: {  	_ =	swait.ge [sflag:s1], $0x4000  }
0xa4: {  	s12 =	stileid.u32;
	[sflag:s1] =	ssyncset.done $0x0  }
0xa5: {  	s8 =	sshll.u32 s12, $0x6;
	[sflag:s1] =	ssyncadd.s32 $0xFFFFC000  }
0xa6: {  	s14 =	sshrl.u32 s6, $0x3;
	s8 =	sor.u32 $0x1C08, s8;
	[bflag:$0x0] =	sbarrier.arrive $0xFFFF  }
0xa7: {  	[hbm:s17], [sflag:s8] =	dma.local [spmem:s14], $0x2800  }
0xa8: {  	_ =	swait.ge [sflag:s23], $0x2800  }
0xa9: {  	s7 =	sadd.s32 $0x1, s7;
	s15 =	rddreg [dreg:$0xb]  }
0xaa: {  	p1 =	sne.s32 s7, s15  }
.Ltmp2:
0xab: {  	_ = 	snop;
	(pc) =	sbr.rel @p1 .LBB2_1-.Ltmp2, $3  }
0xac: {  	_ =	sdelay $0x1  }
0xad: {  	[sflag:s23] =	ssyncset.done $0x0  }
0xae: {  	[sflag:s23] =	ssyncadd.s32 $0xFFFFD800  }
0xaf: {  	_ =	sfence.sel $0x180000  }
0xb0: {  	[bflag:$0x0] =	sbarrier.arrive $0xFFFF  }
0xb1: {  	_ =	strace $0x9000004A  }
0xb2: {  	[bflag:$0x2] =	sbarrier.arrive $0xFFFF  }
0xb3: {  	s0 =	rddreg [dreg:$0x2]  }
0xb4: {  	s0 =	sadd.s32 @!p0 $0x100000, s0  }
0xb5: {  	[sflag:s0] =	ssyncadd.tile.s32 @!p0 $0x1;
	_ =	shalt  }
.Lfunc_end2:
_tile_overlayer_lowered:
.L_overlay_start_2:
0xb6: {  	(tag) =	ssettag $0x2  }
0xb7: {  	s0 =	rddreg [dreg:$0x0];
	s2 =	stileid.u32  }
0xb8: {  	s1 =	rddreg [dreg:$0x1];
	p0 =	sne.s32 s2, $0x0  }
0xb9: {  	s3 =	rddreg [dreg:$0x2];
	[bflag:$0x3] =	sbarrier.arrive $0xFFFF;
	s2 =	simm.s32 @!p0 $0x1C08  }
0xba: {  	[timem:s3], [sflag:s2] =	dma.local @!p0 [hbm:s0], s1  }
0xbb: {  	s0 =	simm.s32 @!p0 $0x8  }
0xbc: {  	_ =	swait.ge @!p0 [sflag:s0], s1  }
0xbd: {  	s1 =	ssub.s32 @!p0 $0x0, s1;
	[sflag:s0] =	ssyncset.done @!p0 $0x0  }
0xbe: {  	[sflag:s0] =	ssyncadd.s32 @!p0 s1  }
0xbf: {  	[bflag:$0x3] =	sbarrier.arrive $0xFFFF  }
0xc0: {  	_ =	shalt  }

// kernel: kernel.14.cloned.1.call-start
scs
__scs_entry_jumppad:
0x0: {  	(pc) =	sbr.rel $0x88, $3  }
0x1: {  	(tag) =	ssettag $0x0;
	lr =	simm.s32 $0x1  }
0x2: {  	[smem:$0x3F8C] =	sst lr;
	_ =	strace $0xD0000000  }
0x3: {  	_ = 	snop  }
0x4: {  	_ = 	snop  }
0x5: {  	_ = 	snop  }
0x6: {  	_ = 	snop  }
0x7: {  	_ = 	snop  }
__scs_overlays_trampoline_lowered:
0x8: {  	[smem:$0x3F9B] =	sst s0  }
0x9: {  	[smem:$0x3F9C] =	sst s1  }
0xa: {  	[smem:$0x3F9D] =	sst s2  }
0xb: {  	[smem:$0x3F9E] =	sst s3  }
0xc: {  	[smem:$0x3F9F] =	sst s4  }
0xd: {  	[smem:$0x3FA0] =	sst s5  }
0xe: {  	[smem:$0x3FA1] =	sst s6  }
0xf: {  	[smem:$0x3FA2] =	sst s7  }
0x10: {  	[smem:$0x3FA3] =	sst s8  }
0x11: {  	[smem:$0x3FA4] =	sst s9;
	s0 =	simm.s32 @!p0 $0x0  }
0x12: {  	s1 =	sld [smem:$0x3F8A];
	s0 =	simm.s32 @p0 $0x1  }
0x13: {  	[smem:$0x3FA5] =	sst s0;
	s0 =	simm.s32 @!p1 $0x0  }
0x14: {  	s2 =	sld [smem:$0x3F89];
	s0 =	simm.s32 @p1 $0x1  }
0x15: {  	[smem:$0x3FA6] =	sst s0;
	s0 =	simm.s32 @!p2 $0x0  }
0x16: {  	s3 =	sld [smem:$0x3FDB];
	s0 =	simm.s32 @p2 $0x1  }
0x17: {  	s4 =	simm.s32 $0x1BF5;
	[smem:$0x3FA8] =	sst s0  }
0x18: {  	s0 =	sld [smem:$0x3F8B];
	_ =	swait.ge [sflag:s4], $0x0  }
0x19: {  	s7 =	sld [smem:$0x3F8C]  }
0x1a: {  	s8 =	sadd.s32 $0xFFFFE003, lr  }
0x1b: {  	s9 =	sadd.s32 $0xFFFFFEF7, lr;
	s5 =	simm.s32 $0xFFFFFFFF;
	p2 =	slt.u32 s8, $0xFFFFF086  }
0x1c: {  	p1 =	slt.u32 s9, $0xF7A;
	s5 =	simm.s32 @!p2 $0x0  }
0x1d: {  	s5 =	simm.s32 @p1 $0x1;
	p0 =	seq.s32 s7, s2  }
0x1e: {  	s7 =	smul.u32 @!p0 $0xF7A, s2;
	p2 =	seq.s32 @!p0 s5, $0x0  }
0x1f: {  	s9 =	smul.u32 $0xF7A, s1;
	s8 =	simm.s32 @!p0 $0x1BF5;
	p2 =	por !p2, p0  }
0x20: {  	[sflag:s8] =	ssyncset.s32 @!p0 $0xFFFFF086;
	s6 =	sadd.s32 @!p0 s3, s7;
	s7 =	simm.s32 @!p0 $0x108  }
0x21: {  	s3 =	sadd.s32 s3, s9;
	s6 =	sadd.s32 @!p0 $0x88, s6;
	s7 =	simm.s32 @p2 $0x1082  }
0x22: {  	[simem:s7], [sflag:s8] =	dma.local @!p0 [hbm:s6], $0xF7A  }
0x23: {  	s9 =	sor.u32 $0xD0000000, s2;
	s6 =	simm.s32 $0x108;
	_ =	swait.ge @!p0 [sflag:s8], $0x0  }
0x24: {  	s3 =	sadd.s32 $0x88, s3;
	s6 =	simm.s32 @!p1 $0x1082;
	[sflag:s4] =	ssyncset.s32 $0xFFFFF086  }
0x25: {  	[simem:s6], [sflag:s4] =	dma.local [hbm:s3], $0xF7A  }
0x26: {  	[smem:$0x3F8C] =	sst s1;
	(tag) =	ssettag s2;
	_ =	strace s9  }
0x27: {  	s1 =	sld [smem:$0x3F9C]  }
0x28: {  	s2 =	sld [smem:$0x3F9D]  }
0x29: {  	s4 =	sld [smem:$0x3F9F]  }
0x2a: {  	p0 =	seq.s32 s5, $0x0;
	s5 =	sld [smem:$0x3FA0]  }
0x2b: {  	s6 =	sld [smem:$0x3FA1]  }
0x2c: {  	s7 =	sld [smem:$0x3FA2]  }
0x2d: {  	s3 =	simm.s32 $0x108;
	s8 =	sld [smem:$0x3FA3]  }
0x2e: {  	s3 =	simm.s32 @!p0 $0x1082;
	s9 =	sld [smem:$0x3FA4]  }
0x2f: {  	lr =	sadd.s32 s0, s3;
	s0 =	sld [smem:$0x3F9B]  }
0x30: {  	s3 =	sld [smem:$0x3F9E]  }
0x31: {  	[smem:$0x3FA7] =	sst s10  }
0x32: {  	s10 =	sld [smem:$0x3FA5];
	_ =	sdelay $0x3  }
0x33: {  	p0 =	seq.s32 s10, $0x1;
	s10 =	sld [smem:$0x3FA7];
	_ =	sdelay $0x3  }
0x34: {  	[smem:$0x3FA7] =	sst s10  }
0x35: {  	s10 =	sld [smem:$0x3FA6];
	_ =	sdelay $0x3  }
0x36: {  	p1 =	seq.s32 s10, $0x1;
	s10 =	sld [smem:$0x3FA7];
	_ =	sdelay $0x3  }
0x37: {  	[smem:$0x3FA7] =	sst s10  }
0x38: {  	s10 =	sld [smem:$0x3FA8]  }
0x39: {  	_ = 	snop;
	(pc) =	sbr.ind lr, $3  }
0x3a: {  	_ = 	snop  }
0x3b: {  	_ = 	snop  }
0x3c: {  	p2 =	seq.s32 s10, $0x1;
	s10 =	sld [smem:$0x3FA7]  }
0x3d: {  	_ =	shalt  }
0x3e: {  	_ =	shalt  }
0x3f: {  	_ =	shalt  }
0x40: {  	_ =	shalt  }
0x41: {  	_ =	shalt  }
0x42: {  	_ =	shalt  }
0x43: {  	_ =	shalt  }
0x44: {  	_ =	shalt  }
0x45: {  	_ =	shalt  }
0x46: {  	_ =	shalt  }
0x47: {  	_ =	shalt  }
0x48: {  	_ =	shalt  }
0x49: {  	_ =	shalt  }
0x4a: {  	_ =	shalt  }
0x4b: {  	_ =	shalt  }
0x4c: {  	_ =	shalt  }
0x4d: {  	_ =	shalt  }
0x4e: {  	_ =	shalt  }
0x4f: {  	_ =	shalt  }
0x50: {  	_ =	shalt  }
0x51: {  	_ =	shalt  }
0x52: {  	_ =	shalt  }
0x53: {  	_ =	shalt  }
0x54: {  	_ =	shalt  }
0x55: {  	_ =	shalt  }
0x56: {  	_ =	shalt  }
0x57: {  	_ =	shalt  }
0x58: {  	_ =	shalt  }
0x59: {  	_ =	shalt  }
0x5a: {  	_ =	shalt  }
0x5b: {  	_ =	shalt  }
0x5c: {  	_ =	shalt  }
0x5d: {  	_ =	shalt  }
0x5e: {  	_ =	shalt  }
0x5f: {  	_ =	shalt  }
0x60: {  	_ =	shalt  }
0x61: {  	_ =	shalt  }
0x62: {  	_ =	shalt  }
0x63: {  	_ =	shalt  }
0x64: {  	_ =	shalt  }
0x65: {  	_ =	shalt  }
0x66: {  	_ =	shalt  }
0x67: {  	_ =	shalt  }
0x68: {  	_ =	shalt  }
0x69: {  	_ =	shalt  }
0x6a: {  	_ =	shalt  }
0x6b: {  	_ =	shalt  }
0x6c: {  	_ =	shalt  }
0x6d: {  	_ =	shalt  }
0x6e: {  	_ =	shalt  }
0x6f: {  	_ =	shalt  }
0x70: {  	_ =	shalt  }
0x71: {  	_ =	shalt  }
0x72: {  	_ =	shalt  }
0x73: {  	_ =	shalt  }
0x74: {  	_ =	shalt  }
0x75: {  	_ =	shalt  }
0x76: {  	_ =	shalt  }
0x77: {  	_ =	shalt  }
0x78: {  	_ =	shalt  }
0x79: {  	_ =	shalt  }
0x7a: {  	_ =	shalt  }
0x7b: {  	_ =	shalt  }
0x7c: {  	_ =	shalt  }
0x7d: {  	_ =	shalt  }
0x7e: {  	_ =	shalt  }
0x7f: {  	_ =	shalt  }
0x80: {  	_ =	shalt  }
0x81: {  	_ =	shalt  }
0x82: {  	_ =	shalt  }
0x83: {  	_ =	shalt  }
0x84: {  	_ =	shalt  }
0x85: {  	_ =	shalt  }
0x86: {  	_ =	shalt  }
0x87: {  	_ =	shalt  }
.Lfunc_end0:
.L_simem_size_0:
called_computation.2_lowered:
.L_overlay_start_0:
0x88: {  	s2 =	sld [smem:$0x3FD9]  }
0x89: {  	s3 =	sld [smem:$0x3FFE];
	_ =	sdelay $0x1  }
0x8a: {  	s1 =	srdreg.scid  }
0x8b: {  	s0 =	sand.u32 $0x1, s1  }
0x8c: {  	s16 =	sshll.u32 s0, $0xA;
	s2 =	sadd.s32 s3, s2  }
0x8d: {  	s2 =	sadd.s32 s2, s16  }
0x8e: {  	[smem:$0x3FB3] =	sst s2  }
0x8f: {  	_ = 	snop  }
0x90: {  	(tm) =	ssettm $0x1  }
0x91: {  	s17 =	sld [smem:$0x3FFB];
	_ =	sdelay $0x3  }
0x92: {  	_ =	strace s17  }
0x93: {  	s2 =	sld [smem:$0x3FFC];
	_ =	sdelay $0x3  }
0x94: {  	_ =	strace s2  }
0x95: {  	s2 =	sld [smem:$0x3FFD];
	_ =	sdelay $0x3  }
0x96: {  	_ =	strace s2  }
0x97: {  	_ =	strace $0x8FFFFFFF  }
0x98: {  	s18 =	sld [smem:$0x3FDB];
	_ =	sdelay $0x1  }
0x99: {  	s19 =	simm.s32 $_scs_section_size  }
0x9a: {  	s4 =	simm.s32 $_size__tile_overlayer_lowered;
	s5 =	simm.s32 $_tile_overlayer_lowered  }
0x9b: {  	s22 =	simm.s32 $0x1BFF;
	s21 =	sshll.u32 s5, $0x1;
	s2 =	sadd.s32 s19, s18  }
0x9c: {  	s6 =	simm.s32 $0x0;
	s20 =	sshll.u32 s4, $0x1;
	s4 =	sadd.s32 s21, s2  }
0x9d: {  	[timem:s6], [sflag:s22] =	dma.local [hbm:s4], s20  }
0x9e: {  	_ =	swait.ge [sflag:s22], s20  }
0x9f: {  	s3 =	ssub.s32 $0x0, s20;
	[sflag:s22] =	ssyncset.done $0x0  }
0xa0: {  	[sflag:s22] =	ssyncadd.s32 s3;
	_ =	sdelay $0x1  }
0xa1: {  	s23 =	simm.s32 $0x1B8B  }
0xa2: {  	_ =	swait.ge [sflag:s23], $0x1  }
0xa3: {  	[sflag:s23] =	ssyncset.done $0x0  }
0xa4: {  	s25 =	simm.s32 $0x1B8E;
	s24 =	sld [smem:$0x3FFE];
	[sflag:s23] =	ssyncadd.s32 $0xFFFFFFFF  }
0xa5: {  	s26 =	simm.s32 $execute0_lowered;
	[smem:$0x3FD2] =	sst s25  }
0xa6: {  	s4 =	sshll.u32 s26, $0x1;
	_ =	strace $0x8000004C;
	[dreg:$0x1] =	wrdreg $0xFFFFFFFF  }
0xa7: {  	s28 =	simm.s32 $_size_execute0_lowered;
	s2 =	sadd.s32 s2, s4;
	[dreg:$0x0] =	wrdreg $0x0  }
0xa8: {  	s4 =	sshll.u32 s28, $0x1;
	[dreg:$0x2] =	wrdreg s2  }
0xa9: {  	[dreg:$0x3] =	wrdreg s4  }
0xaa: {  	[dreg:$0x4] =	wrdreg $0xC0  }
0xab: {  	_ =	task [dreg:s6], $0x5FFFF  }
0xac: {  	[dreg:$0x1] =	wrdreg $0xFFFFFFFF  }
0xad: {  	[dreg:$0x0] =	wrdreg $0x60  }
0xae: {  	[dreg:$0x2] =	wrdreg s24  }
0xaf: {  	[dreg:$0x3] =	wrdreg $0xA9000  }
0xb0: {  	[dreg:$0x4] =	wrdreg $0x9  }
0xb1: {  	_ =	task.clear_ibuf [dreg:s6], $0x5FFFF;
	_ =	strace $0x9000004C  }
0xb2: {  	s29 =	simm.s32 $0x9;
	_ =	strace $0x8000004E  }
0xb3: {  	_ =	swait.ge [sflag:s29], $0x1  }
0xb4: {  	[sflag:s29] =	ssyncadd.s32 $0xFFFFFFFF  }
0xb5: {  	_ =	strace $0x9000004E  }
0xb6: {  	_ =	sfence  }
0xb7: {  	s30 =	sld [smem:$0x0];
	_ =	sdelay $0x2  }
0xb8: {  	s31 =	sshll.u32 s1, $0xD;
	s1 =	sshrl.u32 s1, $0x2  }
0xb9: {  	s3 =	sand.u32 $0x4000, s31;
	s1 =	sadd.s32 s1, s30  }
0xba: {  	s0 =	sor.u32 s3, s0;
	s1 =	sshll.u32 s1, $0x11  }
0xbb: {  	s0 =	sor.u32 s1, s0  }
0xbc: {  	s0 =	sadd.s32 $0x8F2B, s0  }
0xbd: {  	[sflag:s0] =	ssyncadd.remote.s32 $0x1  }
0xbe: {  	_ =	sfence.sel $0xFFFF  }
0xbf: {  	[dreg:$0x0] =	wrdreg $0xFFFFFFFF;
	(pc) =	sbr.abs _section_cstart, $3  }
0xc0: {  	[dreg:$0x1] =	wrdreg $0xFFFFFFFF  }
0xc1: {  	_ =	task.clear_ibuf [dreg:s6], $0x2FFFF;
	_ =	strace $0x9FFFFFFF  }
0xc2: {  	(tm) =	ssettm $0x7FFFFFFF  }
0xc3: {  	_ =	shalt  }
tec
execute0_lowered:
.L_overlay_start_1:
0x0: {  	(tag) =	ssettag $0x1  }
0x1: {  	s0 =	rddreg [dreg:$0x0];
	s1 =	srdreg.scid  }
0x2: {  	s12 =	stileid.u32;
	s2 =	rddreg [dreg:$0x1]  }
0x3: {  	s5 =	simm.s32 $0x0;
	s28 =	simm.s32 $0x6900;
	s29 =	simm.s32 $0x6  }
0x4: {  	s30 =	simm.s32 $0x2;
	s31 =	simm.s32 $0x4;
	s1 =	sand.u32 $0x1, s1  }
0x5: {  	s3 =	sshll.u32 s12, $0x1;
	[smem:$0x7FF] =	sst s5;
	s8 =	smul.u32 $0x50000, s12  }
0x6: {  	s10 =	sadd.s32 $0x5200, s0;
	p0 =	seq.s32 s12, $0x0;
	s23 =	smul.u32 $0x4E00, s12  }
0x7: {  	s5 =	simm.s32 $0x50;
	s26 =	smul.u32 $0x2800, s12;
	s3 =	sor.u32 s1, s3  }
0x8: {  	_ =	strace $0x8000004D;
	s6 =	ssub.s32 $0x2, s1;
	s5 =	simm.s32 @!p0 $0x4E  }
0x9: {  	s25 =	smul.u32 $0x2700, s1;
	s11 =	sshrl.u32 s6, $0x1;
	s8 =	sshrl.u32 s8, $0x2  }
0xa: {  	p0 =	seq.s32 s1, $0x1;
	s11 =	ssub.s32 s6, s11;
	s6 =	sadd.s32 s8, s2  }
0xb: {  	s4 =	smin.u32 s3, $0x2;
	s3 =	smul.u32 $0x2700, s3;
	s20 =	sadd.s32 $0x4000, s6  }
0xc: {  	s15 =	sshll.u32 s5, $0x4;
	s21 =	sadd.s32 $0x8000, s6;
	[dreg:$0x7] =	wrdreg s20  }
0xd: {  	s7 =	sshll.u32 s4, $0x8;
	s22 =	sadd.s32 $0xC000, s6;
	[dreg:$0x8] =	wrdreg s21  }
0xe: {  	s3 =	sadd.s32 s3, s7;
	s24 =	sadd.s32 $0x10000, s6;
	[dreg:$0x9] =	wrdreg s22  }
0xf: {  	s11 =	smax.u32 s11, $0x1;
	s3 =	sshrl.u32 s3, $0x3;
	[dreg:$0xa] =	wrdreg s24  }
0x10: {  	s4 =	sadd.s32 $0x18E00, s0;
	[dreg:$0xb] =	wrdreg s11;
	s9 =	sadd.s32 s3, s0  }
0x11: {  	s13 =	sadd.s32 s10, s3;
	s3 =	sadd.s32 s25, s23;
	s18 =	sadd.s32 $0xF000, s9  }
0x12: {  	s19 =	sadd.s32 $0xF4E0, s9;
	s14 =	sadd.s32 $0x10, s13;
	[dreg:$0x5] =	wrdreg s18  }
0x13: {  	s9 =	simm.s32 $0x68000;
	s16 =	sadd.s32 $0x20, s13;
	[dreg:$0x6] =	wrdreg s19  }
0x14: {  	s3 =	sadd.s32 s7, s3;
	s7 =	simm.s32 $0x0;
	[dreg:$0xc] =	wrdreg s14  }
0x15: {  	s9 =	simm.s32 @!p0 $0x40000;
	s18 =	sadd.s32 $0x300, s3;
	s19 =	sadd.s32 $0xFFFFFFC0, s15  }
0x16: {  	s22 =	sadd.s32 $0x280, s3;
	s24 =	sadd.s32 $0x180, s3;
	s3 =	sadd.s32 $0x200, s3  }
0x17: {  	p0 =	sne.s32 s12, $0x0;
	s0 =	sadd.s32 s9, s0;
	s20 =	sshrl.u32 s18, $0x3  }
0x18: {  	[dreg:$0x3] =	wrdreg s19;
	s23 =	sshrl.u32 s22, $0x3;
	s1 =	sshrl.u32 s24, $0x3  }
0x19: {  	s22 =	simm.s32 $0x2900;
	s24 =	simm.s32 $0x2800;
	s17 =	sadd.s32 s0, s26  }
0x1a: {  	s21 =	sadd.s32 s20, s10;
	s0 =	sadd.s32 s23, s10;
	s25 =	sadd.s32 s1, s10  }
0x1b: {  	s26 =	sshrl.u32 s3, $0x3;
	s23 =	simm.s32 $0x8;
	s3 =	simm.s32 $0x3  }
0x1c: {  	s1 =	simm.s32 $0x5;
	s18 =	sadd.s32 $0xFFFFFFE0, s21;
	s19 =	sadd.s32 $0xFFFFFFE0, s0  }
0x1d: {  	[dreg:$0x4] =	wrdreg s25;
	s20 =	sadd.s32 s26, s10;
	s21 =	simm.s32 $0x1  }
0x1e: {  	v0 =	vimm.f32 $0.0e+00;
	s25 =	simm.s32 $0x80;
	s26 =	simm.s32 $0x2880;
	s0 =	simm.s32 $0x7  }
.LBB2_1:
0x1f: {  	s8 =	simm.s32 $0x0;
	s9 =	rddreg [dreg:$0x5]  }
0x20: {  	[tilespmem:s8], [sflag:$0x1] =	stream.linear.gather [hbm4b:s9+s8], $0x2700, $0x38;
	[tilespmem:$0x1E900] =	vst v63  }
0x21: {  	_ =	swait.ge [sflag:s21], $0x2700  }
0x22: {  	s8 =	simm.s32 @!p0 $0x0;
	[sflag:s21] =	ssyncset.done $0x0  }
0x23: {  	s9 =	simm.s32 @!p0 $0x2700;
	s10 =	rddreg [dreg:$0x6];
	[sflag:s21] =	ssyncadd.s32 $0xFFFFD900  }
0x24: {  	[tilespmem:s9], [sflag:$0x1] =	stream.linear.gather @!p0 [hbm4b:s10+s8], $0x100, $0x38;
	[tilespmem:$0x1E900] =	vst v63  }
0x25: {  	s8 =	simm.s32 @!p0 $0x1  }
0x26: {  	_ =	swait.ge @!p0 [sflag:s8], $0x100  }
0x27: {  	[sflag:s8] =	ssyncset.done @!p0 $0x0  }
0x28: {  	s9 =	simm.s32 $0x200;
	[sflag:s8] =	ssyncadd.s32 @!p0 $0xFFFFFF00;
	s8 =	simm.s32 $0x0  }
.LBB2_2:
0x29: {  	p1 =	sne.s32 s9, $0xFE00;
	[tilespmem:s8+$0x2970] =	vst v0  }
0x2a: {  	[tilespmem:s8+$0x2900] =	vst v0  }
0x2b: {  	[tilespmem:s8+$0x2910] =	vst v0  }
.Ltmp0:
0x2c: {  	[tilespmem:s8+$0x2920] =	vst v0;
	(pc) =	sbr.rel @p1 .LBB2_2-.Ltmp0, $4  }
0x2d: {  	[tilespmem:s8+$0x2930] =	vst v0  }
0x2e: {  	[tilespmem:s8+$0x2940] =	vst v0  }
0x2f: {  	[tilespmem:s8+$0x2950] =	vst v0  }
0x30: {  	[tilespmem:s8+$0x2960] =	vst v0;
	s8 =	sshra.s32 s9, $0x2;
	s9 =	sadd.s32 $0x200, s9  }
0x31: {  	[tilespmem:s8+$0x2970] =	vst v0  }
0x32: {  	[tilespmem:s8+$0x2900] =	vst v0  }
0x33: {  	[tilespmem:s8+$0x2910] =	vst v0  }
0x34: {  	[tilespmem:s8+$0x2920] =	vst v0  }
0x35: {  	[tilespmem:s8+$0x2930] =	vst v0  }
0x36: {  	[tilespmem:s8+$0x2940] =	vst v0  }
0x37: {  	[tilespmem:s8+$0x2950] =	vst v0  }
0x38: {  	[tilespmem:s8+$0x2960] =	vst v0  }
0x39: {  	[spmem:s6] =	stream.linear.scatter [tilespmem:s22], [sflag:$0x8], $0x4000, $0x38;
	[tilespmem:$0x1E900] =	vst v63  }
0x3a: {  	_ =	swait.ge [sflag:s23], $0x4000  }
0x3b: {  	[sflag:s23] =	ssyncset.done $0x0  }
0x3c: {  	s11 =	rddreg [dreg:$0x7];
	[sflag:s23] =	ssyncadd.s32 $0xFFFFC000  }
0x3d: {  	[spmem:s11] =	stream.linear.scatter [tilespmem:s22], [sflag:$0x8], $0x4000, $0x38;
	[tilespmem:$0x1E900] =	vst v63  }
0x3e: {  	_ =	swait.ge [sflag:s23], $0x4000  }
0x3f: {  	[sflag:s23] =	ssyncset.done $0x0  }
0x40: {  	s12 =	rddreg [dreg:$0x8];
	[sflag:s23] =	ssyncadd.s32 $0xFFFFC000  }
0x41: {  	[spmem:s12] =	stream.linear.scatter [tilespmem:s22], [sflag:$0x8], $0x4000, $0x38;
	[tilespmem:$0x1E900] =	vst v63  }
0x42: {  	_ =	swait.ge [sflag:s23], $0x4000  }
0x43: {  	[sflag:s23] =	ssyncset.done $0x0  }
0x44: {  	s14 =	rddreg [dreg:$0x9];
	[sflag:s23] =	ssyncadd.s32 $0xFFFFC000  }
0x45: {  	[spmem:s14] =	stream.linear.scatter [tilespmem:s22], [sflag:$0x8], $0x4000, $0x38;
	[tilespmem:$0x1E900] =	vst v63  }
0x46: {  	_ =	swait.ge [sflag:s23], $0x4000  }
0x47: {  	[sflag:s23] =	ssyncset.done $0x0  }
0x48: {  	s15 =	rddreg [dreg:$0xa];
	[sflag:s23] =	ssyncadd.s32 $0xFFFFC000  }
0x49: {  	[spmem:s15] =	stream.linear.scatter [tilespmem:s22], [sflag:$0x8], $0x4000, $0x38;
	[tilespmem:$0x1E900] =	vst v63  }
0x4a: {  	_ =	swait.ge [sflag:s23], $0x4000  }
0x4b: {  	[sflag:s23] =	ssyncset.done $0x0  }
0x4c: {  	[sflag:s23] =	ssyncadd.s32 $0xFFFFC000  }
0x4d: {  	s8 =	simm.s32 $0x0;
	[bflag:$0x0] =	sbarrier.arrive $0xFFFF  }
0x4e: {  	[tilespmem:s24], [sflag:$0x6] =	stream.linear.gather [hbm4b:s13+s8], $0x80, $0x38;
	[tilespmem:$0x1E900] =	vst v63  }
0x4f: {  	_ = 	snop  }
0x50: {  	[tilespmem:s22], [sflag:$0x2] =	stream.indirect.gather [hbm4b:s4+s25], $0x80, s8, s25, $0xb8;
	[tilespmem:$0x1E900] =	vst v63  }
0x51: {  	s9 =	rddreg [dreg:$0xc]  }
0x52: {  	[tilespmem:s26], [sflag:$0x7] =	stream.linear.gather [hbm4b:s9+s8], $0x80, $0x38;
	[tilespmem:$0x1E900] =	vst v63  }
0x53: {  	_ = 	snop  }
0x54: {  	[tilespmem:s28], [sflag:$0x3] =	stream.indirect.gather [hbm4b:s4+s25], $0x80, s25, s25, $0xb8;
	[tilespmem:$0x1E900] =	vst v63  }
0x55: {  	_ =	swait.ge [sflag:s29], $0x80  }
0x56: {  	[sflag:s29] =	ssyncset.done $0x0  }
0x57: {  	[sflag:s29] =	ssyncadd.s32 $0xFFFFFF80  }
0x58: {  	_ =	swait.ge [sflag:s30], $0x4000  }
0x59: {  	[sflag:s30] =	ssyncset.done $0x0  }
0x5a: {  	s9 =	simm.s32 $0x4;
	[sflag:s30] =	ssyncadd.s32 $0xFFFFC000  }
0x5b: {  	[spmem:s2] =	stream.indirect.scatter.add.f32 [tilespmem:s22], [sflag:$0x4], $0x80, s24, s25, $0xb8;
	[tilespmem:$0x1E900] =	vst v63  }
0x5c: {  	_ =	swait.ge [sflag:s9], $0x4000  }
0x5d: {  	[sflag:s9] =	ssyncset.done $0x0  }
0x5e: {  	[sflag:s9] =	ssyncadd.s32 $0xFFFFC000  }
0x5f: {  	[tilespmem:s24], [sflag:$0x6] =	stream.linear.gather [hbm4b:s16+s8], $0x80, $0x38;
	[tilespmem:$0x1E900] =	vst v63  }
0x60: {  	s10 =	simm.s32 $0x100  }
0x61: {  	[tilespmem:s22], [sflag:$0x2] =	stream.indirect.gather [hbm4b:s4+s25], $0x80, s10, s25, $0xb8;
	[tilespmem:$0x1E900] =	vst v63  }
0x62: {  	_ =	swait.ge [sflag:s0], $0x80  }
0x63: {  	[sflag:s0] =	ssyncset.done $0x0  }
0x64: {  	[sflag:s0] =	ssyncadd.s32 $0xFFFFFF80  }
0x65: {  	_ =	swait.ge [sflag:s3], $0x4000  }
0x66: {  	[sflag:s3] =	ssyncset.done $0x0  }
0x67: {  	s11 =	simm.s32 $0x200;
	[sflag:s3] =	ssyncadd.s32 $0xFFFFC000  }
0x68: {  	[spmem:s2] =	stream.indirect.scatter.add.f32 [tilespmem:s28], [sflag:$0x5], $0x80, s26, s25, $0xb8;
	[tilespmem:$0x1E900] =	vst v63  }
.LBB2_4:
0x69: {  	_ =	swait.ge [sflag:s1], $0x4000;
	s12 =	sadd.s32 $0xFFFFFFFF, s9  }
0x6a: {  	s10 =	rddreg [dreg:$0x4];
	[sflag:s1] =	ssyncset.done $0x0;
	p1 =	sge.u32 s12, s5  }
0x6b: {  	[sflag:s1] =	ssyncadd.s32 $0xFFFFC000;
	s12 =	sadd.s32 @!p1 s8, s10  }
0x6c: {  	s14 =	simm.s32 @!p1 $0x0;
	s15 =	simm.s32 @!p1 $0x2880;
	s10 =	smov.u32 s11  }
0x6d: {  	[tilespmem:s15], [sflag:$0x7] =	stream.linear.gather @!p1 [hbm4b:s12+s14], $0x80, $0x38;
	[tilespmem:$0x1E900] =	vst v63  }
0x6e: {  	s11 =	sadd.s32 @!p1 $0xFFFFFF80, s11;
	s12 =	simm.s32 @!p1 $0x80;
	s14 =	simm.s32 @!p1 $0x6900  }
0x6f: {  	[tilespmem:s14], [sflag:$0x3] =	stream.indirect.gather @!p1 [hbm4b:s4+s12], $0x80, s11, s12, $0xb8;
	[tilespmem:$0x1E900] =	vst v63  }
0x70: {  	_ =	swait.ge [sflag:s29], $0x80  }
0x71: {  	[sflag:s29] =	ssyncset.done $0x0  }
0x72: {  	[sflag:s29] =	ssyncadd.s32 $0xFFFFFF80  }
0x73: {  	_ =	swait.ge [sflag:s30], $0x4000  }
0x74: {  	[sflag:s30] =	ssyncset.done $0x0  }
0x75: {  	[sflag:s30] =	ssyncadd.s32 $0xFFFFC000  }
0x76: {  	[spmem:s2] =	stream.indirect.scatter.add.f32 [tilespmem:s22], [sflag:$0x4], $0x80, s24, s25, $0xb8;
	[tilespmem:$0x1E900] =	vst v63  }
0x77: {  	p1 =	sge.u32 s9, s5;
	_ =	swait.ge [sflag:s31], $0x4000  }
0x78: {  	s11 =	sadd.s32 @!p1 s8, s20;
	[sflag:s31] =	ssyncset.done $0x0  }
0x79: {  	s12 =	simm.s32 @!p1 $0x0;
	s14 =	simm.s32 @!p1 $0x2800;
	[sflag:s31] =	ssyncadd.s32 $0xFFFFC000  }
0x7a: {  	[tilespmem:s14], [sflag:$0x6] =	stream.linear.gather @!p1 [hbm4b:s11+s12], $0x80, $0x38;
	[tilespmem:$0x1E900] =	vst v63  }
0x7b: {  	s11 =	simm.s32 @!p1 $0x80;
	s12 =	simm.s32 @!p1 $0x2900  }
0x7c: {  	[tilespmem:s12], [sflag:$0x2] =	stream.indirect.gather @!p1 [hbm4b:s4+s11], $0x80, s10, s11, $0xb8;
	[tilespmem:$0x1E900] =	vst v63  }
0x7d: {  	_ =	swait.ge [sflag:s0], $0x80  }
0x7e: {  	[sflag:s0] =	ssyncset.done $0x0  }
0x7f: {  	[sflag:s0] =	ssyncadd.s32 $0xFFFFFF80  }
0x80: {  	_ =	swait.ge [sflag:s3], $0x4000  }
0x81: {  	s8 =	sadd.s32 $0x20, s8;
	s15 =	rddreg [dreg:$0x3]  }
0x82: {  	p1 =	sne.s32 s15, s8  }
.Ltmp1:
0x83: {  	_ = 	snop;
	(pc) =	sbr.rel @p1 .LBB2_4-.Ltmp1, $4  }
0x84: {  	_ = 	snop  }
0x85: {  	[sflag:s3] =	ssyncset.done $0x0  }
0x86: {  	s9 =	sadd.s32 $0x2, s9;
	s11 =	sadd.s32 $0x100, s10;
	[sflag:s3] =	ssyncadd.s32 $0xFFFFC000  }
0x87: {  	[spmem:s2] =	stream.indirect.scatter.add.f32 [tilespmem:s28], [sflag:$0x5], $0x80, s26, s25, $0xb8;
	[tilespmem:$0x1E900] =	vst v63  }
0x88: {  	_ =	swait.ge [sflag:s1], $0x4000  }
0x89: {  	s12 =	sadd.s32 $0xFFFFFFFF, s9;
	[sflag:s1] =	ssyncset.done $0x0  }
0x8a: {  	p1 =	sge.u32 s12, s5;
	[sflag:s1] =	ssyncadd.s32 $0xFFFFC000  }
0x8b: {  	s12 =	sadd.s32 @!p1 s8, s19;
	s14 =	simm.s32 @!p1 $0x0;
	s15 =	simm.s32 @!p1 $0x2880  }
0x8c: {  	[tilespmem:s15], [sflag:$0x7] =	stream.linear.gather @!p1 [hbm4b:s12+s14], $0x80, $0x38;
	[tilespmem:$0x1E900] =	vst v63  }
0x8d: {  	s10 =	sadd.s32 @!p1 $0x80, s10;
	s12 =	simm.s32 @!p1 $0x80;
	s14 =	simm.s32 @!p1 $0x6900  }
0x8e: {  	[tilespmem:s14], [sflag:$0x3] =	stream.indirect.gather @!p1 [hbm4b:s4+s12], $0x80, s10, s12, $0xb8;
	[tilespmem:$0x1E900] =	vst v63  }
0x8f: {  	_ =	swait.ge [sflag:s29], $0x80  }
0x90: {  	[sflag:s29] =	ssyncset.done $0x0  }
0x91: {  	[sflag:s29] =	ssyncadd.s32 $0xFFFFFF80  }
0x92: {  	_ =	swait.ge [sflag:s30], $0x4000  }
0x93: {  	[sflag:s30] =	ssyncset.done $0x0  }
0x94: {  	[sflag:s30] =	ssyncadd.s32 $0xFFFFC000  }
0x95: {  	[spmem:s2] =	stream.indirect.scatter.add.f32 [tilespmem:s22], [sflag:$0x4], $0x80, s24, s25, $0xb8;
	[tilespmem:$0x1E900] =	vst v63  }
0x96: {  	p1 =	sge.u32 s9, s5;
	_ =	swait.ge [sflag:s31], $0x4000  }
0x97: {  	s8 =	sadd.s32 @!p1 s8, s18;
	[sflag:s31] =	ssyncset.done $0x0  }
0x98: {  	s9 =	simm.s32 @!p1 $0x0;
	s10 =	simm.s32 @!p1 $0x2800;
	[sflag:s31] =	ssyncadd.s32 $0xFFFFC000  }
0x99: {  	[tilespmem:s10], [sflag:$0x6] =	stream.linear.gather @!p1 [hbm4b:s8+s9], $0x80, $0x38;
	[tilespmem:$0x1E900] =	vst v63  }
0x9a: {  	s8 =	simm.s32 @!p1 $0x80;
	s9 =	simm.s32 @!p1 $0x2900  }
0x9b: {  	[tilespmem:s9], [sflag:$0x2] =	stream.indirect.gather @!p1 [hbm4b:s4+s8], $0x80, s11, s8, $0xb8;
	[tilespmem:$0x1E900] =	vst v63  }
0x9c: {  	_ =	swait.ge [sflag:s0], $0x80  }
0x9d: {  	[sflag:s0] =	ssyncset.done $0x0  }
0x9e: {  	[sflag:s0] =	ssyncadd.s32 $0xFFFFFF80  }
0x9f: {  	_ =	swait.ge [sflag:s3], $0x4000  }
0xa0: {  	[sflag:s3] =	ssyncset.done $0x0  }
0xa1: {  	[sflag:s3] =	ssyncadd.s32 $0xFFFFC000  }
0xa2: {  	[spmem:s2] =	stream.indirect.scatter.add.f32 [tilespmem:s28], [sflag:$0x5], $0x80, s26, s25, $0xb8;
	[tilespmem:$0x1E900] =	vst v63  }
0xa3: {  	_ =	swait.ge [sflag:s1], $0x4000  }
0xa4: {  	s12 =	stileid.u32;
	[sflag:s1] =	ssyncset.done $0x0  }
0xa5: {  	s8 =	sshll.u32 s12, $0x6;
	[sflag:s1] =	ssyncadd.s32 $0xFFFFC000  }
0xa6: {  	s14 =	sshrl.u32 s6, $0x3;
	s8 =	sor.u32 $0x1C08, s8;
	[bflag:$0x0] =	sbarrier.arrive $0xFFFF  }
0xa7: {  	[hbm:s17], [sflag:s8] =	dma.local [spmem:s14], $0x2800  }
0xa8: {  	_ =	swait.ge [sflag:s23], $0x2800  }
0xa9: {  	s7 =	sadd.s32 $0x1, s7;
	s15 =	rddreg [dreg:$0xb]  }
0xaa: {  	p1 =	sne.s32 s7, s15  }
.Ltmp2:
0xab: {  	_ = 	snop;
	(pc) =	sbr.rel @p1 .LBB2_1-.Ltmp2, $3  }
0xac: {  	_ =	sdelay $0x1  }
0xad: {  	[sflag:s23] =	ssyncset.done $0x0  }
0xae: {  	[sflag:s23] =	ssyncadd.s32 $0xFFFFD800  }
0xaf: {  	_ =	sfence.sel $0x180000  }
0xb0: {  	[bflag:$0x0] =	sbarrier.arrive $0xFFFF  }
0xb1: {  	_ =	strace $0x9000004D  }
0xb2: {  	[bflag:$0x2] =	sbarrier.arrive $0xFFFF  }
0xb3: {  	s0 =	rddreg [dreg:$0x2]  }
0xb4: {  	s0 =	sadd.s32 @!p0 $0x100000, s0  }
0xb5: {  	[sflag:s0] =	ssyncadd.tile.s32 @!p0 $0x1;
	_ =	shalt  }
.Lfunc_end2:
_tile_overlayer_lowered:
.L_overlay_start_2:
0xb6: {  	(tag) =	ssettag $0x2  }
0xb7: {  	s0 =	rddreg [dreg:$0x0];
	s2 =	stileid.u32  }
0xb8: {  	s1 =	rddreg [dreg:$0x1];
	p0 =	sne.s32 s2, $0x0  }
0xb9: {  	s3 =	rddreg [dreg:$0x2];
	[bflag:$0x3] =	sbarrier.arrive $0xFFFF;
	s2 =	simm.s32 @!p0 $0x1C08  }
0xba: {  	[timem:s3], [sflag:s2] =	dma.local @!p0 [hbm:s0], s1  }
0xbb: {  	s0 =	simm.s32 @!p0 $0x8  }
0xbc: {  	_ =	swait.ge @!p0 [sflag:s0], s1  }
0xbd: {  	s1 =	ssub.s32 @!p0 $0x0, s1;
	[sflag:s0] =	ssyncset.done @!p0 $0x0  }
0xbe: {  	[sflag:s0] =	ssyncadd.s32 @!p0 s1  }
0xbf: {  	[bflag:$0x3] =	sbarrier.arrive $0xFFFF  }
0xc0: {  	_ =	shalt  }

// kernel: kernel.8.cloned.1.call-start
scs
__scs_entry_jumppad:
0x0: {  	(pc) =	sbr.rel $0x88, $3  }
0x1: {  	(tag) =	ssettag $0x0;
	lr =	simm.s32 $0x1  }
0x2: {  	[smem:$0x3F8C] =	sst lr;
	_ =	strace $0xD0000000  }
0x3: {  	_ = 	snop  }
0x4: {  	_ = 	snop  }
0x5: {  	_ = 	snop  }
0x6: {  	_ = 	snop  }
0x7: {  	_ = 	snop  }
__scs_overlays_trampoline_lowered:
0x8: {  	[smem:$0x3F9B] =	sst s0  }
0x9: {  	[smem:$0x3F9C] =	sst s1  }
0xa: {  	[smem:$0x3F9D] =	sst s2  }
0xb: {  	[smem:$0x3F9E] =	sst s3  }
0xc: {  	[smem:$0x3F9F] =	sst s4  }
0xd: {  	[smem:$0x3FA0] =	sst s5  }
0xe: {  	[smem:$0x3FA1] =	sst s6  }
0xf: {  	[smem:$0x3FA2] =	sst s7  }
0x10: {  	[smem:$0x3FA3] =	sst s8  }
0x11: {  	[smem:$0x3FA4] =	sst s9;
	s0 =	simm.s32 @!p0 $0x0  }
0x12: {  	s1 =	sld [smem:$0x3F8A];
	s0 =	simm.s32 @p0 $0x1  }
0x13: {  	[smem:$0x3FA5] =	sst s0;
	s0 =	simm.s32 @!p1 $0x0  }
0x14: {  	s2 =	sld [smem:$0x3F89];
	s0 =	simm.s32 @p1 $0x1  }
0x15: {  	[smem:$0x3FA6] =	sst s0;
	s0 =	simm.s32 @!p2 $0x0  }
0x16: {  	s3 =	sld [smem:$0x3FDB];
	s0 =	simm.s32 @p2 $0x1  }
0x17: {  	s4 =	simm.s32 $0x1BF5;
	[smem:$0x3FA8] =	sst s0  }
0x18: {  	s0 =	sld [smem:$0x3F8B];
	_ =	swait.ge [sflag:s4], $0x0  }
0x19: {  	s7 =	sld [smem:$0x3F8C]  }
0x1a: {  	s8 =	sadd.s32 $0xFFFFE003, lr  }
0x1b: {  	s9 =	sadd.s32 $0xFFFFFEF7, lr;
	s5 =	simm.s32 $0xFFFFFFFF;
	p2 =	slt.u32 s8, $0xFFFFF086  }
0x1c: {  	p1 =	slt.u32 s9, $0xF7A;
	s5 =	simm.s32 @!p2 $0x0  }
0x1d: {  	s5 =	simm.s32 @p1 $0x1;
	p0 =	seq.s32 s7, s2  }
0x1e: {  	s7 =	smul.u32 @!p0 $0xF7A, s2;
	p2 =	seq.s32 @!p0 s5, $0x0  }
0x1f: {  	s9 =	smul.u32 $0xF7A, s1;
	s8 =	simm.s32 @!p0 $0x1BF5;
	p2 =	por !p2, p0  }
0x20: {  	[sflag:s8] =	ssyncset.s32 @!p0 $0xFFFFF086;
	s6 =	sadd.s32 @!p0 s3, s7;
	s7 =	simm.s32 @!p0 $0x108  }
0x21: {  	s3 =	sadd.s32 s3, s9;
	s6 =	sadd.s32 @!p0 $0x88, s6;
	s7 =	simm.s32 @p2 $0x1082  }
0x22: {  	[simem:s7], [sflag:s8] =	dma.local @!p0 [hbm:s6], $0xF7A  }
0x23: {  	s9 =	sor.u32 $0xD0000000, s2;
	s6 =	simm.s32 $0x108;
	_ =	swait.ge @!p0 [sflag:s8], $0x0  }
0x24: {  	s3 =	sadd.s32 $0x88, s3;
	s6 =	simm.s32 @!p1 $0x1082;
	[sflag:s4] =	ssyncset.s32 $0xFFFFF086  }
0x25: {  	[simem:s6], [sflag:s4] =	dma.local [hbm:s3], $0xF7A  }
0x26: {  	[smem:$0x3F8C] =	sst s1;
	(tag) =	ssettag s2;
	_ =	strace s9  }
0x27: {  	s1 =	sld [smem:$0x3F9C]  }
0x28: {  	s2 =	sld [smem:$0x3F9D]  }
0x29: {  	s4 =	sld [smem:$0x3F9F]  }
0x2a: {  	p0 =	seq.s32 s5, $0x0;
	s5 =	sld [smem:$0x3FA0]  }
0x2b: {  	s6 =	sld [smem:$0x3FA1]  }
0x2c: {  	s7 =	sld [smem:$0x3FA2]  }
0x2d: {  	s3 =	simm.s32 $0x108;
	s8 =	sld [smem:$0x3FA3]  }
0x2e: {  	s3 =	simm.s32 @!p0 $0x1082;
	s9 =	sld [smem:$0x3FA4]  }
0x2f: {  	lr =	sadd.s32 s0, s3;
	s0 =	sld [smem:$0x3F9B]  }
0x30: {  	s3 =	sld [smem:$0x3F9E]  }
0x31: {  	[smem:$0x3FA7] =	sst s10  }
0x32: {  	s10 =	sld [smem:$0x3FA5];
	_ =	sdelay $0x3  }
0x33: {  	p0 =	seq.s32 s10, $0x1;
	s10 =	sld [smem:$0x3FA7];
	_ =	sdelay $0x3  }
0x34: {  	[smem:$0x3FA7] =	sst s10  }
0x35: {  	s10 =	sld [smem:$0x3FA6];
	_ =	sdelay $0x3  }
0x36: {  	p1 =	seq.s32 s10, $0x1;
	s10 =	sld [smem:$0x3FA7];
	_ =	sdelay $0x3  }
0x37: {  	[smem:$0x3FA7] =	sst s10  }
0x38: {  	s10 =	sld [smem:$0x3FA8]  }
0x39: {  	_ = 	snop;
	(pc) =	sbr.ind lr, $3  }
0x3a: {  	_ = 	snop  }
0x3b: {  	_ = 	snop  }
0x3c: {  	p2 =	seq.s32 s10, $0x1;
	s10 =	sld [smem:$0x3FA7]  }
0x3d: {  	_ =	shalt  }
0x3e: {  	_ =	shalt  }
0x3f: {  	_ =	shalt  }
0x40: {  	_ =	shalt  }
0x41: {  	_ =	shalt  }
0x42: {  	_ =	shalt  }
0x43: {  	_ =	shalt  }
0x44: {  	_ =	shalt  }
0x45: {  	_ =	shalt  }
0x46: {  	_ =	shalt  }
0x47: {  	_ =	shalt  }
0x48: {  	_ =	shalt  }
0x49: {  	_ =	shalt  }
0x4a: {  	_ =	shalt  }
0x4b: {  	_ =	shalt  }
0x4c: {  	_ =	shalt  }
0x4d: {  	_ =	shalt  }
0x4e: {  	_ =	shalt  }
0x4f: {  	_ =	shalt  }
0x50: {  	_ =	shalt  }
0x51: {  	_ =	shalt  }
0x52: {  	_ =	shalt  }
0x53: {  	_ =	shalt  }
0x54: {  	_ =	shalt  }
0x55: {  	_ =	shalt  }
0x56: {  	_ =	shalt  }
0x57: {  	_ =	shalt  }
0x58: {  	_ =	shalt  }
0x59: {  	_ =	shalt  }
0x5a: {  	_ =	shalt  }
0x5b: {  	_ =	shalt  }
0x5c: {  	_ =	shalt  }
0x5d: {  	_ =	shalt  }
0x5e: {  	_ =	shalt  }
0x5f: {  	_ =	shalt  }
0x60: {  	_ =	shalt  }
0x61: {  	_ =	shalt  }
0x62: {  	_ =	shalt  }
0x63: {  	_ =	shalt  }
0x64: {  	_ =	shalt  }
0x65: {  	_ =	shalt  }
0x66: {  	_ =	shalt  }
0x67: {  	_ =	shalt  }
0x68: {  	_ =	shalt  }
0x69: {  	_ =	shalt  }
0x6a: {  	_ =	shalt  }
0x6b: {  	_ =	shalt  }
0x6c: {  	_ =	shalt  }
0x6d: {  	_ =	shalt  }
0x6e: {  	_ =	shalt  }
0x6f: {  	_ =	shalt  }
0x70: {  	_ =	shalt  }
0x71: {  	_ =	shalt  }
0x72: {  	_ =	shalt  }
0x73: {  	_ =	shalt  }
0x74: {  	_ =	shalt  }
0x75: {  	_ =	shalt  }
0x76: {  	_ =	shalt  }
0x77: {  	_ =	shalt  }
0x78: {  	_ =	shalt  }
0x79: {  	_ =	shalt  }
0x7a: {  	_ =	shalt  }
0x7b: {  	_ =	shalt  }
0x7c: {  	_ =	shalt  }
0x7d: {  	_ =	shalt  }
0x7e: {  	_ =	shalt  }
0x7f: {  	_ =	shalt  }
0x80: {  	_ =	shalt  }
0x81: {  	_ =	shalt  }
0x82: {  	_ =	shalt  }
0x83: {  	_ =	shalt  }
0x84: {  	_ =	shalt  }
0x85: {  	_ =	shalt  }
0x86: {  	_ =	shalt  }
0x87: {  	_ =	shalt  }
.Lfunc_end0:
.L_simem_size_0:
called_computation_lowered:
.L_overlay_start_0:
0x88: {  	s2 =	sld [smem:$0x3FD9]  }
0x89: {  	s3 =	sld [smem:$0x3FFE];
	_ =	sdelay $0x1  }
0x8a: {  	s1 =	srdreg.scid  }
0x8b: {  	s0 =	sand.u32 $0x1, s1  }
0x8c: {  	s17 =	sshll.u32 s0, $0xA;
	s2 =	sadd.s32 s3, s2  }
0x8d: {  	s2 =	sadd.s32 s2, s17  }
0x8e: {  	[smem:$0x3FB3] =	sst s2  }
0x8f: {  	_ = 	snop  }
0x90: {  	s2 =	sld [smem:$0x3FC9];
	(tm) =	ssettm $0x1  }
0x91: {  	s18 =	sld [smem:$0x3FFB];
	_ =	sdelay $0x3  }
0x92: {  	_ =	strace s18  }
0x93: {  	s3 =	sld [smem:$0x3FFC];
	_ =	sdelay $0x3  }
0x94: {  	_ =	strace s3  }
0x95: {  	s3 =	sld [smem:$0x3FFD];
	_ =	sdelay $0x3  }
0x96: {  	_ =	strace s3  }
0x97: {  	_ =	strace $0x8FFFFFFF  }
0x98: {  	s19 =	sld [smem:$0x3FDB];
	_ =	sdelay $0x1  }
0x99: {  	s4 =	simm.s32 $_scs_section_size  }
0x9a: {  	s5 =	simm.s32 $_size__tile_overlayer_lowered;
	s6 =	simm.s32 $_tile_overlayer_lowered  }
0x9b: {  	s22 =	simm.s32 $0x1BFF;
	s21 =	sshll.u32 s6, $0x1;
	s3 =	sadd.s32 s4, s19  }
0x9c: {  	s7 =	simm.s32 $0x0;
	s20 =	sshll.u32 s5, $0x1;
	s5 =	sadd.s32 s21, s3  }
0x9d: {  	[timem:s7], [sflag:s22] =	dma.local [hbm:s5], s20  }
0x9e: {  	_ =	swait.ge [sflag:s22], s20  }
0x9f: {  	s4 =	ssub.s32 $0x0, s20;
	[sflag:s22] =	ssyncset.done $0x0  }
0xa0: {  	[sflag:s22] =	ssyncadd.s32 s4;
	_ =	sdelay $0x1  }
0xa1: {  	s23 =	simm.s32 $0x1B8B  }
0xa2: {  	_ =	swait.ge [sflag:s23], $0x1  }
0xa3: {  	[sflag:s23] =	ssyncset.done $0x0  }
0xa4: {  	s25 =	simm.s32 $0x1B8E;
	s24 =	sld [smem:$0x3FFE];
	[sflag:s23] =	ssyncadd.s32 $0xFFFFFFFF  }
0xa5: {  	s26 =	simm.s32 $execute0_lowered;
	[smem:$0x3FD2] =	sst s25  }
0xa6: {  	s5 =	sshll.u32 s26, $0x1;
	_ =	strace $0x80000046;
	[dreg:$0x1] =	wrdreg $0xFFFFFFFF  }
0xa7: {  	s28 =	simm.s32 $_size_execute0_lowered;
	s3 =	sadd.s32 s3, s5;
	[dreg:$0x0] =	wrdreg $0x0  }
0xa8: {  	s5 =	sshll.u32 s28, $0x1;
	[dreg:$0x2] =	wrdreg s3  }
0xa9: {  	[dreg:$0x3] =	wrdreg s5  }
0xaa: {  	[dreg:$0x4] =	wrdreg $0xC0  }
0xab: {  	_ =	task [dreg:s7], $0x5FFFF  }
0xac: {  	[dreg:$0x1] =	wrdreg $0xFFFFFFFF  }
0xad: {  	[dreg:$0x0] =	wrdreg $0x60  }
0xae: {  	[dreg:$0x2] =	wrdreg s2  }
0xaf: {  	[dreg:$0x3] =	wrdreg s24  }
0xb0: {  	[dreg:$0x4] =	wrdreg $0xA9000  }
0xb1: {  	[dreg:$0x5] =	wrdreg $0x9  }
0xb2: {  	_ =	task.clear_ibuf [dreg:s7], $0x6FFFF;
	_ =	strace $0x90000046  }
0xb3: {  	s29 =	simm.s32 $0x9;
	_ =	strace $0x80000048  }
0xb4: {  	_ =	swait.ge [sflag:s29], $0x1  }
0xb5: {  	[sflag:s29] =	ssyncadd.s32 $0xFFFFFFFF  }
0xb6: {  	_ =	strace $0x90000048  }
0xb7: {  	_ =	sfence  }
0xb8: {  	s30 =	sld [smem:$0x0];
	_ =	sdelay $0x2  }
0xb9: {  	s31 =	sshll.u32 s1, $0xD;
	s1 =	sshrl.u32 s1, $0x2  }
0xba: {  	s3 =	sand.u32 $0x4000, s31;
	s1 =	sadd.s32 s1, s30  }
0xbb: {  	s0 =	sor.u32 s3, s0;
	s1 =	sshll.u32 s1, $0x11  }
0xbc: {  	s0 =	sor.u32 s1, s0  }
0xbd: {  	s0 =	sadd.s32 $0x8F2B, s0  }
0xbe: {  	[sflag:s0] =	ssyncadd.remote.s32 $0x1  }
0xbf: {  	_ =	sfence.sel $0xFFFF  }
0xc0: {  	[dreg:$0x0] =	wrdreg $0xFFFFFFFF;
	(pc) =	sbr.abs _section_cstart, $3  }
0xc1: {  	[dreg:$0x1] =	wrdreg $0xFFFFFFFF  }
0xc2: {  	_ =	task.clear_ibuf [dreg:s7], $0x2FFFF;
	_ =	strace $0x9FFFFFFF  }
0xc3: {  	(tm) =	ssettm $0x7FFFFFFF  }
tec
execute0_lowered:
.L_overlay_start_1:
0x0: {  	(tag) =	ssettag $0x1  }
0x1: {  	s0 =	rddreg [dreg:$0x0]  }
0x2: {  	s1 =	rddreg [dreg:$0x1]  }
0x3: {  	s2 =	srdreg.scid;
	s12 =	stileid.u32  }
0x4: {  	s3 =	rddreg [dreg:$0x2];
	s6 =	simm.s32 $0x0;
	s28 =	simm.s32 $0x6900  }
0x5: {  	s29 =	simm.s32 $0x6;
	s30 =	simm.s32 $0x2;
	s31 =	simm.s32 $0x4  }
0x6: {  	s2 =	sand.u32 $0x1, s2;
	s4 =	sshll.u32 s12, $0x1;
	s8 =	smul.u32 $0x50000, s12  }
0x7: {  	[smem:$0x7FF] =	sst s6;
	s10 =	sadd.s32 $0x5200, s1;
	s23 =	smul.u32 $0x4E00, s12  }
0x8: {  	p0 =	seq.s32 s12, $0x0;
	s26 =	smul.u32 $0x2800, s12;
	s4 =	sor.u32 s2, s4  }
0x9: {  	_ =	strace $0x80000047;
	s17 =	ssub.s32 $0x2, s2;
	s25 =	smul.u32 $0x2700, s2  }
0xa: {  	s5 =	smin.u32 s4, $0x2;
	s4 =	smul.u32 $0x2700, s4;
	s8 =	sshrl.u32 s8, $0x2  }
0xb: {  	s11 =	sshrl.u32 s17, $0x1;
	s7 =	sshll.u32 s5, $0x8;
	s6 =	sadd.s32 s8, s3  }
0xc: {  	s5 =	simm.s32 $0x50;
	s11 =	ssub.s32 s17, s11;
	s20 =	sadd.s32 $0x4000, s6  }
0xd: {  	s4 =	sadd.s32 s4, s7;
	s21 =	sadd.s32 $0x8000, s6;
	[dreg:$0x8] =	wrdreg s20  }
0xe: {  	s5 =	simm.s32 @!p0 $0x4E;
	s22 =	sadd.s32 $0xC000, s6;
	[dreg:$0x9] =	wrdreg s21  }
0xf: {  	s24 =	sadd.s32 $0x10000, s6;
	p0 =	seq.s32 s2, $0x1;
	[dreg:$0xa] =	wrdreg s22  }
0x10: {  	s11 =	smax.u32 s11, $0x1;
	s4 =	sshrl.u32 s4, $0x3;
	[dreg:$0xb] =	wrdreg s24  }
0x11: {  	[dreg:$0xc] =	wrdreg s11;
	s15 =	sshll.u32 s5, $0x4;
	s9 =	sadd.s32 s4, s1  }
0x12: {  	s13 =	sadd.s32 s10, s4;
	s4 =	sadd.s32 s25, s23;
	s18 =	sadd.s32 $0xF000, s9  }
0x13: {  	s19 =	sadd.s32 $0xF4E0, s9;
	s14 =	sadd.s32 $0x10, s13;
	[dreg:$0x6] =	wrdreg s18  }
0x14: {  	s9 =	simm.s32 $0x40E00;
	s16 =	sadd.s32 $0x20, s13;
	[dreg:$0x7] =	wrdreg s19  }
0x15: {  	s4 =	sadd.s32 s7, s4;
	s7 =	simm.s32 $0x0;
	[dreg:$0xd] =	wrdreg s14  }
0x16: {  	s9 =	simm.s32 @!p0 $0x18E00;
	s18 =	sadd.s32 $0x300, s4;
	s19 =	sadd.s32 $0xFFFFFFC0, s15  }
0x17: {  	s22 =	sadd.s32 $0x280, s4;
	s24 =	sadd.s32 $0x180, s4;
	s4 =	sadd.s32 $0x200, s4  }
0x18: {  	p0 =	sne.s32 s12, $0x0;
	s1 =	sadd.s32 s9, s1;
	s20 =	sshrl.u32 s18, $0x3  }
0x19: {  	[dreg:$0x4] =	wrdreg s19;
	s23 =	sshrl.u32 s22, $0x3;
	s2 =	sshrl.u32 s24, $0x3  }
0x1a: {  	s22 =	simm.s32 $0x2900;
	s24 =	simm.s32 $0x2800;
	s17 =	sadd.s32 s1, s26  }
0x1b: {  	s21 =	sadd.s32 s20, s10;
	s1 =	sadd.s32 s23, s10;
	s25 =	sadd.s32 s2, s10  }
0x1c: {  	s26 =	sshrl.u32 s4, $0x3;
	s23 =	simm.s32 $0x8;
	s4 =	simm.s32 $0x3  }
0x1d: {  	s2 =	simm.s32 $0x5;
	s18 =	sadd.s32 $0xFFFFFFE0, s21;
	s19 =	sadd.s32 $0xFFFFFFE0, s1  }
0x1e: {  	[dreg:$0x5] =	wrdreg s25;
	s20 =	sadd.s32 s26, s10;
	s21 =	simm.s32 $0x1  }
0x1f: {  	v0 =	vimm.f32 $0.0e+00;
	s25 =	simm.s32 $0x80;
	s26 =	simm.s32 $0x2880;
	s1 =	simm.s32 $0x7  }
.LBB2_1:
0x20: {  	s8 =	simm.s32 $0x0;
	s9 =	rddreg [dreg:$0x6]  }
0x21: {  	[tilespmem:s8], [sflag:$0x1] =	stream.linear.gather [hbm4b:s9+s8], $0x2700, $0x38;
	[tilespmem:$0x1E900] =	vst v63  }
0x22: {  	_ =	swait.ge [sflag:s21], $0x2700  }
0x23: {  	s8 =	simm.s32 @!p0 $0x0;
	[sflag:s21] =	ssyncset.done $0x0  }
0x24: {  	s9 =	simm.s32 @!p0 $0x2700;
	s10 =	rddreg [dreg:$0x7];
	[sflag:s21] =	ssyncadd.s32 $0xFFFFD900  }
0x25: {  	[tilespmem:s9], [sflag:$0x1] =	stream.linear.gather @!p0 [hbm4b:s10+s8], $0x100, $0x38;
	[tilespmem:$0x1E900] =	vst v63  }
0x26: {  	s8 =	simm.s32 @!p0 $0x1  }
0x27: {  	_ =	swait.ge @!p0 [sflag:s8], $0x100  }
0x28: {  	[sflag:s8] =	ssyncset.done @!p0 $0x0  }
0x29: {  	s9 =	simm.s32 $0x200;
	[sflag:s8] =	ssyncadd.s32 @!p0 $0xFFFFFF00;
	s8 =	simm.s32 $0x0  }
.LBB2_2:
0x2a: {  	p1 =	sne.s32 s9, $0xFE00;
	[tilespmem:s8+$0x2970] =	vst v0  }
0x2b: {  	[tilespmem:s8+$0x2900] =	vst v0  }
0x2c: {  	[tilespmem:s8+$0x2910] =	vst v0  }
.Ltmp0:
0x2d: {  	[tilespmem:s8+$0x2920] =	vst v0;
	(pc) =	sbr.rel @p1 .LBB2_2-.Ltmp0, $4  }
0x2e: {  	[tilespmem:s8+$0x2930] =	vst v0  }
0x2f: {  	[tilespmem:s8+$0x2940] =	vst v0  }
0x30: {  	[tilespmem:s8+$0x2950] =	vst v0  }
0x31: {  	[tilespmem:s8+$0x2960] =	vst v0;
	s8 =	sshra.s32 s9, $0x2;
	s9 =	sadd.s32 $0x200, s9  }
0x32: {  	[tilespmem:s8+$0x2970] =	vst v0  }
0x33: {  	[tilespmem:s8+$0x2900] =	vst v0  }
0x34: {  	[tilespmem:s8+$0x2910] =	vst v0  }
0x35: {  	[tilespmem:s8+$0x2920] =	vst v0  }
0x36: {  	[tilespmem:s8+$0x2930] =	vst v0  }
0x37: {  	[tilespmem:s8+$0x2940] =	vst v0  }
0x38: {  	[tilespmem:s8+$0x2950] =	vst v0  }
0x39: {  	[tilespmem:s8+$0x2960] =	vst v0  }
0x3a: {  	[spmem:s6] =	stream.linear.scatter [tilespmem:s22], [sflag:$0x8], $0x4000, $0x38;
	[tilespmem:$0x1E900] =	vst v63  }
0x3b: {  	_ =	swait.ge [sflag:s23], $0x4000  }
0x3c: {  	[sflag:s23] =	ssyncset.done $0x0  }
0x3d: {  	s11 =	rddreg [dreg:$0x8];
	[sflag:s23] =	ssyncadd.s32 $0xFFFFC000  }
0x3e: {  	[spmem:s11] =	stream.linear.scatter [tilespmem:s22], [sflag:$0x8], $0x4000, $0x38;
	[tilespmem:$0x1E900] =	vst v63  }
0x3f: {  	_ =	swait.ge [sflag:s23], $0x4000  }
0x40: {  	[sflag:s23] =	ssyncset.done $0x0  }
0x41: {  	s12 =	rddreg [dreg:$0x9];
	[sflag:s23] =	ssyncadd.s32 $0xFFFFC000  }
0x42: {  	[spmem:s12] =	stream.linear.scatter [tilespmem:s22], [sflag:$0x8], $0x4000, $0x38;
	[tilespmem:$0x1E900] =	vst v63  }
0x43: {  	_ =	swait.ge [sflag:s23], $0x4000  }
0x44: {  	[sflag:s23] =	ssyncset.done $0x0  }
0x45: {  	s14 =	rddreg [dreg:$0xa];
	[sflag:s23] =	ssyncadd.s32 $0xFFFFC000  }
0x46: {  	[spmem:s14] =	stream.linear.scatter [tilespmem:s22], [sflag:$0x8], $0x4000, $0x38;
	[tilespmem:$0x1E900] =	vst v63  }
0x47: {  	_ =	swait.ge [sflag:s23], $0x4000  }
0x48: {  	[sflag:s23] =	ssyncset.done $0x0  }
0x49: {  	s15 =	rddreg [dreg:$0xb];
	[sflag:s23] =	ssyncadd.s32 $0xFFFFC000  }
0x4a: {  	[spmem:s15] =	stream.linear.scatter [tilespmem:s22], [sflag:$0x8], $0x4000, $0x38;
	[tilespmem:$0x1E900] =	vst v63  }
0x4b: {  	_ =	swait.ge [sflag:s23], $0x4000  }
0x4c: {  	[sflag:s23] =	ssyncset.done $0x0  }
0x4d: {  	[sflag:s23] =	ssyncadd.s32 $0xFFFFC000  }
0x4e: {  	s8 =	simm.s32 $0x0;
	[bflag:$0x0] =	sbarrier.arrive $0xFFFF  }
0x4f: {  	[tilespmem:s24], [sflag:$0x6] =	stream.linear.gather [hbm4b:s13+s8], $0x80, $0x38;
	[tilespmem:$0x1E900] =	vst v63  }
0x50: {  	_ = 	snop  }
0x51: {  	[tilespmem:s22], [sflag:$0x2] =	stream.indirect.gather [hbm4b:s0+s25], $0x80, s8, s25, $0xb8;
	[tilespmem:$0x1E900] =	vst v63  }
0x52: {  	s9 =	rddreg [dreg:$0xd]  }
0x53: {  	[tilespmem:s26], [sflag:$0x7] =	stream.linear.gather [hbm4b:s9+s8], $0x80, $0x38;
	[tilespmem:$0x1E900] =	vst v63  }
0x54: {  	_ = 	snop  }
0x55: {  	[tilespmem:s28], [sflag:$0x3] =	stream.indirect.gather [hbm4b:s0+s25], $0x80, s25, s25, $0xb8;
	[tilespmem:$0x1E900] =	vst v63  }
0x56: {  	_ =	swait.ge [sflag:s29], $0x80  }
0x57: {  	[sflag:s29] =	ssyncset.done $0x0  }
0x58: {  	[sflag:s29] =	ssyncadd.s32 $0xFFFFFF80  }
0x59: {  	_ =	swait.ge [sflag:s30], $0x4000  }
0x5a: {  	[sflag:s30] =	ssyncset.done $0x0  }
0x5b: {  	s9 =	simm.s32 $0x4;
	[sflag:s30] =	ssyncadd.s32 $0xFFFFC000  }
0x5c: {  	[spmem:s3] =	stream.indirect.scatter.add.f32 [tilespmem:s22], [sflag:$0x4], $0x80, s24, s25, $0xb8;
	[tilespmem:$0x1E900] =	vst v63  }
0x5d: {  	_ =	swait.ge [sflag:s9], $0x4000  }
0x5e: {  	[sflag:s9] =	ssyncset.done $0x0  }
0x5f: {  	[sflag:s9] =	ssyncadd.s32 $0xFFFFC000  }
0x60: {  	[tilespmem:s24], [sflag:$0x6] =	stream.linear.gather [hbm4b:s16+s8], $0x80, $0x38;
	[tilespmem:$0x1E900] =	vst v63  }
0x61: {  	s10 =	simm.s32 $0x100  }
0x62: {  	[tilespmem:s22], [sflag:$0x2] =	stream.indirect.gather [hbm4b:s0+s25], $0x80, s10, s25, $0xb8;
	[tilespmem:$0x1E900] =	vst v63  }
0x63: {  	_ =	swait.ge [sflag:s1], $0x80  }
0x64: {  	[sflag:s1] =	ssyncset.done $0x0  }
0x65: {  	[sflag:s1] =	ssyncadd.s32 $0xFFFFFF80  }
0x66: {  	_ =	swait.ge [sflag:s4], $0x4000  }
0x67: {  	[sflag:s4] =	ssyncset.done $0x0  }
0x68: {  	s11 =	simm.s32 $0x200;
	[sflag:s4] =	ssyncadd.s32 $0xFFFFC000  }
0x69: {  	[spmem:s3] =	stream.indirect.scatter.add.f32 [tilespmem:s28], [sflag:$0x5], $0x80, s26, s25, $0xb8;
	[tilespmem:$0x1E900] =	vst v63  }
.LBB2_4:
0x6a: {  	_ =	swait.ge [sflag:s2], $0x4000;
	s12 =	sadd.s32 $0xFFFFFFFF, s9  }
0x6b: {  	s10 =	rddreg [dreg:$0x5];
	[sflag:s2] =	ssyncset.done $0x0;
	p1 =	sge.u32 s12, s5  }
0x6c: {  	[sflag:s2] =	ssyncadd.s32 $0xFFFFC000;
	s12 =	sadd.s32 @!p1 s8, s10  }
0x6d: {  	s14 =	simm.s32 @!p1 $0x0;
	s15 =	simm.s32 @!p1 $0x2880;
	s10 =	smov.u32 s11  }
0x6e: {  	[tilespmem:s15], [sflag:$0x7] =	stream.linear.gather @!p1 [hbm4b:s12+s14], $0x80, $0x38;
	[tilespmem:$0x1E900] =	vst v63  }
0x6f: {  	s11 =	sadd.s32 @!p1 $0xFFFFFF80, s11;
	s12 =	simm.s32 @!p1 $0x80;
	s14 =	simm.s32 @!p1 $0x6900  }
0x70: {  	[tilespmem:s14], [sflag:$0x3] =	stream.indirect.gather @!p1 [hbm4b:s0+s12], $0x80, s11, s12, $0xb8;
	[tilespmem:$0x1E900] =	vst v63  }
0x71: {  	_ =	swait.ge [sflag:s29], $0x80  }
0x72: {  	[sflag:s29] =	ssyncset.done $0x0  }
0x73: {  	[sflag:s29] =	ssyncadd.s32 $0xFFFFFF80  }
0x74: {  	_ =	swait.ge [sflag:s30], $0x4000  }
0x75: {  	[sflag:s30] =	ssyncset.done $0x0  }
0x76: {  	[sflag:s30] =	ssyncadd.s32 $0xFFFFC000  }
0x77: {  	[spmem:s3] =	stream.indirect.scatter.add.f32 [tilespmem:s22], [sflag:$0x4], $0x80, s24, s25, $0xb8;
	[tilespmem:$0x1E900] =	vst v63  }
0x78: {  	p1 =	sge.u32 s9, s5;
	_ =	swait.ge [sflag:s31], $0x4000  }
0x79: {  	s11 =	sadd.s32 @!p1 s8, s20;
	[sflag:s31] =	ssyncset.done $0x0  }
0x7a: {  	s12 =	simm.s32 @!p1 $0x0;
	s14 =	simm.s32 @!p1 $0x2800;
	[sflag:s31] =	ssyncadd.s32 $0xFFFFC000  }
0x7b: {  	[tilespmem:s14], [sflag:$0x6] =	stream.linear.gather @!p1 [hbm4b:s11+s12], $0x80, $0x38;
	[tilespmem:$0x1E900] =	vst v63  }
0x7c: {  	s11 =	simm.s32 @!p1 $0x80;
	s12 =	simm.s32 @!p1 $0x2900  }
0x7d: {  	[tilespmem:s12], [sflag:$0x2] =	stream.indirect.gather @!p1 [hbm4b:s0+s11], $0x80, s10, s11, $0xb8;
	[tilespmem:$0x1E900] =	vst v63  }
0x7e: {  	_ =	swait.ge [sflag:s1], $0x80  }
0x7f: {  	[sflag:s1] =	ssyncset.done $0x0  }
0x80: {  	[sflag:s1] =	ssyncadd.s32 $0xFFFFFF80  }
0x81: {  	_ =	swait.ge [sflag:s4], $0x4000  }
0x82: {  	s8 =	sadd.s32 $0x20, s8;
	s15 =	rddreg [dreg:$0x4]  }
0x83: {  	p1 =	sne.s32 s15, s8  }
.Ltmp1:
0x84: {  	_ = 	snop;
	(pc) =	sbr.rel @p1 .LBB2_4-.Ltmp1, $4  }
0x85: {  	_ = 	snop  }
0x86: {  	[sflag:s4] =	ssyncset.done $0x0  }
0x87: {  	s9 =	sadd.s32 $0x2, s9;
	s11 =	sadd.s32 $0x100, s10;
	[sflag:s4] =	ssyncadd.s32 $0xFFFFC000  }
0x88: {  	[spmem:s3] =	stream.indirect.scatter.add.f32 [tilespmem:s28], [sflag:$0x5], $0x80, s26, s25, $0xb8;
	[tilespmem:$0x1E900] =	vst v63  }
0x89: {  	_ =	swait.ge [sflag:s2], $0x4000  }
0x8a: {  	s12 =	sadd.s32 $0xFFFFFFFF, s9;
	[sflag:s2] =	ssyncset.done $0x0  }
0x8b: {  	p1 =	sge.u32 s12, s5;
	[sflag:s2] =	ssyncadd.s32 $0xFFFFC000  }
0x8c: {  	s12 =	sadd.s32 @!p1 s8, s19;
	s14 =	simm.s32 @!p1 $0x0;
	s15 =	simm.s32 @!p1 $0x2880  }
0x8d: {  	[tilespmem:s15], [sflag:$0x7] =	stream.linear.gather @!p1 [hbm4b:s12+s14], $0x80, $0x38;
	[tilespmem:$0x1E900] =	vst v63  }
0x8e: {  	s10 =	sadd.s32 @!p1 $0x80, s10;
	s12 =	simm.s32 @!p1 $0x80;
	s14 =	simm.s32 @!p1 $0x6900  }
0x8f: {  	[tilespmem:s14], [sflag:$0x3] =	stream.indirect.gather @!p1 [hbm4b:s0+s12], $0x80, s10, s12, $0xb8;
	[tilespmem:$0x1E900] =	vst v63  }
0x90: {  	_ =	swait.ge [sflag:s29], $0x80  }
0x91: {  	[sflag:s29] =	ssyncset.done $0x0  }
0x92: {  	[sflag:s29] =	ssyncadd.s32 $0xFFFFFF80  }
0x93: {  	_ =	swait.ge [sflag:s30], $0x4000  }
0x94: {  	[sflag:s30] =	ssyncset.done $0x0  }
0x95: {  	[sflag:s30] =	ssyncadd.s32 $0xFFFFC000  }
0x96: {  	[spmem:s3] =	stream.indirect.scatter.add.f32 [tilespmem:s22], [sflag:$0x4], $0x80, s24, s25, $0xb8;
	[tilespmem:$0x1E900] =	vst v63  }
0x97: {  	p1 =	sge.u32 s9, s5;
	_ =	swait.ge [sflag:s31], $0x4000  }
0x98: {  	s8 =	sadd.s32 @!p1 s8, s18;
	[sflag:s31] =	ssyncset.done $0x0  }
0x99: {  	s9 =	simm.s32 @!p1 $0x0;
	s10 =	simm.s32 @!p1 $0x2800;
	[sflag:s31] =	ssyncadd.s32 $0xFFFFC000  }
0x9a: {  	[tilespmem:s10], [sflag:$0x6] =	stream.linear.gather @!p1 [hbm4b:s8+s9], $0x80, $0x38;
	[tilespmem:$0x1E900] =	vst v63  }
0x9b: {  	s8 =	simm.s32 @!p1 $0x80;
	s9 =	simm.s32 @!p1 $0x2900  }
0x9c: {  	[tilespmem:s9], [sflag:$0x2] =	stream.indirect.gather @!p1 [hbm4b:s0+s8], $0x80, s11, s8, $0xb8;
	[tilespmem:$0x1E900] =	vst v63  }
0x9d: {  	_ =	swait.ge [sflag:s1], $0x80  }
0x9e: {  	[sflag:s1] =	ssyncset.done $0x0  }
0x9f: {  	[sflag:s1] =	ssyncadd.s32 $0xFFFFFF80  }
0xa0: {  	_ =	swait.ge [sflag:s4], $0x4000  }
0xa1: {  	[sflag:s4] =	ssyncset.done $0x0  }
0xa2: {  	[sflag:s4] =	ssyncadd.s32 $0xFFFFC000  }
0xa3: {  	[spmem:s3] =	stream.indirect.scatter.add.f32 [tilespmem:s28], [sflag:$0x5], $0x80, s26, s25, $0xb8;
	[tilespmem:$0x1E900] =	vst v63  }
0xa4: {  	_ =	swait.ge [sflag:s2], $0x4000  }
0xa5: {  	s12 =	stileid.u32;
	[sflag:s2] =	ssyncset.done $0x0  }
0xa6: {  	s8 =	sshll.u32 s12, $0x6;
	[sflag:s2] =	ssyncadd.s32 $0xFFFFC000  }
0xa7: {  	s14 =	sshrl.u32 s6, $0x3;
	s8 =	sor.u32 $0x1C08, s8;
	[bflag:$0x0] =	sbarrier.arrive $0xFFFF  }
0xa8: {  	[hbm:s17], [sflag:s8] =	dma.local [spmem:s14], $0x2800  }
0xa9: {  	_ =	swait.ge [sflag:s23], $0x2800  }
0xaa: {  	s7 =	sadd.s32 $0x1, s7;
	s15 =	rddreg [dreg:$0xc]  }
0xab: {  	p1 =	sne.s32 s7, s15  }
.Ltmp2:
0xac: {  	_ = 	snop;
	(pc) =	sbr.rel @p1 .LBB2_1-.Ltmp2, $3  }
0xad: {  	_ =	sdelay $0x1  }
0xae: {  	[sflag:s23] =	ssyncset.done $0x0  }
0xaf: {  	[sflag:s23] =	ssyncadd.s32 $0xFFFFD800  }
0xb0: {  	_ =	sfence.sel $0x180000  }
0xb1: {  	[bflag:$0x0] =	sbarrier.arrive $0xFFFF  }
0xb2: {  	_ =	strace $0x90000047  }
0xb3: {  	[bflag:$0x2] =	sbarrier.arrive $0xFFFF  }
0xb4: {  	s0 =	rddreg [dreg:$0x3]  }
0xb5: {  	s0 =	sadd.s32 @!p0 $0x100000, s0  }
0xb6: {  	[sflag:s0] =	ssyncadd.tile.s32 @!p0 $0x1;
	_ =	shalt  }
.Lfunc_end2:
_tile_overlayer_lowered:
.L_overlay_start_2:
0xb7: {  	(tag) =	ssettag $0x2  }
0xb8: {  	s0 =	rddreg [dreg:$0x0];
	s2 =	stileid.u32  }
0xb9: {  	s1 =	rddreg [dreg:$0x1];
	p0 =	sne.s32 s2, $0x0  }
0xba: {  	s3 =	rddreg [dreg:$0x2];
	[bflag:$0x3] =	sbarrier.arrive $0xFFFF;
	s2 =	simm.s32 @!p0 $0x1C08  }
0xbb: {  	[timem:s3], [sflag:s2] =	dma.local @!p0 [hbm:s0], s1  }
0xbc: {  	s0 =	simm.s32 @!p0 $0x8  }
0xbd: {  	_ =	swait.ge @!p0 [sflag:s0], s1  }
0xbe: {  	s1 =	ssub.s32 @!p0 $0x0, s1;
	[sflag:s0] =	ssyncset.done @!p0 $0x0  }
0xbf: {  	[sflag:s0] =	ssyncadd.s32 @!p0 s1  }
0xc0: {  	[bflag:$0x3] =	sbarrier.arrive $0xFFFF  }
0xc1: {  	_ =	shalt  }

</sc_bundles>
